<compile_context>
chip_gen: v7x
topology: tpu7x:2x2x1
jax: 0.10.2.dev20260603
libtpu: 0.0.44.dev20260713+nightly
codegen_flags: <defaults>
</compile_context>

<pallas_src>
import jax
import jax.numpy as jnp
from jax import lax
from jax.experimental import pallas as pl
from jax.experimental.pallas import tpu as pltpu
from jax.experimental.pallas import tpu_sc as plsc


def _scale_body(logits_ref, temp_ref, out_ref):
    inv = 1.0 + jnp.exp(-temp_ref[...])
    out_ref[...] = logits_ref[...] * inv


def _kernel_tc(logits, temp):
    B, V = logits.shape
    BV = 57344
    grid = (pl.cdiv(V, BV),)
    return pl.pallas_call(
        _scale_body,
        grid=grid,
        in_specs=[
            pl.BlockSpec((B, BV), lambda i: (0, i)),
            pl.BlockSpec((B, 1), lambda i: (0, 0)),
        ],
        out_specs=pl.BlockSpec((B, BV), lambda i: (0, i)),
        out_shape=jax.ShapeDtypeStruct((B, V), logits.dtype),
    )(logits, temp)



_NC, _NS, _L = 2, 16, 16
_CW = 6400
_NFULL = 156
_TW = 1664
_UNROLL = 8


def _sc_compute_slab(in_v, out_v, scales, width):
    for rr in range(8):
        sc = scales[rr]

        def inner(jo, carry, rr=rr, sc=sc):
            base = jo * (_L * _UNROLL)
            for u in range(_UNROLL):
                o = base + u * _L
                out_v[rr, pl.ds(o, _L)] = in_v[rr, pl.ds(o, _L)] * sc
            return carry

        lax.fori_loop(0, width // (_L * _UNROLL), inner, 0)


def _sc_body(logits_hbm, temp_hbm, out_hbm, temp_v, in_v, out_v):
    c = lax.axis_index("c")
    s = lax.axis_index("s")
    wid = s * _NC + c
    g = wid % 8
    q = wid // 8
    r0 = pl.multiple_of(g * 8, 8)
    pltpu.sync_copy(temp_hbm, temp_v)

    scales = []
    for rr in range(8):
        off = pl.multiple_of((g * 8 + rr) * _L, _L)
        tv = temp_v[pl.ds(off, _L)]
        scales.append(1.0 + jnp.exp(-tv))

    def do_slab(k, carry):
        off = pl.multiple_of((q + 4 * k) * _CW, 128)
        pltpu.sync_copy(logits_hbm.at[pl.ds(r0, 8), pl.ds(off, _CW)], in_v)
        _sc_compute_slab(in_v, out_v, scales, _CW)
        pltpu.sync_copy(out_v, out_hbm.at[pl.ds(r0, 8), pl.ds(off, _CW)])
        return carry

    lax.fori_loop(0, _NFULL // 4, do_slab, 0)

    @pl.when(q == 3)
    def _tail():
        off = pl.multiple_of(_NFULL * _CW, 128)
        src = logits_hbm.at[pl.ds(r0, 8), pl.ds(off, _TW)]
        pltpu.sync_copy(src, in_v.at[:, pl.ds(0, _TW)])
        _sc_compute_slab(in_v, out_v, scales, _TW)
        pltpu.sync_copy(out_v.at[:, pl.ds(0, _TW)],
                        out_hbm.at[pl.ds(r0, 8), pl.ds(off, _TW)])


def _kernel_sc(logits, temp):
    B, V = logits.shape
    f = pl.kernel(
        _sc_body,
        out_type=jax.ShapeDtypeStruct((B, V), logits.dtype),
        mesh=plsc.VectorSubcoreMesh(core_axis_name="c", subcore_axis_name="s"),
        scratch_types=[
            pltpu.VMEM((B * _L,), jnp.float32),
            pltpu.VMEM((8, _CW), jnp.float32),
            pltpu.VMEM((8, _CW), jnp.float32),
        ],
    )
    temp_rep = jnp.repeat(temp.reshape(B), _L)
    return f(logits, temp_rep)


def kernel(logits, temp):
    return _kernel_sc(logits, temp)

# --- scband reference (transcript-rebuilt; emitter-appended) ---
"""Pipeline reference for scband-relaxed-categorical-14903536517815 (READ-ONLY COPY).

The authoritative reference and input builder live on the scoring server;
editing this copy changes nothing except your own understanding.
"""

import jax, jax.numpy as jnp
import numpy as np

B = 64
V = 1000000

def setup_inputs(seed: int = 0) -> dict:
    key = jax.random.key(seed)
    k1, k2 = jax.random.split(key, 2)
    logits = jax.random.normal(k1, (B, V), dtype=jnp.float32)
    temp = jax.random.normal(k2, (B, 1), dtype=jnp.float32)
    return {"logits": logits, "temp": temp}

def reference(logits, temp):
    # Module is in training mode (torch default): forward((logits, temp)) applies the
    # learned-temperature scaling logits / sigmoid(temp) and returns the scaled logits.
    scaled = logits / jax.nn.sigmoid(temp)
    return scaled

if __name__ == "__main__":
    import jax
    _d = setup_inputs()
    print(jax.jit(kernel)(*tuple(_d.values())))

</pallas_src>

<mosaic_0001>
#map = affine_map<(d0, d1) -> (0, 0)>
#map1 = affine_map<(d0, d1) -> (0)>
module attributes {stable_mosaic.version = 14 : i64} {
  func.func @_sc_body(%arg0: i32, %arg1: i32, %arg2: memref<64x1000000xf32, #tpu.memory_space<hbm>>, %arg3: memref<1024xf32, #tpu.memory_space<hbm>>, %arg4: memref<64x1000000xf32, #tpu.memory_space<hbm>>, %arg5: memref<1024xf32, #tpu.memory_space<vmem>>, %arg6: memref<8x6400xf32, #tpu.memory_space<vmem>>, %arg7: memref<8x6400xf32, #tpu.memory_space<vmem>>) attributes {dimension_semantics = [#tpu.dimension_semantics<core_parallel>, #tpu.dimension_semantics<subcore_parallel>], iteration_bounds = array<i64: 2, 16>, scalar_prefetch = 0 : i64, scratch_operands = 3 : i64, tpu.core_type = #tpu.core_type<sc_vector_subcore>, window_params = [{transform_indices = #map}, {transform_indices = #map1}, {transform_indices = #map}]} {
    %mul3A = arith.constant 2 : i32
    %mul3A_0 = arith.muli %arg1, %mul3A : i32
    %add3A = arith.addi %mul3A_0, %arg0 : i32
    %jit3A = arith.constant 8 : i32
    %eq3A = arith.constant 0 : i32
    %eq3A_1 = arith.cmpi eq, %jit3A, %eq3A : i32
    %jit3A_2 = arith.constant 1 : i32
    %select_n3A = arith.select %eq3A_1, %jit3A_2, %jit3A : i32
    %rem3A = arith.remsi %add3A, %select_n3A : i32
    %ne3A = arith.constant 0 : i32
    %ne3A_3 = arith.cmpi ne, %rem3A, %ne3A : i32
    %lt3A = arith.constant 0 : i32
    %lt3A_4 = arith.cmpi slt, %rem3A, %lt3A : i32
    %lt3A_5 = arith.constant 0 : i32
    %lt3A_6 = arith.cmpi slt, %select_n3A, %lt3A_5 : i32
    %ne3A_7 = arith.xori %lt3A_4, %lt3A_6 : i1
    %and3A = arith.andi %ne3A_7, %ne3A_3 : i1
    %add3A_8 = arith.addi %rem3A, %select_n3A : i32
    %select_n3A_9 = arith.select %and3A, %add3A_8, %rem3A : i32
    %jit3A_10 = arith.constant 8 : i32
    %div3A = arith.divsi %add3A, %jit3A_10 : i32
    %sign3A = arith.constant 0 : i32
    %sign3A_11 = arith.cmpi sgt, %add3A, %sign3A : i32
    %sign3A_12 = arith.extui %sign3A_11 : i1 to i32
    %sign3A_13 = arith.constant 0 : i32
    %sign3A_14 = arith.cmpi slt, %add3A, %sign3A_13 : i32
    %sign3A_15 = arith.extui %sign3A_14 : i1 to i32
    %sign3A_16 = arith.subi %sign3A_12, %sign3A_15 : i32
    %sign3A_17 = arith.constant 0 : i32
    %sign3A_18 = arith.cmpi sgt, %jit3A_10, %sign3A_17 : i32
    %sign3A_19 = arith.extui %sign3A_18 : i1 to i32
    %sign3A_20 = arith.constant 0 : i32
    %sign3A_21 = arith.cmpi slt, %jit3A_10, %sign3A_20 : i32
    %sign3A_22 = arith.extui %sign3A_21 : i1 to i32
    %sign3A_23 = arith.subi %sign3A_19, %sign3A_22 : i32
    %ne3A_24 = arith.cmpi ne, %sign3A_16, %sign3A_23 : i32
    %rem3A_25 = arith.remsi %add3A, %jit3A_10 : i32
    %ne3A_26 = arith.constant 0 : i32
    %ne3A_27 = arith.cmpi ne, %rem3A_25, %ne3A_26 : i32
    %and3A_28 = arith.andi %ne3A_24, %ne3A_27 : i1
    %sub3A = arith.constant 1 : i32
    %sub3A_29 = arith.subi %div3A, %sub3A : i32
    %select_n3A_30 = arith.select %and3A_28, %sub3A_29, %div3A : i32
    %mul3A_31 = arith.constant 8 : i32
    %mul3A_32 = arith.muli %select_n3A_9, %mul3A_31 : i32
    %multiple_of3A = tpu.assume_multiple %mul3A_32, 8 : i32
    "tpu.region"() ({
      %run_scoped3A = tpu.sem_alloc : memref<!tpu.dma_semaphore, #tpu.memory_space<semaphore_mem>>
      tpu.enqueue_dma source(%arg3 : memref<1024xf32, #tpu.memory_space<hbm>>) target(%arg5 : memref<1024xf32, #tpu.memory_space<vmem>>) target_semaphore(%run_scoped3A : memref<!tpu.dma_semaphore, #tpu.memory_space<semaphore_mem>>)
      tpu.wait_dma2 semaphore(%run_scoped3A : memref<!tpu.dma_semaphore, #tpu.memory_space<semaphore_mem>>) src(%arg3 : memref<1024xf32, #tpu.memory_space<hbm>>) dst(%arg5 : memref<1024xf32, #tpu.memory_space<vmem>>)
      tpu.yield
    }) : () -> ()
    %mul3A_33 = arith.constant 8 : i32
    %mul3A_34 = arith.muli %select_n3A_9, %mul3A_33 : i32
    %add3A_35 = arith.constant 0 : i32
    %add3A_36 = arith.addi %mul3A_34, %add3A_35 : i32
    %mul3A_37 = arith.constant 16 : i32
    %mul3A_38 = arith.muli %add3A_36, %mul3A_37 : i32
    %multiple_of3A_39 = tpu.assume_multiple %mul3A_38, 16 : i32
    %get3A = arith.index_cast %multiple_of3A_39 : i32 to index
    %get3A_40 = tpu.vector_load %arg5[%get3A] {strides = array<i32>} : memref<1024xf32, #tpu.memory_space<vmem>>, vector<16xf32>,
    %get3A_41 = vector.shape_cast %get3A_40 : vector<16xf32> to vector<16xf32>
    %neg3A = arith.constant 0.000000e+00 : f32
    %neg3A_42 = vector.broadcast %neg3A : f32 to vector<16xf32>
    %neg3A_43 = arith.subf %neg3A_42, %get3A_41 : vector<16xf32>
    %exp3A = math.exp %neg3A_43 : vector<16xf32>
    %add3A_44 = arith.constant 1.000000e+00 : f32
    %add3A_45 = vector.broadcast %add3A_44 : f32 to vector<16xf32>
    %add3A_46 = arith.addf %add3A_45, %exp3A : vector<16xf32>
    %mul3A_47 = arith.constant 8 : i32
    %mul3A_48 = arith.muli %select_n3A_9, %mul3A_47 : i32
    %add3A_49 = arith.constant 1 : i32
    %add3A_50 = arith.addi %mul3A_48, %add3A_49 : i32
    %mul3A_51 = arith.constant 16 : i32
    %mul3A_52 = arith.muli %add3A_50, %mul3A_51 : i32
    %multiple_of3A_53 = tpu.assume_multiple %mul3A_52, 16 : i32
    %get3A_54 = arith.index_cast %multiple_of3A_53 : i32 to index
    %get3A_55 = tpu.vector_load %arg5[%get3A_54] {strides = array<i32>} : memref<1024xf32, #tpu.memory_space<vmem>>, vector<16xf32>,
    %get3A_56 = vector.shape_cast %get3A_55 : vector<16xf32> to vector<16xf32>
    %neg3A_57 = arith.constant 0.000000e+00 : f32
    %neg3A_58 = vector.broadcast %neg3A_57 : f32 to vector<16xf32>
    %neg3A_59 = arith.subf %neg3A_58, %get3A_56 : vector<16xf32>
    %exp3A_60 = math.exp %neg3A_59 : vector<16xf32>
    %add3A_61 = arith.constant 1.000000e+00 : f32
    %add3A_62 = vector.broadcast %add3A_61 : f32 to vector<16xf32>
    %add3A_63 = arith.addf %add3A_62, %exp3A_60 : vector<16xf32>
    %mul3A_64 = arith.constant 8 : i32
    %mul3A_65 = arith.muli %select_n3A_9, %mul3A_64 : i32
    %add3A_66 = arith.constant 2 : i32
    %add3A_67 = arith.addi %mul3A_65, %add3A_66 : i32
    %mul3A_68 = arith.constant 16 : i32
    %mul3A_69 = arith.muli %add3A_67, %mul3A_68 : i32
    %multiple_of3A_70 = tpu.assume_multiple %mul3A_69, 16 : i32
    %get3A_71 = arith.index_cast %multiple_of3A_70 : i32 to index
    %get3A_72 = tpu.vector_load %arg5[%get3A_71] {strides = array<i32>} : memref<1024xf32, #tpu.memory_space<vmem>>, vector<16xf32>,
    %get3A_73 = vector.shape_cast %get3A_72 : vector<16xf32> to vector<16xf32>
    %neg3A_74 = arith.constant 0.000000e+00 : f32
    %neg3A_75 = vector.broadcast %neg3A_74 : f32 to vector<16xf32>
    %neg3A_76 = arith.subf %neg3A_75, %get3A_73 : vector<16xf32>
    %exp3A_77 = math.exp %neg3A_76 : vector<16xf32>
    %add3A_78 = arith.constant 1.000000e+00 : f32
    %add3A_79 = vector.broadcast %add3A_78 : f32 to vector<16xf32>
    %add3A_80 = arith.addf %add3A_79, %exp3A_77 : vector<16xf32>
    %mul3A_81 = arith.constant 8 : i32
    %mul3A_82 = arith.muli %select_n3A_9, %mul3A_81 : i32
    %add3A_83 = arith.constant 3 : i32
    %add3A_84 = arith.addi %mul3A_82, %add3A_83 : i32
    %mul3A_85 = arith.constant 16 : i32
    %mul3A_86 = arith.muli %add3A_84, %mul3A_85 : i32
    %multiple_of3A_87 = tpu.assume_multiple %mul3A_86, 16 : i32
    %get3A_88 = arith.index_cast %multiple_of3A_87 : i32 to index
    %get3A_89 = tpu.vector_load %arg5[%get3A_88] {strides = array<i32>} : memref<1024xf32, #tpu.memory_space<vmem>>, vector<16xf32>,
    %get3A_90 = vector.shape_cast %get3A_89 : vector<16xf32> to vector<16xf32>
    %neg3A_91 = arith.constant 0.000000e+00 : f32
    %neg3A_92 = vector.broadcast %neg3A_91 : f32 to vector<16xf32>
    %neg3A_93 = arith.subf %neg3A_92, %get3A_90 : vector<16xf32>
    %exp3A_94 = math.exp %neg3A_93 : vector<16xf32>
    %add3A_95 = arith.constant 1.000000e+00 : f32
    %add3A_96 = vector.broadcast %add3A_95 : f32 to vector<16xf32>
    %add3A_97 = arith.addf %add3A_96, %exp3A_94 : vector<16xf32>
    %mul3A_98 = arith.constant 8 : i32
    %mul3A_99 = arith.muli %select_n3A_9, %mul3A_98 : i32
    %add3A_100 = arith.constant 4 : i32
    %add3A_101 = arith.addi %mul3A_99, %add3A_100 : i32
    %mul3A_102 = arith.constant 16 : i32
    %mul3A_103 = arith.muli %add3A_101, %mul3A_102 : i32
    %multiple_of3A_104 = tpu.assume_multiple %mul3A_103, 16 : i32
    %get3A_105 = arith.index_cast %multiple_of3A_104 : i32 to index
    %get3A_106 = tpu.vector_load %arg5[%get3A_105] {strides = array<i32>} : memref<1024xf32, #tpu.memory_space<vmem>>, vector<16xf32>,
    %get3A_107 = vector.shape_cast %get3A_106 : vector<16xf32> to vector<16xf32>
    %neg3A_108 = arith.constant 0.000000e+00 : f32
    %neg3A_109 = vector.broadcast %neg3A_108 : f32 to vector<16xf32>
    %neg3A_110 = arith.subf %neg3A_109, %get3A_107 : vector<16xf32>
    %exp3A_111 = math.exp %neg3A_110 : vector<16xf32>
    %add3A_112 = arith.constant 1.000000e+00 : f32
    %add3A_113 = vector.broadcast %add3A_112 : f32 to vector<16xf32>
    %add3A_114 = arith.addf %add3A_113, %exp3A_111 : vector<16xf32>
    %mul3A_115 = arith.constant 8 : i32
    %mul3A_116 = arith.muli %select_n3A_9, %mul3A_115 : i32
    %add3A_117 = arith.constant 5 : i32
    %add3A_118 = arith.addi %mul3A_116, %add3A_117 : i32
    %mul3A_119 = arith.constant 16 : i32
    %mul3A_120 = arith.muli %add3A_118, %mul3A_119 : i32
    %multiple_of3A_121 = tpu.assume_multiple %mul3A_120, 16 : i32
    %get3A_122 = arith.index_cast %multiple_of3A_121 : i32 to index
    %get3A_123 = tpu.vector_load %arg5[%get3A_122] {strides = array<i32>} : memref<1024xf32, #tpu.memory_space<vmem>>, vector<16xf32>,
    %get3A_124 = vector.shape_cast %get3A_123 : vector<16xf32> to vector<16xf32>
    %neg3A_125 = arith.constant 0.000000e+00 : f32
    %neg3A_126 = vector.broadcast %neg3A_125 : f32 to vector<16xf32>
    %neg3A_127 = arith.subf %neg3A_126, %get3A_124 : vector<16xf32>
    %exp3A_128 = math.exp %neg3A_127 : vector<16xf32>
    %add3A_129 = arith.constant 1.000000e+00 : f32
    %add3A_130 = vector.broadcast %add3A_129 : f32 to vector<16xf32>
    %add3A_131 = arith.addf %add3A_130, %exp3A_128 : vector<16xf32>
    %mul3A_132 = arith.constant 8 : i32
    %mul3A_133 = arith.muli %select_n3A_9, %mul3A_132 : i32
    %add3A_134 = arith.constant 6 : i32
    %add3A_135 = arith.addi %mul3A_133, %add3A_134 : i32
    %mul3A_136 = arith.constant 16 : i32
    %mul3A_137 = arith.muli %add3A_135, %mul3A_136 : i32
    %multiple_of3A_138 = tpu.assume_multiple %mul3A_137, 16 : i32
    %get3A_139 = arith.index_cast %multiple_of3A_138 : i32 to index
    %get3A_140 = tpu.vector_load %arg5[%get3A_139] {strides = array<i32>} : memref<1024xf32, #tpu.memory_space<vmem>>, vector<16xf32>,
    %get3A_141 = vector.shape_cast %get3A_140 : vector<16xf32> to vector<16xf32>
    %neg3A_142 = arith.constant 0.000000e+00 : f32
    %neg3A_143 = vector.broadcast %neg3A_142 : f32 to vector<16xf32>
    %neg3A_144 = arith.subf %neg3A_143, %get3A_141 : vector<16xf32>
    %exp3A_145 = math.exp %neg3A_144 : vector<16xf32>
    %add3A_146 = arith.constant 1.000000e+00 : f32
    %add3A_147 = vector.broadcast %add3A_146 : f32 to vector<16xf32>
    %add3A_148 = arith.addf %add3A_147, %exp3A_145 : vector<16xf32>
    %mul3A_149 = arith.constant 8 : i32
    %mul3A_150 = arith.muli %select_n3A_9, %mul3A_149 : i32
    %add3A_151 = arith.constant 7 : i32
    %add3A_152 = arith.addi %mul3A_150, %add3A_151 : i32
    %mul3A_153 = arith.constant 16 : i32
    %mul3A_154 = arith.muli %add3A_152, %mul3A_153 : i32
    %multiple_of3A_155 = tpu.assume_multiple %mul3A_154, 16 : i32
    %get3A_156 = arith.index_cast %multiple_of3A_155 : i32 to index
    %get3A_157 = tpu.vector_load %arg5[%get3A_156] {strides = array<i32>} : memref<1024xf32, #tpu.memory_space<vmem>>, vector<16xf32>,
    %get3A_158 = vector.shape_cast %get3A_157 : vector<16xf32> to vector<16xf32>
    %neg3A_159 = arith.constant 0.000000e+00 : f32
    %neg3A_160 = vector.broadcast %neg3A_159 : f32 to vector<16xf32>
    %neg3A_161 = arith.subf %neg3A_160, %get3A_158 : vector<16xf32>
    %exp3A_162 = math.exp %neg3A_161 : vector<16xf32>
    %add3A_163 = arith.constant 1.000000e+00 : f32
    %add3A_164 = vector.broadcast %add3A_163 : f32 to vector<16xf32>
    %add3A_165 = arith.addf %add3A_164, %exp3A_162 : vector<16xf32>
    %scan3A = arith.constant 0 : i32
    %scan3A_166 = arith.constant 0 : i32
    %scan3A_167 = arith.constant 39 : i32
    %scan3A_168 = arith.addi %scan3A_166, %scan3A_167 : i32
    %scan3A_169 = arith.constant 1 : i32
    scf.for %scan3A_174 = %scan3A_166 to %scan3A_168 step %scan3A_169  : i32 {
      %mul3A_175 = arith.constant 4 : i32
      %mul3A_176 = arith.muli %mul3A_175, %scan3A_174 : i32
      %add3A_177 = arith.addi %select_n3A_30, %mul3A_176 : i32
      %mul3A_178 = arith.constant 6400 : i32
      %mul3A_179 = arith.muli %add3A_177, %mul3A_178 : i32
      %multiple_of3A_180 = tpu.assume_multiple %mul3A_179, 128 : i32
      "tpu.region"() ({
        %run_scoped3A = tpu.sem_alloc : memref<!tpu.dma_semaphore, #tpu.memory_space<semaphore_mem>>
        %dma_start3A = tpu.memref_slice %arg2[%multiple_of3A, %multiple_of3A_180] : memref<64x1000000xf32, #tpu.memory_space<hbm>> -> memref<8x6400xf32, #tpu.memory_space<hbm>>
        %dma_start3A_229 = tpu.memref_slice %arg2[%multiple_of3A, %multiple_of3A_180] : memref<64x1000000xf32, #tpu.memory_space<hbm>> -> memref<8x6400xf32, #tpu.memory_space<hbm>>
        tpu.enqueue_dma source(%dma_start3A_229 : memref<8x6400xf32, #tpu.memory_space<hbm>>) target(%arg6 : memref<8x6400xf32, #tpu.memory_space<vmem>>) target_semaphore(%run_scoped3A : memref<!tpu.dma_semaphore, #tpu.memory_space<semaphore_mem>>)
        %dma_wait3A = tpu.memref_slice %arg2[%multiple_of3A, %multiple_of3A_180] : memref<64x1000000xf32, #tpu.memory_space<hbm>> -> memref<8x6400xf32, #tpu.memory_space<hbm>>
        %dma_wait3A_230 = tpu.memref_slice %arg2[%multiple_of3A, %multiple_of3A_180] : memref<64x1000000xf32, #tpu.memory_space<hbm>> -> memref<8x6400xf32, #tpu.memory_space<hbm>>
        tpu.wait_dma2 semaphore(%run_scoped3A : memref<!tpu.dma_semaphore, #tpu.memory_space<semaphore_mem>>) src(%dma_wait3A_230 : memref<8x6400xf32, #tpu.memory_space<hbm>>) dst(%arg6 : memref<8x6400xf32, #tpu.memory_space<vmem>>)
        tpu.yield
      }) : () -> ()
      %scan3A_181 = arith.constant 0 : i32
      %scan3A_182 = arith.constant 0 : i32
      %scan3A_183 = arith.constant 50 : i32
      %scan3A_184 = arith.addi %scan3A_182, %scan3A_183 : i32
      %scan3A_185 = arith.constant 1 : i32
      scf.for %scan3A_229 = %scan3A_182 to %scan3A_184 step %scan3A_185  : i32 {
        %mul3A_230 = arith.constant 128 : i32
        %mul3A_231 = arith.muli %scan3A_229, %mul3A_230 : i32
        %add3A_232 = arith.constant 0 : i32
        %add3A_233 = arith.addi %mul3A_231, %add3A_232 : i32
        %get3A_234 = arith.constant 0 : i32
        %get3A_235 = arith.index_cast %get3A_234 : i32 to index
        %get3A_236 = arith.index_cast %add3A_233 : i32 to index
        %get3A_237 = tpu.vector_load %arg6[%get3A_235, %get3A_236] {strides = array<i32>} : memref<8x6400xf32, #tpu.memory_space<vmem>>, vector<1x16xf32>,
        %get3A_238 = vector.shape_cast %get3A_237 : vector<1x16xf32> to vector<16xf32>
        %mul3A_239 = arith.mulf %get3A_238, %add3A_46 : vector<16xf32>
        %swap3A = arith.constant 0 : i32
        %swap3A_240 = arith.index_cast %swap3A : i32 to index
        %swap3A_241 = arith.index_cast %add3A_233 : i32 to index
        %swap3A_242 = tpu.vector_load %arg7[%swap3A_240, %swap3A_241] {strides = array<i32>} : memref<8x6400xf32, #tpu.memory_space<vmem>>, vector<1x16xf32>,
        %swap3A_243 = vector.shape_cast %swap3A_242 : vector<1x16xf32> to vector<16xf32>
        %swap3A_244 = vector.shape_cast %mul3A_239 : vector<16xf32> to vector<1x16xf32>
        tpu.vector_store %arg7[%swap3A_240, %swap3A_241], %swap3A_244 {strides = array<i32>} : memref<8x6400xf32, #tpu.memory_space<vmem>>, vector<1x16xf32>,
        %add3A_245 = arith.constant 16 : i32
        %add3A_246 = arith.addi %mul3A_231, %add3A_245 : i32
        %get3A_247 = arith.constant 0 : i32
        %get3A_248 = arith.index_cast %get3A_247 : i32 to index
        %get3A_249 = arith.index_cast %add3A_246 : i32 to index
        %get3A_250 = tpu.vector_load %arg6[%get3A_248, %get3A_249] {strides = array<i32>} : memref<8x6400xf32, #tpu.memory_space<vmem>>, vector<1x16xf32>,
        %get3A_251 = vector.shape_cast %get3A_250 : vector<1x16xf32> to vector<16xf32>
        %mul3A_252 = arith.mulf %get3A_251, %add3A_46 : vector<16xf32>
        %swap3A_253 = arith.constant 0 : i32
        %swap3A_254 = arith.index_cast %swap3A_253 : i32 to index
        %swap3A_255 = arith.index_cast %add3A_246 : i32 to index
        %swap3A_256 = tpu.vector_load %arg7[%swap3A_254, %swap3A_255] {strides = array<i32>} : memref<8x6400xf32, #tpu.memory_space<vmem>>, vector<1x16xf32>,
        %swap3A_257 = vector.shape_cast %swap3A_256 : vector<1x16xf32> to vector<16xf32>
        %swap3A_258 = vector.shape_cast %mul3A_252 : vector<16xf32> to vector<1x16xf32>
        tpu.vector_store %arg7[%swap3A_254, %swap3A_255], %swap3A_258 {strides = array<i32>} : memref<8x6400xf32, #tpu.memory_space<vmem>>, vector<1x16xf32>,
        %add3A_259 = arith.constant 32 : i32
        %add3A_260 = arith.addi %mul3A_231, %add3A_259 : i32
        %get3A_261 = arith.constant 0 : i32
        %get3A_262 = arith.index_cast %get3A_261 : i32 to index
        %get3A_263 = arith.index_cast %add3A_260 : i32 to index
        %get3A_264 = tpu.vector_load %arg6[%get3A_262, %get3A_263] {strides = array<i32>} : memref<8x6400xf32, #tpu.memory_space<vmem>>, vector<1x16xf32>,
        %get3A_265 = vector.shape_cast %get3A_264 : vector<1x16xf32> to vector<16xf32>
        %mul3A_266 = arith.mulf %get3A_265, %add3A_46 : vector<16xf32>
        %swap3A_267 = arith.constant 0 : i32
        %swap3A_268 = arith.index_cast %swap3A_267 : i32 to index
        %swap3A_269 = arith.index_cast %add3A_260 : i32 to index
        %swap3A_270 = tpu.vector_load %arg7[%swap3A_268, %swap3A_269] {strides = array<i32>} : memref<8x6400xf32, #tpu.memory_space<vmem>>, vector<1x16xf32>,
        %swap3A_271 = vector.shape_cast %swap3A_270 : vector<1x16xf32> to vector<16xf32>
        %swap3A_272 = vector.shape_cast %mul3A_266 : vector<16xf32> to vector<1x16xf32>
        tpu.vector_store %arg7[%swap3A_268, %swap3A_269], %swap3A_272 {strides = array<i32>} : memref<8x6400xf32, #tpu.memory_space<vmem>>, vector<1x16xf32>,
        %add3A_273 = arith.constant 48 : i32
        %add3A_274 = arith.addi %mul3A_231, %add3A_273 : i32
        %get3A_275 = arith.constant 0 : i32
        %get3A_276 = arith.index_cast %get3A_275 : i32 to index
        %get3A_277 = arith.index_cast %add3A_274 : i32 to index
        %get3A_278 = tpu.vector_load %arg6[%get3A_276, %get3A_277] {strides = array<i32>} : memref<8x6400xf32, #tpu.memory_space<vmem>>, vector<1x16xf32>,
        %get3A_279 = vector.shape_cast %get3A_278 : vector<1x16xf32> to vector<16xf32>
        %mul3A_280 = arith.mulf %get3A_279, %add3A_46 : vector<16xf32>
        %swap3A_281 = arith.constant 0 : i32
        %swap3A_282 = arith.index_cast %swap3A_281 : i32 to index
        %swap3A_283 = arith.index_cast %add3A_274 : i32 to index
        %swap3A_284 = tpu.vector_load %arg7[%swap3A_282, %swap3A_283] {strides = array<i32>} : memref<8x6400xf32, #tpu.memory_space<vmem>>, vector<1x16xf32>,
        %swap3A_285 = vector.shape_cast %swap3A_284 : vector<1x16xf32> to vector<16xf32>
        %swap3A_286 = vector.shape_cast %mul3A_280 : vector<16xf32> to vector<1x16xf32>
        tpu.vector_store %arg7[%swap3A_282, %swap3A_283], %swap3A_286 {strides = array<i32>} : memref<8x6400xf32, #tpu.memory_space<vmem>>, vector<1x16xf32>,
        %add3A_287 = arith.constant 64 : i32
        %add3A_288 = arith.addi %mul3A_231, %add3A_287 : i32
        %get3A_289 = arith.constant 0 : i32
        %get3A_290 = arith.index_cast %get3A_289 : i32 to index
        %get3A_291 = arith.index_cast %add3A_288 : i32 to index
        %get3A_292 = tpu.vector_load %arg6[%get3A_290, %get3A_291] {strides = array<i32>} : memref<8x6400xf32, #tpu.memory_space<vmem>>, vector<1x16xf32>,
        %get3A_293 = vector.shape_cast %get3A_292 : vector<1x16xf32> to vector<16xf32>
        %mul3A_294 = arith.mulf %get3A_293, %add3A_46 : vector<16xf32>
        %swap3A_295 = arith.constant 0 : i32
        %swap3A_296 = arith.index_cast %swap3A_295 : i32 to index
        %swap3A_297 = arith.index_cast %add3A_288 : i32 to index
        %swap3A_298 = tpu.vector_load %arg7[%swap3A_296, %swap3A_297] {strides = array<i32>} : memref<8x6400xf32, #tpu.memory_space<vmem>>, vector<1x16xf32>,
        %swap3A_299 = vector.shape_cast %swap3A_298 : vector<1x16xf32> to vector<16xf32>
        %swap3A_300 = vector.shape_cast %mul3A_294 : vector<16xf32> to vector<1x16xf32>
        tpu.vector_store %arg7[%swap3A_296, %swap3A_297], %swap3A_300 {strides = array<i32>} : memref<8x6400xf32, #tpu.memory_space<vmem>>, vector<1x16xf32>,
        %add3A_301 = arith.constant 80 : i32
        %add3A_302 = arith.addi %mul3A_231, %add3A_301 : i32
        %get3A_303 = arith.constant 0 : i32
        %get3A_304 = arith.index_cast %get3A_303 : i32 to index
        %get3A_305 = arith.index_cast %add3A_302 : i32 to index
        %get3A_306 = tpu.vector_load %arg6[%get3A_304, %get3A_305] {strides = array<i32>} : memref<8x6400xf32, #tpu.memory_space<vmem>>, vector<1x16xf32>,
        %get3A_307 = vector.shape_cast %get3A_306 : vector<1x16xf32> to vector<16xf32>
        %mul3A_308 = arith.mulf %get3A_307, %add3A_46 : vector<16xf32>
        %swap3A_309 = arith.constant 0 : i32
        %swap3A_310 = arith.index_cast %swap3A_309 : i32 to index
        %swap3A_311 = arith.index_cast %add3A_302 : i32 to index
        %swap3A_312 = tpu.vector_load %arg7[%swap3A_310, %swap3A_311] {strides = array<i32>} : memref<8x6400xf32, #tpu.memory_space<vmem>>, vector<1x16xf32>,
        %swap3A_313 = vector.shape_cast %swap3A_312 : vector<1x16xf32> to vector<16xf32>
        %swap3A_314 = vector.shape_cast %mul3A_308 : vector<16xf32> to vector<1x16xf32>
        tpu.vector_store %arg7[%swap3A_310, %swap3A_311], %swap3A_314 {strides = array<i32>} : memref<8x6400xf32, #tpu.memory_space<vmem>>, vector<1x16xf32>,
        %add3A_315 = arith.constant 96 : i32
        %add3A_316 = arith.addi %mul3A_231, %add3A_315 : i32
        %get3A_317 = arith.constant 0 : i32
        %get3A_318 = arith.index_cast %get3A_317 : i32 to index
        %get3A_319 = arith.index_cast %add3A_316 : i32 to index
        %get3A_320 = tpu.vector_load %arg6[%get3A_318, %get3A_319] {strides = array<i32>} : memref<8x6400xf32, #tpu.memory_space<vmem>>, vector<1x16xf32>,
        %get3A_321 = vector.shape_cast %get3A_320 : vector<1x16xf32> to vector<16xf32>
        %mul3A_322 = arith.mulf %get3A_321, %add3A_46 : vector<16xf32>
        %swap3A_323 = arith.constant 0 : i32
        %swap3A_324 = arith.index_cast %swap3A_323 : i32 to index
        %swap3A_325 = arith.index_cast %add3A_316 : i32 to index
        %swap3A_326 = tpu.vector_load %arg7[%swap3A_324, %swap3A_325] {strides = array<i32>} : memref<8x6400xf32, #tpu.memory_space<vmem>>, vector<1x16xf32>,
        %swap3A_327 = vector.shape_cast %swap3A_326 : vector<1x16xf32> to vector<16xf32>
        %swap3A_328 = vector.shape_cast %mul3A_322 : vector<16xf32> to vector<1x16xf32>
        tpu.vector_store %arg7[%swap3A_324, %swap3A_325], %swap3A_328 {strides = array<i32>} : memref<8x6400xf32, #tpu.memory_space<vmem>>, vector<1x16xf32>,
        %add3A_329 = arith.constant 112 : i32
        %add3A_330 = arith.addi %mul3A_231, %add3A_329 : i32
        %get3A_331 = arith.constant 0 : i32
        %get3A_332 = arith.index_cast %get3A_331 : i32 to index
        %get3A_333 = arith.index_cast %add3A_330 : i32 to index
        %get3A_334 = tpu.vector_load %arg6[%get3A_332, %get3A_333] {strides = array<i32>} : memref<8x6400xf32, #tpu.memory_space<vmem>>, vector<1x16xf32>,
        %get3A_335 = vector.shape_cast %get3A_334 : vector<1x16xf32> to vector<16xf32>
        %mul3A_336 = arith.mulf %get3A_335, %add3A_46 : vector<16xf32>
        %swap3A_337 = arith.constant 0 : i32
        %swap3A_338 = arith.index_cast %swap3A_337 : i32 to index
        %swap3A_339 = arith.index_cast %add3A_330 : i32 to index
        %swap3A_340 = tpu.vector_load %arg7[%swap3A_338, %swap3A_339] {strides = array<i32>} : memref<8x6400xf32, #tpu.memory_space<vmem>>, vector<1x16xf32>,
        %swap3A_341 = vector.shape_cast %swap3A_340 : vector<1x16xf32> to vector<16xf32>
        %swap3A_342 = vector.shape_cast %mul3A_336 : vector<16xf32> to vector<1x16xf32>
        tpu.vector_store %arg7[%swap3A_338, %swap3A_339], %swap3A_342 {strides = array<i32>} : memref<8x6400xf32, #tpu.memory_space<vmem>>, vector<1x16xf32>,
      }
      %scan3A_186 = arith.constant 50 : i32
      %scan3A_187 = arith.constant 0 : i32
      %scan3A_188 = arith.constant 0 : i32
      %scan3A_189 = arith.constant 50 : i32
      %scan3A_190 = arith.addi %scan3A_188, %scan3A_189 : i32
      %scan3A_191 = arith.constant 1 : i32
      scf.for %scan3A_229 = %scan3A_188 to %scan3A_190 step %scan3A_191  : i32 {
        %mul3A_230 = arith.constant 128 : i32
        %mul3A_231 = arith.muli %scan3A_229, %mul3A_230 : i32
        %add3A_232 = arith.constant 0 : i32
        %add3A_233 = arith.addi %mul3A_231, %add3A_232 : i32
        %get3A_234 = arith.constant 1 : i32
        %get3A_235 = arith.index_cast %get3A_234 : i32 to index
        %get3A_236 = arith.index_cast %add3A_233 : i32 to index
        %get3A_237 = tpu.vector_load %arg6[%get3A_235, %get3A_236] {strides = array<i32>} : memref<8x6400xf32, #tpu.memory_space<vmem>>, vector<1x16xf32>,
        %get3A_238 = vector.shape_cast %get3A_237 : vector<1x16xf32> to vector<16xf32>
        %mul3A_239 = arith.mulf %get3A_238, %add3A_63 : vector<16xf32>
        %swap3A = arith.constant 1 : i32
        %swap3A_240 = arith.index_cast %swap3A : i32 to index
        %swap3A_241 = arith.index_cast %add3A_233 : i32 to index
        %swap3A_242 = tpu.vector_load %arg7[%swap3A_240, %swap3A_241] {strides = array<i32>} : memref<8x6400xf32, #tpu.memory_space<vmem>>, vector<1x16xf32>,
        %swap3A_243 = vector.shape_cast %swap3A_242 : vector<1x16xf32> to vector<16xf32>
        %swap3A_244 = vector.shape_cast %mul3A_239 : vector<16xf32> to vector<1x16xf32>
        tpu.vector_store %arg7[%swap3A_240, %swap3A_241], %swap3A_244 {strides = array<i32>} : memref<8x6400xf32, #tpu.memory_space<vmem>>, vector<1x16xf32>,
        %add3A_245 = arith.constant 16 : i32
        %add3A_246 = arith.addi %mul3A_231, %add3A_245 : i32
        %get3A_247 = arith.constant 1 : i32
        %get3A_248 = arith.index_cast %get3A_247 : i32 to index
        %get3A_249 = arith.index_cast %add3A_246 : i32 to index
        %get3A_250 = tpu.vector_load %arg6[%get3A_248, %get3A_249] {strides = array<i32>} : memref<8x6400xf32, #tpu.memory_space<vmem>>, vector<1x16xf32>,
        %get3A_251 = vector.shape_cast %get3A_250 : vector<1x16xf32> to vector<16xf32>
        %mul3A_252 = arith.mulf %get3A_251, %add3A_63 : vector<16xf32>
        %swap3A_253 = arith.constant 1 : i32
        %swap3A_254 = arith.index_cast %swap3A_253 : i32 to index
        %swap3A_255 = arith.index_cast %add3A_246 : i32 to index
        %swap3A_256 = tpu.vector_load %arg7[%swap3A_254, %swap3A_255] {strides = array<i32>} : memref<8x6400xf32, #tpu.memory_space<vmem>>, vector<1x16xf32>,
        %swap3A_257 = vector.shape_cast %swap3A_256 : vector<1x16xf32> to vector<16xf32>
        %swap3A_258 = vector.shape_cast %mul3A_252 : vector<16xf32> to vector<1x16xf32>
        tpu.vector_store %arg7[%swap3A_254, %swap3A_255], %swap3A_258 {strides = array<i32>} : memref<8x6400xf32, #tpu.memory_space<vmem>>, vector<1x16xf32>,
        %add3A_259 = arith.constant 32 : i32
        %add3A_260 = arith.addi %mul3A_231, %add3A_259 : i32
        %get3A_261 = arith.constant 1 : i32
        %get3A_262 = arith.index_cast %get3A_261 : i32 to index
        %get3A_263 = arith.index_cast %add3A_260 : i32 to index
        %get3A_264 = tpu.vector_load %arg6[%get3A_262, %get3A_263] {strides = array<i32>} : memref<8x6400xf32, #tpu.memory_space<vmem>>, vector<1x16xf32>,
        %get3A_265 = vector.shape_cast %get3A_264 : vector<1x16xf32> to vector<16xf32>
        %mul3A_266 = arith.mulf %get3A_265, %add3A_63 : vector<16xf32>
        %swap3A_267 = arith.constant 1 : i32
        %swap3A_268 = arith.index_cast %swap3A_267 : i32 to index
        %swap3A_269 = arith.index_cast %add3A_260 : i32 to index
        %swap3A_270 = tpu.vector_load %arg7[%swap3A_268, %swap3A_269] {strides = array<i32>} : memref<8x6400xf32, #tpu.memory_space<vmem>>, vector<1x16xf32>,
        %swap3A_271 = vector.shape_cast %swap3A_270 : vector<1x16xf32> to vector<16xf32>
        %swap3A_272 = vector.shape_cast %mul3A_266 : vector<16xf32> to vector<1x16xf32>
        tpu.vector_store %arg7[%swap3A_268, %swap3A_269], %swap3A_272 {strides = array<i32>} : memref<8x6400xf32, #tpu.memory_space<vmem>>, vector<1x16xf32>,
        %add3A_273 = arith.constant 48 : i32
        %add3A_274 = arith.addi %mul3A_231, %add3A_273 : i32
        %get3A_275 = arith.constant 1 : i32
        %get3A_276 = arith.index_cast %get3A_275 : i32 to index
        %get3A_277 = arith.index_cast %add3A_274 : i32 to index
        %get3A_278 = tpu.vector_load %arg6[%get3A_276, %get3A_277] {strides = array<i32>} : memref<8x6400xf32, #tpu.memory_space<vmem>>, vector<1x16xf32>,
        %get3A_279 = vector.shape_cast %get3A_278 : vector<1x16xf32> to vector<16xf32>
        %mul3A_280 = arith.mulf %get3A_279, %add3A_63 : vector<16xf32>
        %swap3A_281 = arith.constant 1 : i32
        %swap3A_282 = arith.index_cast %swap3A_281 : i32 to index
        %swap3A_283 = arith.index_cast %add3A_274 : i32 to index
        %swap3A_284 = tpu.vector_load %arg7[%swap3A_282, %swap3A_283] {strides = array<i32>} : memref<8x6400xf32, #tpu.memory_space<vmem>>, vector<1x16xf32>,
        %swap3A_285 = vector.shape_cast %swap3A_284 : vector<1x16xf32> to vector<16xf32>
        %swap3A_286 = vector.shape_cast %mul3A_280 : vector<16xf32> to vector<1x16xf32>
        tpu.vector_store %arg7[%swap3A_282, %swap3A_283], %swap3A_286 {strides = array<i32>} : memref<8x6400xf32, #tpu.memory_space<vmem>>, vector<1x16xf32>,
        %add3A_287 = arith.constant 64 : i32
        %add3A_288 = arith.addi %mul3A_231, %add3A_287 : i32
        %get3A_289 = arith.constant 1 : i32
        %get3A_290 = arith.index_cast %get3A_289 : i32 to index
        %get3A_291 = arith.index_cast %add3A_288 : i32 to index
        %get3A_292 = tpu.vector_load %arg6[%get3A_290, %get3A_291] {strides = array<i32>} : memref<8x6400xf32, #tpu.memory_space<vmem>>, vector<1x16xf32>,
        %get3A_293 = vector.shape_cast %get3A_292 : vector<1x16xf32> to vector<16xf32>
        %mul3A_294 = arith.mulf %get3A_293, %add3A_63 : vector<16xf32>
        %swap3A_295 = arith.constant 1 : i32
        %swap3A_296 = arith.index_cast %swap3A_295 : i32 to index
        %swap3A_297 = arith.index_cast %add3A_288 : i32 to index
        %swap3A_298 = tpu.vector_load %arg7[%swap3A_296, %swap3A_297] {strides = array<i32>} : memref<8x6400xf32, #tpu.memory_space<vmem>>, vector<1x16xf32>,
        %swap3A_299 = vector.shape_cast %swap3A_298 : vector<1x16xf32> to vector<16xf32>
        %swap3A_300 = vector.shape_cast %mul3A_294 : vector<16xf32> to vector<1x16xf32>
        tpu.vector_store %arg7[%swap3A_296, %swap3A_297], %swap3A_300 {strides = array<i32>} : memref<8x6400xf32, #tpu.memory_space<vmem>>, vector<1x16xf32>,
        %add3A_301 = arith.constant 80 : i32
        %add3A_302 = arith.addi %mul3A_231, %add3A_301 : i32
        %get3A_303 = arith.constant 1 : i32
        %get3A_304 = arith.index_cast %get3A_303 : i32 to index
        %get3A_305 = arith.index_cast %add3A_302 : i32 to index
        %get3A_306 = tpu.vector_load %arg6[%get3A_304, %get3A_305] {strides = array<i32>} : memref<8x6400xf32, #tpu.memory_space<vmem>>, vector<1x16xf32>,
        %get3A_307 = vector.shape_cast %get3A_306 : vector<1x16xf32> to vector<16xf32>
        %mul3A_308 = arith.mulf %get3A_307, %add3A_63 : vector<16xf32>
        %swap3A_309 = arith.constant 1 : i32
        %swap3A_310 = arith.index_cast %swap3A_309 : i32 to index
        %swap3A_311 = arith.index_cast %add3A_302 : i32 to index
        %swap3A_312 = tpu.vector_load %arg7[%swap3A_310, %swap3A_311] {strides = array<i32>} : memref<8x6400xf32, #tpu.memory_space<vmem>>, vector<1x16xf32>,
        %swap3A_313 = vector.shape_cast %swap3A_312 : vector<1x16xf32> to vector<16xf32>
        %swap3A_314 = vector.shape_cast %mul3A_308 : vector<16xf32> to vector<1x16xf32>
        tpu.vector_store %arg7[%swap3A_310, %swap3A_311], %swap3A_314 {strides = array<i32>} : memref<8x6400xf32, #tpu.memory_space<vmem>>, vector<1x16xf32>,
        %add3A_315 = arith.constant 96 : i32
        %add3A_316 = arith.addi %mul3A_231, %add3A_315 : i32
        %get3A_317 = arith.constant 1 : i32
        %get3A_318 = arith.index_cast %get3A_317 : i32 to index
        %get3A_319 = arith.index_cast %add3A_316 : i32 to index
        %get3A_320 = tpu.vector_load %arg6[%get3A_318, %get3A_319] {strides = array<i32>} : memref<8x6400xf32, #tpu.memory_space<vmem>>, vector<1x16xf32>,
        %get3A_321 = vector.shape_cast %get3A_320 : vector<1x16xf32> to vector<16xf32>
        %mul3A_322 = arith.mulf %get3A_321, %add3A_63 : vector<16xf32>
        %swap3A_323 = arith.constant 1 : i32
        %swap3A_324 = arith.index_cast %swap3A_323 : i32 to index
        %swap3A_325 = arith.index_cast %add3A_316 : i32 to index
        %swap3A_326 = tpu.vector_load %arg7[%swap3A_324, %swap3A_325] {strides = array<i32>} : memref<8x6400xf32, #tpu.memory_space<vmem>>, vector<1x16xf32>,
        %swap3A_327 = vector.shape_cast %swap3A_326 : vector<1x16xf32> to vector<16xf32>
        %swap3A_328 = vector.shape_cast %mul3A_322 : vector<16xf32> to vector<1x16xf32>
        tpu.vector_store %arg7[%swap3A_324, %swap3A_325], %swap3A_328 {strides = array<i32>} : memref<8x6400xf32, #tpu.memory_space<vmem>>, vector<1x16xf32>,
        %add3A_329 = arith.constant 112 : i32
        %add3A_330 = arith.addi %mul3A_231, %add3A_329 : i32
        %get3A_331 = arith.constant 1 : i32
        %get3A_332 = arith.index_cast %get3A_331 : i32 to index
        %get3A_333 = arith.index_cast %add3A_330 : i32 to index
        %get3A_334 = tpu.vector_load %arg6[%get3A_332, %get3A_333] {strides = array<i32>} : memref<8x6400xf32, #tpu.memory_space<vmem>>, vector<1x16xf32>,
        %get3A_335 = vector.shape_cast %get3A_334 : vector<1x16xf32> to vector<16xf32>
        %mul3A_336 = arith.mulf %get3A_335, %add3A_63 : vector<16xf32>
        %swap3A_337 = arith.constant 1 : i32
        %swap3A_338 = arith.index_cast %swap3A_337 : i32 to index
        %swap3A_339 = arith.index_cast %add3A_330 : i32 to index
        %swap3A_340 = tpu.vector_load %arg7[%swap3A_338, %swap3A_339] {strides = array<i32>} : memref<8x6400xf32, #tpu.memory_space<vmem>>, vector<1x16xf32>,
        %swap3A_341 = vector.shape_cast %swap3A_340 : vector<1x16xf32> to vector<16xf32>
        %swap3A_342 = vector.shape_cast %mul3A_336 : vector<16xf32> to vector<1x16xf32>
        tpu.vector_store %arg7[%swap3A_338, %swap3A_339], %swap3A_342 {strides = array<i32>} : memref<8x6400xf32, #tpu.memory_space<vmem>>, vector<1x16xf32>,
      }
      %scan3A_192 = arith.constant 50 : i32
      %scan3A_193 = arith.constant 0 : i32
      %scan3A_194 = arith.constant 0 : i32
      %scan3A_195 = arith.constant 50 : i32
      %scan3A_196 = arith.addi %scan3A_194, %scan3A_195 : i32
      %scan3A_197 = arith.constant 1 : i32
      scf.for %scan3A_229 = %scan3A_194 to %scan3A_196 step %scan3A_197  : i32 {
        %mul3A_230 = arith.constant 128 : i32
        %mul3A_231 = arith.muli %scan3A_229, %mul3A_230 : i32
        %add3A_232 = arith.constant 0 : i32
        %add3A_233 = arith.addi %mul3A_231, %add3A_232 : i32
        %get3A_234 = arith.constant 2 : i32
        %get3A_235 = arith.index_cast %get3A_234 : i32 to index
        %get3A_236 = arith.index_cast %add3A_233 : i32 to index
        %get3A_237 = tpu.vector_load %arg6[%get3A_235, %get3A_236] {strides = array<i32>} : memref<8x6400xf32, #tpu.memory_space<vmem>>, vector<1x16xf32>,
        %get3A_238 = vector.shape_cast %get3A_237 : vector<1x16xf32> to vector<16xf32>
        %mul3A_239 = arith.mulf %get3A_238, %add3A_80 : vector<16xf32>
        %swap3A = arith.constant 2 : i32
        %swap3A_240 = arith.index_cast %swap3A : i32 to index
        %swap3A_241 = arith.index_cast %add3A_233 : i32 to index
        %swap3A_242 = tpu.vector_load %arg7[%swap3A_240, %swap3A_241] {strides = array<i32>} : memref<8x6400xf32, #tpu.memory_space<vmem>>, vector<1x16xf32>,
        %swap3A_243 = vector.shape_cast %swap3A_242 : vector<1x16xf32> to vector<16xf32>
        %swap3A_244 = vector.shape_cast %mul3A_239 : vector<16xf32> to vector<1x16xf32>
        tpu.vector_store %arg7[%swap3A_240, %swap3A_241], %swap3A_244 {strides = array<i32>} : memref<8x6400xf32, #tpu.memory_space<vmem>>, vector<1x16xf32>,
        %add3A_245 = arith.constant 16 : i32
        %add3A_246 = arith.addi %mul3A_231, %add3A_245 : i32
        %get3A_247 = arith.constant 2 : i32
        %get3A_248 = arith.index_cast %get3A_247 : i32 to index
        %get3A_249 = arith.index_cast %add3A_246 : i32 to index
        %get3A_250 = tpu.vector_load %arg6[%get3A_248, %get3A_249] {strides = array<i32>} : memref<8x6400xf32, #tpu.memory_space<vmem>>, vector<1x16xf32>,
        %get3A_251 = vector.shape_cast %get3A_250 : vector<1x16xf32> to vector<16xf32>
        %mul3A_252 = arith.mulf %get3A_251, %add3A_80 : vector<16xf32>
        %swap3A_253 = arith.constant 2 : i32
        %swap3A_254 = arith.index_cast %swap3A_253 : i32 to index
        %swap3A_255 = arith.index_cast %add3A_246 : i32 to index
        %swap3A_256 = tpu.vector_load %arg7[%swap3A_254, %swap3A_255] {strides = array<i32>} : memref<8x6400xf32, #tpu.memory_space<vmem>>, vector<1x16xf32>,
        %swap3A_257 = vector.shape_cast %swap3A_256 : vector<1x16xf32> to vector<16xf32>
        %swap3A_258 = vector.shape_cast %mul3A_252 : vector<16xf32> to vector<1x16xf32>
        tpu.vector_store %arg7[%swap3A_254, %swap3A_255], %swap3A_258 {strides = array<i32>} : memref<8x6400xf32, #tpu.memory_space<vmem>>, vector<1x16xf32>,
        %add3A_259 = arith.constant 32 : i32
        %add3A_260 = arith.addi %mul3A_231, %add3A_259 : i32
        %get3A_261 = arith.constant 2 : i32
        %get3A_262 = arith.index_cast %get3A_261 : i32 to index
        %get3A_263 = arith.index_cast %add3A_260 : i32 to index
        %get3A_264 = tpu.vector_load %arg6[%get3A_262, %get3A_263] {strides = array<i32>} : memref<8x6400xf32, #tpu.memory_space<vmem>>, vector<1x16xf32>,
        %get3A_265 = vector.shape_cast %get3A_264 : vector<1x16xf32> to vector<16xf32>
        %mul3A_266 = arith.mulf %get3A_265, %add3A_80 : vector<16xf32>
        %swap3A_267 = arith.constant 2 : i32
        %swap3A_268 = arith.index_cast %swap3A_267 : i32 to index
        %swap3A_269 = arith.index_cast %add3A_260 : i32 to index
        %swap3A_270 = tpu.vector_load %arg7[%swap3A_268, %swap3A_269] {strides = array<i32>} : memref<8x6400xf32, #tpu.memory_space<vmem>>, vector<1x16xf32>,
        %swap3A_271 = vector.shape_cast %swap3A_270 : vector<1x16xf32> to vector<16xf32>
        %swap3A_272 = vector.shape_cast %mul3A_266 : vector<16xf32> to vector<1x16xf32>
        tpu.vector_store %arg7[%swap3A_268, %swap3A_269], %swap3A_272 {strides = array<i32>} : memref<8x6400xf32, #tpu.memory_space<vmem>>, vector<1x16xf32>,
        %add3A_273 = arith.constant 48 : i32
        %add3A_274 = arith.addi %mul3A_231, %add3A_273 : i32
        %get3A_275 = arith.constant 2 : i32
        %get3A_276 = arith.index_cast %get3A_275 : i32 to index
        %get3A_277 = arith.index_cast %add3A_274 : i32 to index
        %get3A_278 = tpu.vector_load %arg6[%get3A_276, %get3A_277] {strides = array<i32>} : memref<8x6400xf32, #tpu.memory_space<vmem>>, vector<1x16xf32>,
        %get3A_279 = vector.shape_cast %get3A_278 : vector<1x16xf32> to vector<16xf32>
        %mul3A_280 = arith.mulf %get3A_279, %add3A_80 : vector<16xf32>
        %swap3A_281 = arith.constant 2 : i32
        %swap3A_282 = arith.index_cast %swap3A_281 : i32 to index
        %swap3A_283 = arith.index_cast %add3A_274 : i32 to index
        %swap3A_284 = tpu.vector_load %arg7[%swap3A_282, %swap3A_283] {strides = array<i32>} : memref<8x6400xf32, #tpu.memory_space<vmem>>, vector<1x16xf32>,
        %swap3A_285 = vector.shape_cast %swap3A_284 : vector<1x16xf32> to vector<16xf32>
        %swap3A_286 = vector.shape_cast %mul3A_280 : vector<16xf32> to vector<1x16xf32>
        tpu.vector_store %arg7[%swap3A_282, %swap3A_283], %swap3A_286 {strides = array<i32>} : memref<8x6400xf32, #tpu.memory_space<vmem>>, vector<1x16xf32>,
        %add3A_287 = arith.constant 64 : i32
        %add3A_288 = arith.addi %mul3A_231, %add3A_287 : i32
        %get3A_289 = arith.constant 2 : i32
        %get3A_290 = arith.index_cast %get3A_289 : i32 to index
        %get3A_291 = arith.index_cast %add3A_288 : i32 to index
        %get3A_292 = tpu.vector_load %arg6[%get3A_290, %get3A_291] {strides = array<i32>} : memref<8x6400xf32, #tpu.memory_space<vmem>>, vector<1x16xf32>,
        %get3A_293 = vector.shape_cast %get3A_292 : vector<1x16xf32> to vector<16xf32>
        %mul3A_294 = arith.mulf %get3A_293, %add3A_80 : vector<16xf32>
        %swap3A_295 = arith.constant 2 : i32
        %swap3A_296 = arith.index_cast %swap3A_295 : i32 to index
        %swap3A_297 = arith.index_cast %add3A_288 : i32 to index
        %swap3A_298 = tpu.vector_load %arg7[%swap3A_296, %swap3A_297] {strides = array<i32>} : memref<8x6400xf32, #tpu.memory_space<vmem>>, vector<1x16xf32>,
        %swap3A_299 = vector.shape_cast %swap3A_298 : vector<1x16xf32> to vector<16xf32>
        %swap3A_300 = vector.shape_cast %mul3A_294 : vector<16xf32> to vector<1x16xf32>
        tpu.vector_store %arg7[%swap3A_296, %swap3A_297], %swap3A_300 {strides = array<i32>} : memref<8x6400xf32, #tpu.memory_space<vmem>>, vector<1x16xf32>,
        %add3A_301 = arith.constant 80 : i32
        %add3A_302 = arith.addi %mul3A_231, %add3A_301 : i32
        %get3A_303 = arith.constant 2 : i32
        %get3A_304 = arith.index_cast %get3A_303 : i32 to index
        %get3A_305 = arith.index_cast %add3A_302 : i32 to index
        %get3A_306 = tpu.vector_load %arg6[%get3A_304, %get3A_305] {strides = array<i32>} : memref<8x6400xf32, #tpu.memory_space<vmem>>, vector<1x16xf32>,
        %get3A_307 = vector.shape_cast %get3A_306 : vector<1x16xf32> to vector<16xf32>
        %mul3A_308 = arith.mulf %get3A_307, %add3A_80 : vector<16xf32>
        %swap3A_309 = arith.constant 2 : i32
        %swap3A_310 = arith.index_cast %swap3A_309 : i32 to index
        %swap3A_311 = arith.index_cast %add3A_302 : i32 to index
        %swap3A_312 = tpu.vector_load %arg7[%swap3A_310, %swap3A_311] {strides = array<i32>} : memref<8x6400xf32, #tpu.memory_space<vmem>>, vector<1x16xf32>,
        %swap3A_313 = vector.shape_cast %swap3A_312 : vector<1x16xf32> to vector<16xf32>
        %swap3A_314 = vector.shape_cast %mul3A_308 : vector<16xf32> to vector<1x16xf32>
        tpu.vector_store %arg7[%swap3A_310, %swap3A_311], %swap3A_314 {strides = array<i32>} : memref<8x6400xf32, #tpu.memory_space<vmem>>, vector<1x16xf32>,
        %add3A_315 = arith.constant 96 : i32
        %add3A_316 = arith.addi %mul3A_231, %add3A_315 : i32
        %get3A_317 = arith.constant 2 : i32
        %get3A_318 = arith.index_cast %get3A_317 : i32 to index
        %get3A_319 = arith.index_cast %add3A_316 : i32 to index
        %get3A_320 = tpu.vector_load %arg6[%get3A_318, %get3A_319] {strides = array<i32>} : memref<8x6400xf32, #tpu.memory_space<vmem>>, vector<1x16xf32>,
        %get3A_321 = vector.shape_cast %get3A_320 : vector<1x16xf32> to vector<16xf32>
        %mul3A_322 = arith.mulf %get3A_321, %add3A_80 : vector<16xf32>
        %swap3A_323 = arith.constant 2 : i32
        %swap3A_324 = arith.index_cast %swap3A_323 : i32 to index
        %swap3A_325 = arith.index_cast %add3A_316 : i32 to index
        %swap3A_326 = tpu.vector_load %arg7[%swap3A_324, %swap3A_325] {strides = array<i32>} : memref<8x6400xf32, #tpu.memory_space<vmem>>, vector<1x16xf32>,
        %swap3A_327 = vector.shape_cast %swap3A_326 : vector<1x16xf32> to vector<16xf32>
        %swap3A_328 = vector.shape_cast %mul3A_322 : vector<16xf32> to vector<1x16xf32>
        tpu.vector_store %arg7[%swap3A_324, %swap3A_325], %swap3A_328 {strides = array<i32>} : memref<8x6400xf32, #tpu.memory_space<vmem>>, vector<1x16xf32>,
        %add3A_329 = arith.constant 112 : i32
        %add3A_330 = arith.addi %mul3A_231, %add3A_329 : i32
        %get3A_331 = arith.constant 2 : i32
        %get3A_332 = arith.index_cast %get3A_331 : i32 to index
        %get3A_333 = arith.index_cast %add3A_330 : i32 to index
        %get3A_334 = tpu.vector_load %arg6[%get3A_332, %get3A_333] {strides = array<i32>} : memref<8x6400xf32, #tpu.memory_space<vmem>>, vector<1x16xf32>,
        %get3A_335 = vector.shape_cast %get3A_334 : vector<1x16xf32> to vector<16xf32>
        %mul3A_336 = arith.mulf %get3A_335, %add3A_80 : vector<16xf32>
        %swap3A_337 = arith.constant 2 : i32
        %swap3A_338 = arith.index_cast %swap3A_337 : i32 to index
        %swap3A_339 = arith.index_cast %add3A_330 : i32 to index
        %swap3A_340 = tpu.vector_load %arg7[%swap3A_338, %swap3A_339] {strides = array<i32>} : memref<8x6400xf32, #tpu.memory_space<vmem>>, vector<1x16xf32>,
        %swap3A_341 = vector.shape_cast %swap3A_340 : vector<1x16xf32> to vector<16xf32>
        %swap3A_342 = vector.shape_cast %mul3A_336 : vector<16xf32> to vector<1x16xf32>
        tpu.vector_store %arg7[%swap3A_338, %swap3A_339], %swap3A_342 {strides = array<i32>} : memref<8x6400xf32, #tpu.memory_space<vmem>>, vector<1x16xf32>,
      }
      %scan3A_198 = arith.constant 50 : i32
      %scan3A_199 = arith.constant 0 : i32
      %scan3A_200 = arith.constant 0 : i32
      %scan3A_201 = arith.constant 50 : i32
      %scan3A_202 = arith.addi %scan3A_200, %scan3A_201 : i32
      %scan3A_203 = arith.constant 1 : i32
      scf.for %scan3A_229 = %scan3A_200 to %scan3A_202 step %scan3A_203  : i32 {
        %mul3A_230 = arith.constant 128 : i32
        %mul3A_231 = arith.muli %scan3A_229, %mul3A_230 : i32
        %add3A_232 = arith.constant 0 : i32
        %add3A_233 = arith.addi %mul3A_231, %add3A_232 : i32
        %get3A_234 = arith.constant 3 : i32
        %get3A_235 = arith.index_cast %get3A_234 : i32 to index
        %get3A_236 = arith.index_cast %add3A_233 : i32 to index
        %get3A_237 = tpu.vector_load %arg6[%get3A_235, %get3A_236] {strides = array<i32>} : memref<8x6400xf32, #tpu.memory_space<vmem>>, vector<1x16xf32>,
        %get3A_238 = vector.shape_cast %get3A_237 : vector<1x16xf32> to vector<16xf32>
        %mul3A_239 = arith.mulf %get3A_238, %add3A_97 : vector<16xf32>
        %swap3A = arith.constant 3 : i32
        %swap3A_240 = arith.index_cast %swap3A : i32 to index
        %swap3A_241 = arith.index_cast %add3A_233 : i32 to index
        %swap3A_242 = tpu.vector_load %arg7[%swap3A_240, %swap3A_241] {strides = array<i32>} : memref<8x6400xf32, #tpu.memory_space<vmem>>, vector<1x16xf32>,
        %swap3A_243 = vector.shape_cast %swap3A_242 : vector<1x16xf32> to vector<16xf32>
        %swap3A_244 = vector.shape_cast %mul3A_239 : vector<16xf32> to vector<1x16xf32>
        tpu.vector_store %arg7[%swap3A_240, %swap3A_241], %swap3A_244 {strides = array<i32>} : memref<8x6400xf32, #tpu.memory_space<vmem>>, vector<1x16xf32>,
        %add3A_245 = arith.constant 16 : i32
        %add3A_246 = arith.addi %mul3A_231, %add3A_245 : i32
        %get3A_247 = arith.constant 3 : i32
        %get3A_248 = arith.index_cast %get3A_247 : i32 to index
        %get3A_249 = arith.index_cast %add3A_246 : i32 to index
        %get3A_250 = tpu.vector_load %arg6[%get3A_248, %get3A_249] {strides = array<i32>} : memref<8x6400xf32, #tpu.memory_space<vmem>>, vector<1x16xf32>,
        %get3A_251 = vector.shape_cast %get3A_250 : vector<1x16xf32> to vector<16xf32>
        %mul3A_252 = arith.mulf %get3A_251, %add3A_97 : vector<16xf32>
        %swap3A_253 = arith.constant 3 : i32
        %swap3A_254 = arith.index_cast %swap3A_253 : i32 to index
        %swap3A_255 = arith.index_cast %add3A_246 : i32 to index
        %swap3A_256 = tpu.vector_load %arg7[%swap3A_254, %swap3A_255] {strides = array<i32>} : memref<8x6400xf32, #tpu.memory_space<vmem>>, vector<1x16xf32>,
        %swap3A_257 = vector.shape_cast %swap3A_256 : vector<1x16xf32> to vector<16xf32>
        %swap3A_258 = vector.shape_cast %mul3A_252 : vector<16xf32> to vector<1x16xf32>
        tpu.vector_store %arg7[%swap3A_254, %swap3A_255], %swap3A_258 {strides = array<i32>} : memref<8x6400xf32, #tpu.memory_space<vmem>>, vector<1x16xf32>,
        %add3A_259 = arith.constant 32 : i32
        %add3A_260 = arith.addi %mul3A_231, %add3A_259 : i32
        %get3A_261 = arith.constant 3 : i32
        %get3A_262 = arith.index_cast %get3A_261 : i32 to index
        %get3A_263 = arith.index_cast %add3A_260 : i32 to index
        %get3A_264 = tpu.vector_load %arg6[%get3A_262, %get3A_263] {strides = array<i32>} : memref<8x6400xf32, #tpu.memory_space<vmem>>, vector<1x16xf32>,
        %get3A_265 = vector.shape_cast %get3A_264 : vector<1x16xf32> to vector<16xf32>
        %mul3A_266 = arith.mulf %get3A_265, %add3A_97 : vector<16xf32>
        %swap3A_267 = arith.constant 3 : i32
        %swap3A_268 = arith.index_cast %swap3A_267 : i32 to index
        %swap3A_269 = arith.index_cast %add3A_260 : i32 to index
        %swap3A_270 = tpu.vector_load %arg7[%swap3A_268, %swap3A_269] {strides = array<i32>} : memref<8x6400xf32, #tpu.memory_space<vmem>>, vector<1x16xf32>,
        %swap3A_271 = vector.shape_cast %swap3A_270 : vector<1x16xf32> to vector<16xf32>
        %swap3A_272 = vector.shape_cast %mul3A_266 : vector<16xf32> to vector<1x16xf32>
        tpu.vector_store %arg7[%swap3A_268, %swap3A_269], %swap3A_272 {strides = array<i32>} : memref<8x6400xf32, #tpu.memory_space<vmem>>, vector<1x16xf32>,
        %add3A_273 = arith.constant 48 : i32
        %add3A_274 = arith.addi %mul3A_231, %add3A_273 : i32
        %get3A_275 = arith.constant 3 : i32
        %get3A_276 = arith.index_cast %get3A_275 : i32 to index
        %get3A_277 = arith.index_cast %add3A_274 : i32 to index
        %get3A_278 = tpu.vector_load %arg6[%get3A_276, %get3A_277] {strides = array<i32>} : memref<8x6400xf32, #tpu.memory_space<vmem>>, vector<1x16xf32>,
        %get3A_279 = vector.shape_cast %get3A_278 : vector<1x16xf32> to vector<16xf32>
        %mul3A_280 = arith.mulf %get3A_279, %add3A_97 : vector<16xf32>
        %swap3A_281 = arith.constant 3 : i32
        %swap3A_282 = arith.index_cast %swap3A_281 : i32 to index
        %swap3A_283 = arith.index_cast %add3A_274 : i32 to index
        %swap3A_284 = tpu.vector_load %arg7[%swap3A_282, %swap3A_283] {strides = array<i32>} : memref<8x6400xf32, #tpu.memory_space<vmem>>, vector<1x16xf32>,
        %swap3A_285 = vector.shape_cast %swap3A_284 : vector<1x16xf32> to vector<16xf32>
        %swap3A_286 = vector.shape_cast %mul3A_280 : vector<16xf32> to vector<1x16xf32>
        tpu.vector_store %arg7[%swap3A_282, %swap3A_283], %swap3A_286 {strides = array<i32>} : memref<8x6400xf32, #tpu.memory_space<vmem>>, vector<1x16xf32>,
        %add3A_287 = arith.constant 64 : i32
        %add3A_288 = arith.addi %mul3A_231, %add3A_287 : i32
        %get3A_289 = arith.constant 3 : i32
        %get3A_290 = arith.index_cast %get3A_289 : i32 to index
        %get3A_291 = arith.index_cast %add3A_288 : i32 to index
        %get3A_292 = tpu.vector_load %arg6[%get3A_290, %get3A_291] {strides = array<i32>} : memref<8x6400xf32, #tpu.memory_space<vmem>>, vector<1x16xf32>,
        %get3A_293 = vector.shape_cast %get3A_292 : vector<1x16xf32> to vector<16xf32>
        %mul3A_294 = arith.mulf %get3A_293, %add3A_97 : vector<16xf32>
        %swap3A_295 = arith.constant 3 : i32
        %swap3A_296 = arith.index_cast %swap3A_295 : i32 to index
        %swap3A_297 = arith.index_cast %add3A_288 : i32 to index
        %swap3A_298 = tpu.vector_load %arg7[%swap3A_296, %swap3A_297] {strides = array<i32>} : memref<8x6400xf32, #tpu.memory_space<vmem>>, vector<1x16xf32>,
        %swap3A_299 = vector.shape_cast %swap3A_298 : vector<1x16xf32> to vector<16xf32>
        %swap3A_300 = vector.shape_cast %mul3A_294 : vector<16xf32> to vector<1x16xf32>
        tpu.vector_store %arg7[%swap3A_296, %swap3A_297], %swap3A_300 {strides = array<i32>} : memref<8x6400xf32, #tpu.memory_space<vmem>>, vector<1x16xf32>,
        %add3A_301 = arith.constant 80 : i32
        %add3A_302 = arith.addi %mul3A_231, %add3A_301 : i32
        %get3A_303 = arith.constant 3 : i32
        %get3A_304 = arith.index_cast %get3A_303 : i32 to index
        %get3A_305 = arith.index_cast %add3A_302 : i32 to index
        %get3A_306 = tpu.vector_load %arg6[%get3A_304, %get3A_305] {strides = array<i32>} : memref<8x6400xf32, #tpu.memory_space<vmem>>, vector<1x16xf32>,
        %get3A_307 = vector.shape_cast %get3A_306 : vector<1x16xf32> to vector<16xf32>
        %mul3A_308 = arith.mulf %get3A_307, %add3A_97 : vector<16xf32>
        %swap3A_309 = arith.constant 3 : i32
        %swap3A_310 = arith.index_cast %swap3A_309 : i32 to index
        %swap3A_311 = arith.index_cast %add3A_302 : i32 to index
        %swap3A_312 = tpu.vector_load %arg7[%swap3A_310, %swap3A_311] {strides = array<i32>} : memref<8x6400xf32, #tpu.memory_space<vmem>>, vector<1x16xf32>,
        %swap3A_313 = vector.shape_cast %swap3A_312 : vector<1x16xf32> to vector<16xf32>
        %swap3A_314 = vector.shape_cast %mul3A_308 : vector<16xf32> to vector<1x16xf32>
        tpu.vector_store %arg7[%swap3A_310, %swap3A_311], %swap3A_314 {strides = array<i32>} : memref<8x6400xf32, #tpu.memory_space<vmem>>, vector<1x16xf32>,
        %add3A_315 = arith.constant 96 : i32
        %add3A_316 = arith.addi %mul3A_231, %add3A_315 : i32
        %get3A_317 = arith.constant 3 : i32
        %get3A_318 = arith.index_cast %get3A_317 : i32 to index
        %get3A_319 = arith.index_cast %add3A_316 : i32 to index
        %get3A_320 = tpu.vector_load %arg6[%get3A_318, %get3A_319] {strides = array<i32>} : memref<8x6400xf32, #tpu.memory_space<vmem>>, vector<1x16xf32>,
        %get3A_321 = vector.shape_cast %get3A_320 : vector<1x16xf32> to vector<16xf32>
        %mul3A_322 = arith.mulf %get3A_321, %add3A_97 : vector<16xf32>
        %swap3A_323 = arith.constant 3 : i32
        %swap3A_324 = arith.index_cast %swap3A_323 : i32 to index
        %swap3A_325 = arith.index_cast %add3A_316 : i32 to index
        %swap3A_326 = tpu.vector_load %arg7[%swap3A_324, %swap3A_325] {strides = array<i32>} : memref<8x6400xf32, #tpu.memory_space<vmem>>, vector<1x16xf32>,
        %swap3A_327 = vector.shape_cast %swap3A_326 : vector<1x16xf32> to vector<16xf32>
        %swap3A_328 = vector.shape_cast %mul3A_322 : vector<16xf32> to vector<1x16xf32>
        tpu.vector_store %arg7[%swap3A_324, %swap3A_325], %swap3A_328 {strides = array<i32>} : memref<8x6400xf32, #tpu.memory_space<vmem>>, vector<1x16xf32>,
        %add3A_329 = arith.constant 112 : i32
        %add3A_330 = arith.addi %mul3A_231, %add3A_329 : i32
        %get3A_331 = arith.constant 3 : i32
        %get3A_332 = arith.index_cast %get3A_331 : i32 to index
        %get3A_333 = arith.index_cast %add3A_330 : i32 to index
        %get3A_334 = tpu.vector_load %arg6[%get3A_332, %get3A_333] {strides = array<i32>} : memref<8x6400xf32, #tpu.memory_space<vmem>>, vector<1x16xf32>,
        %get3A_335 = vector.shape_cast %get3A_334 : vector<1x16xf32> to vector<16xf32>
        %mul3A_336 = arith.mulf %get3A_335, %add3A_97 : vector<16xf32>
        %swap3A_337 = arith.constant 3 : i32
        %swap3A_338 = arith.index_cast %swap3A_337 : i32 to index
        %swap3A_339 = arith.index_cast %add3A_330 : i32 to index
        %swap3A_340 = tpu.vector_load %arg7[%swap3A_338, %swap3A_339] {strides = array<i32>} : memref<8x6400xf32, #tpu.memory_space<vmem>>, vector<1x16xf32>,
        %swap3A_341 = vector.shape_cast %swap3A_340 : vector<1x16xf32> to vector<16xf32>
        %swap3A_342 = vector.shape_cast %mul3A_336 : vector<16xf32> to vector<1x16xf32>
        tpu.vector_store %arg7[%swap3A_338, %swap3A_339], %swap3A_342 {strides = array<i32>} : memref<8x6400xf32, #tpu.memory_space<vmem>>, vector<1x16xf32>,
      }
      %scan3A_204 = arith.constant 50 : i32
      %scan3A_205 = arith.constant 0 : i32
      %scan3A_206 = arith.constant 0 : i32
      %scan3A_207 = arith.constant 50 : i32
      %scan3A_208 = arith.addi %scan3A_206, %scan3A_207 : i32
      %scan3A_209 = arith.constant 1 : i32
      scf.for %scan3A_229 = %scan3A_206 to %scan3A_208 step %scan3A_209  : i32 {
        %mul3A_230 = arith.constant 128 : i32
        %mul3A_231 = arith.muli %scan3A_229, %mul3A_230 : i32
        %add3A_232 = arith.constant 0 : i32
        %add3A_233 = arith.addi %mul3A_231, %add3A_232 : i32
        %get3A_234 = arith.constant 4 : i32
        %get3A_235 = arith.index_cast %get3A_234 : i32 to index
        %get3A_236 = arith.index_cast %add3A_233 : i32 to index
        %get3A_237 = tpu.vector_load %arg6[%get3A_235, %get3A_236] {strides = array<i32>} : memref<8x6400xf32, #tpu.memory_space<vmem>>, vector<1x16xf32>,
        %get3A_238 = vector.shape_cast %get3A_237 : vector<1x16xf32> to vector<16xf32>
        %mul3A_239 = arith.mulf %get3A_238, %add3A_114 : vector<16xf32>
        %swap3A = arith.constant 4 : i32
        %swap3A_240 = arith.index_cast %swap3A : i32 to index
        %swap3A_241 = arith.index_cast %add3A_233 : i32 to index
        %swap3A_242 = tpu.vector_load %arg7[%swap3A_240, %swap3A_241] {strides = array<i32>} : memref<8x6400xf32, #tpu.memory_space<vmem>>, vector<1x16xf32>,
        %swap3A_243 = vector.shape_cast %swap3A_242 : vector<1x16xf32> to vector<16xf32>
        %swap3A_244 = vector.shape_cast %mul3A_239 : vector<16xf32> to vector<1x16xf32>
        tpu.vector_store %arg7[%swap3A_240, %swap3A_241], %swap3A_244 {strides = array<i32>} : memref<8x6400xf32, #tpu.memory_space<vmem>>, vector<1x16xf32>,
        %add3A_245 = arith.constant 16 : i32
        %add3A_246 = arith.addi %mul3A_231, %add3A_245 : i32
        %get3A_247 = arith.constant 4 : i32
        %get3A_248 = arith.index_cast %get3A_247 : i32 to index
        %get3A_249 = arith.index_cast %add3A_246 : i32 to index
        %get3A_250 = tpu.vector_load %arg6[%get3A_248, %get3A_249] {strides = array<i32>} : memref<8x6400xf32, #tpu.memory_space<vmem>>, vector<1x16xf32>,
        %get3A_251 = vector.shape_cast %get3A_250 : vector<1x16xf32> to vector<16xf32>
        %mul3A_252 = arith.mulf %get3A_251, %add3A_114 : vector<16xf32>
        %swap3A_253 = arith.constant 4 : i32
        %swap3A_254 = arith.index_cast %swap3A_253 : i32 to index
        %swap3A_255 = arith.index_cast %add3A_246 : i32 to index
        %swap3A_256 = tpu.vector_load %arg7[%swap3A_254, %swap3A_255] {strides = array<i32>} : memref<8x6400xf32, #tpu.memory_space<vmem>>, vector<1x16xf32>,
        %swap3A_257 = vector.shape_cast %swap3A_256 : vector<1x16xf32> to vector<16xf32>
        %swap3A_258 = vector.shape_cast %mul3A_252 : vector<16xf32> to vector<1x16xf32>
        tpu.vector_store %arg7[%swap3A_254, %swap3A_255], %swap3A_258 {strides = array<i32>} : memref<8x6400xf32, #tpu.memory_space<vmem>>, vector<1x16xf32>,
        %add3A_259 = arith.constant 32 : i32
        %add3A_260 = arith.addi %mul3A_231, %add3A_259 : i32
        %get3A_261 = arith.constant 4 : i32
        %get3A_262 = arith.index_cast %get3A_261 : i32 to index
        %get3A_263 = arith.index_cast %add3A_260 : i32 to index
        %get3A_264 = tpu.vector_load %arg6[%get3A_262, %get3A_263] {strides = array<i32>} : memref<8x6400xf32, #tpu.memory_space<vmem>>, vector<1x16xf32>,
        %get3A_265 = vector.shape_cast %get3A_264 : vector<1x16xf32> to vector<16xf32>
        %mul3A_266 = arith.mulf %get3A_265, %add3A_114 : vector<16xf32>
        %swap3A_267 = arith.constant 4 : i32
        %swap3A_268 = arith.index_cast %swap3A_267 : i32 to index
        %swap3A_269 = arith.index_cast %add3A_260 : i32 to index
        %swap3A_270 = tpu.vector_load %arg7[%swap3A_268, %swap3A_269] {strides = array<i32>} : memref<8x6400xf32, #tpu.memory_space<vmem>>, vector<1x16xf32>,
        %swap3A_271 = vector.shape_cast %swap3A_270 : vector<1x16xf32> to vector<16xf32>
        %swap3A_272 = vector.shape_cast %mul3A_266 : vector<16xf32> to vector<1x16xf32>
        tpu.vector_store %arg7[%swap3A_268, %swap3A_269], %swap3A_272 {strides = array<i32>} : memref<8x6400xf32, #tpu.memory_space<vmem>>, vector<1x16xf32>,
        %add3A_273 = arith.constant 48 : i32
        %add3A_274 = arith.addi %mul3A_231, %add3A_273 : i32
        %get3A_275 = arith.constant 4 : i32
        %get3A_276 = arith.index_cast %get3A_275 : i32 to index
        %get3A_277 = arith.index_cast %add3A_274 : i32 to index
        %get3A_278 = tpu.vector_load %arg6[%get3A_276, %get3A_277] {strides = array<i32>} : memref<8x6400xf32, #tpu.memory_space<vmem>>, vector<1x16xf32>,
        %get3A_279 = vector.shape_cast %get3A_278 : vector<1x16xf32> to vector<16xf32>
        %mul3A_280 = arith.mulf %get3A_279, %add3A_114 : vector<16xf32>
        %swap3A_281 = arith.constant 4 : i32
        %swap3A_282 = arith.index_cast %swap3A_281 : i32 to index
        %swap3A_283 = arith.index_cast %add3A_274 : i32 to index
        %swap3A_284 = tpu.vector_load %arg7[%swap3A_282, %swap3A_283] {strides = array<i32>} : memref<8x6400xf32, #tpu.memory_space<vmem>>, vector<1x16xf32>,
        %swap3A_285 = vector.shape_cast %swap3A_284 : vector<1x16xf32> to vector<16xf32>
        %swap3A_286 = vector.shape_cast %mul3A_280 : vector<16xf32> to vector<1x16xf32>
        tpu.vector_store %arg7[%swap3A_282, %swap3A_283], %swap3A_286 {strides = array<i32>} : memref<8x6400xf32, #tpu.memory_space<vmem>>, vector<1x16xf32>,
        %add3A_287 = arith.constant 64 : i32
        %add3A_288 = arith.addi %mul3A_231, %add3A_287 : i32
        %get3A_289 = arith.constant 4 : i32
        %get3A_290 = arith.index_cast %get3A_289 : i32 to index
        %get3A_291 = arith.index_cast %add3A_288 : i32 to index
        %get3A_292 = tpu.vector_load %arg6[%get3A_290, %get3A_291] {strides = array<i32>} : memref<8x6400xf32, #tpu.memory_space<vmem>>, vector<1x16xf32>,
        %get3A_293 = vector.shape_cast %get3A_292 : vector<1x16xf32> to vector<16xf32>
        %mul3A_294 = arith.mulf %get3A_293, %add3A_114 : vector<16xf32>
        %swap3A_295 = arith.constant 4 : i32
        %swap3A_296 = arith.index_cast %swap3A_295 : i32 to index
        %swap3A_297 = arith.index_cast %add3A_288 : i32 to index
        %swap3A_298 = tpu.vector_load %arg7[%swap3A_296, %swap3A_297] {strides = array<i32>} : memref<8x6400xf32, #tpu.memory_space<vmem>>, vector<1x16xf32>,
        %swap3A_299 = vector.shape_cast %swap3A_298 : vector<1x16xf32> to vector<16xf32>
        %swap3A_300 = vector.shape_cast %mul3A_294 : vector<16xf32> to vector<1x16xf32>
        tpu.vector_store %arg7[%swap3A_296, %swap3A_297], %swap3A_300 {strides = array<i32>} : memref<8x6400xf32, #tpu.memory_space<vmem>>, vector<1x16xf32>,
        %add3A_301 = arith.constant 80 : i32
        %add3A_302 = arith.addi %mul3A_231, %add3A_301 : i32
        %get3A_303 = arith.constant 4 : i32
        %get3A_304 = arith.index_cast %get3A_303 : i32 to index
        %get3A_305 = arith.index_cast %add3A_302 : i32 to index
        %get3A_306 = tpu.vector_load %arg6[%get3A_304, %get3A_305] {strides = array<i32>} : memref<8x6400xf32, #tpu.memory_space<vmem>>, vector<1x16xf32>,
        %get3A_307 = vector.shape_cast %get3A_306 : vector<1x16xf32> to vector<16xf32>
        %mul3A_308 = arith.mulf %get3A_307, %add3A_114 : vector<16xf32>
        %swap3A_309 = arith.constant 4 : i32
        %swap3A_310 = arith.index_cast %swap3A_309 : i32 to index
        %swap3A_311 = arith.index_cast %add3A_302 : i32 to index
        %swap3A_312 = tpu.vector_load %arg7[%swap3A_310, %swap3A_311] {strides = array<i32>} : memref<8x6400xf32, #tpu.memory_space<vmem>>, vector<1x16xf32>,
        %swap3A_313 = vector.shape_cast %swap3A_312 : vector<1x16xf32> to vector<16xf32>
        %swap3A_314 = vector.shape_cast %mul3A_308 : vector<16xf32> to vector<1x16xf32>
        tpu.vector_store %arg7[%swap3A_310, %swap3A_311], %swap3A_314 {strides = array<i32>} : memref<8x6400xf32, #tpu.memory_space<vmem>>, vector<1x16xf32>,
        %add3A_315 = arith.constant 96 : i32
        %add3A_316 = arith.addi %mul3A_231, %add3A_315 : i32
        %get3A_317 = arith.constant 4 : i32
        %get3A_318 = arith.index_cast %get3A_317 : i32 to index
        %get3A_319 = arith.index_cast %add3A_316 : i32 to index
        %get3A_320 = tpu.vector_load %arg6[%get3A_318, %get3A_319] {strides = array<i32>} : memref<8x6400xf32, #tpu.memory_space<vmem>>, vector<1x16xf32>,
        %get3A_321 = vector.shape_cast %get3A_320 : vector<1x16xf32> to vector<16xf32>
        %mul3A_322 = arith.mulf %get3A_321, %add3A_114 : vector<16xf32>
        %swap3A_323 = arith.constant 4 : i32
        %swap3A_324 = arith.index_cast %swap3A_323 : i32 to index
        %swap3A_325 = arith.index_cast %add3A_316 : i32 to index
        %swap3A_326 = tpu.vector_load %arg7[%swap3A_324, %swap3A_325] {strides = array<i32>} : memref<8x6400xf32, #tpu.memory_space<vmem>>, vector<1x16xf32>,
        %swap3A_327 = vector.shape_cast %swap3A_326 : vector<1x16xf32> to vector<16xf32>
        %swap3A_328 = vector.shape_cast %mul3A_322 : vector<16xf32> to vector<1x16xf32>
        tpu.vector_store %arg7[%swap3A_324, %swap3A_325], %swap3A_328 {strides = array<i32>} : memref<8x6400xf32, #tpu.memory_space<vmem>>, vector<1x16xf32>,
        %add3A_329 = arith.constant 112 : i32
        %add3A_330 = arith.addi %mul3A_231, %add3A_329 : i32
        %get3A_331 = arith.constant 4 : i32
        %get3A_332 = arith.index_cast %get3A_331 : i32 to index
        %get3A_333 = arith.index_cast %add3A_330 : i32 to index
        %get3A_334 = tpu.vector_load %arg6[%get3A_332, %get3A_333] {strides = array<i32>} : memref<8x6400xf32, #tpu.memory_space<vmem>>, vector<1x16xf32>,
        %get3A_335 = vector.shape_cast %get3A_334 : vector<1x16xf32> to vector<16xf32>
        %mul3A_336 = arith.mulf %get3A_335, %add3A_114 : vector<16xf32>
        %swap3A_337 = arith.constant 4 : i32
        %swap3A_338 = arith.index_cast %swap3A_337 : i32 to index
        %swap3A_339 = arith.index_cast %add3A_330 : i32 to index
        %swap3A_340 = tpu.vector_load %arg7[%swap3A_338, %swap3A_339] {strides = array<i32>} : memref<8x6400xf32, #tpu.memory_space<vmem>>, vector<1x16xf32>,
        %swap3A_341 = vector.shape_cast %swap3A_340 : vector<1x16xf32> to vector<16xf32>
        %swap3A_342 = vector.shape_cast %mul3A_336 : vector<16xf32> to vector<1x16xf32>
        tpu.vector_store %arg7[%swap3A_338, %swap3A_339], %swap3A_342 {strides = array<i32>} : memref<8x6400xf32, #tpu.memory_space<vmem>>, vector<1x16xf32>,
      }
      %scan3A_210 = arith.constant 50 : i32
      %scan3A_211 = arith.constant 0 : i32
      %scan3A_212 = arith.constant 0 : i32
      %scan3A_213 = arith.constant 50 : i32
      %scan3A_214 = arith.addi %scan3A_212, %scan3A_213 : i32
      %scan3A_215 = arith.constant 1 : i32
      scf.for %scan3A_229 = %scan3A_212 to %scan3A_214 step %scan3A_215  : i32 {
        %mul3A_230 = arith.constant 128 : i32
        %mul3A_231 = arith.muli %scan3A_229, %mul3A_230 : i32
        %add3A_232 = arith.constant 0 : i32
        %add3A_233 = arith.addi %mul3A_231, %add3A_232 : i32
        %get3A_234 = arith.constant 5 : i32
        %get3A_235 = arith.index_cast %get3A_234 : i32 to index
        %get3A_236 = arith.index_cast %add3A_233 : i32 to index
        %get3A_237 = tpu.vector_load %arg6[%get3A_235, %get3A_236] {strides = array<i32>} : memref<8x6400xf32, #tpu.memory_space<vmem>>, vector<1x16xf32>,
        %get3A_238 = vector.shape_cast %get3A_237 : vector<1x16xf32> to vector<16xf32>
        %mul3A_239 = arith.mulf %get3A_238, %add3A_131 : vector<16xf32>
        %swap3A = arith.constant 5 : i32
        %swap3A_240 = arith.index_cast %swap3A : i32 to index
        %swap3A_241 = arith.index_cast %add3A_233 : i32 to index
        %swap3A_242 = tpu.vector_load %arg7[%swap3A_240, %swap3A_241] {strides = array<i32>} : memref<8x6400xf32, #tpu.memory_space<vmem>>, vector<1x16xf32>,
        %swap3A_243 = vector.shape_cast %swap3A_242 : vector<1x16xf32> to vector<16xf32>
        %swap3A_244 = vector.shape_cast %mul3A_239 : vector<16xf32> to vector<1x16xf32>
        tpu.vector_store %arg7[%swap3A_240, %swap3A_241], %swap3A_244 {strides = array<i32>} : memref<8x6400xf32, #tpu.memory_space<vmem>>, vector<1x16xf32>,
        %add3A_245 = arith.constant 16 : i32
        %add3A_246 = arith.addi %mul3A_231, %add3A_245 : i32
        %get3A_247 = arith.constant 5 : i32
        %get3A_248 = arith.index_cast %get3A_247 : i32 to index
        %get3A_249 = arith.index_cast %add3A_246 : i32 to index
        %get3A_250 = tpu.vector_load %arg6[%get3A_248, %get3A_249] {strides = array<i32>} : memref<8x6400xf32, #tpu.memory_space<vmem>>, vector<1x16xf32>,
        %get3A_251 = vector.shape_cast %get3A_250 : vector<1x16xf32> to vector<16xf32>
        %mul3A_252 = arith.mulf %get3A_251, %add3A_131 : vector<16xf32>
        %swap3A_253 = arith.constant 5 : i32
        %swap3A_254 = arith.index_cast %swap3A_253 : i32 to index
        %swap3A_255 = arith.index_cast %add3A_246 : i32 to index
        %swap3A_256 = tpu.vector_load %arg7[%swap3A_254, %swap3A_255] {strides = array<i32>} : memref<8x6400xf32, #tpu.memory_space<vmem>>, vector<1x16xf32>,
        %swap3A_257 = vector.shape_cast %swap3A_256 : vector<1x16xf32> to vector<16xf32>
        %swap3A_258 = vector.shape_cast %mul3A_252 : vector<16xf32> to vector<1x16xf32>
        tpu.vector_store %arg7[%swap3A_254, %swap3A_255], %swap3A_258 {strides = array<i32>} : memref<8x6400xf32, #tpu.memory_space<vmem>>, vector<1x16xf32>,
        %add3A_259 = arith.constant 32 : i32
        %add3A_260 = arith.addi %mul3A_231, %add3A_259 : i32
        %get3A_261 = arith.constant 5 : i32
        %get3A_262 = arith.index_cast %get3A_261 : i32 to index
        %get3A_263 = arith.index_cast %add3A_260 : i32 to index
        %get3A_264 = tpu.vector_load %arg6[%get3A_262, %get3A_263] {strides = array<i32>} : memref<8x6400xf32, #tpu.memory_space<vmem>>, vector<1x16xf32>,
        %get3A_265 = vector.shape_cast %get3A_264 : vector<1x16xf32> to vector<16xf32>
        %mul3A_266 = arith.mulf %get3A_265, %add3A_131 : vector<16xf32>
        %swap3A_267 = arith.constant 5 : i32
        %swap3A_268 = arith.index_cast %swap3A_267 : i32 to index
        %swap3A_269 = arith.index_cast %add3A_260 : i32 to index
        %swap3A_270 = tpu.vector_load %arg7[%swap3A_268, %swap3A_269] {strides = array<i32>} : memref<8x6400xf32, #tpu.memory_space<vmem>>, vector<1x16xf32>,
        %swap3A_271 = vector.shape_cast %swap3A_270 : vector<1x16xf32> to vector<16xf32>
        %swap3A_272 = vector.shape_cast %mul3A_266 : vector<16xf32> to vector<1x16xf32>
        tpu.vector_store %arg7[%swap3A_268, %swap3A_269], %swap3A_272 {strides = array<i32>} : memref<8x6400xf32, #tpu.memory_space<vmem>>, vector<1x16xf32>,
        %add3A_273 = arith.constant 48 : i32
        %add3A_274 = arith.addi %mul3A_231, %add3A_273 : i32
        %get3A_275 = arith.constant 5 : i32
        %get3A_276 = arith.index_cast %get3A_275 : i32 to index
        %get3A_277 = arith.index_cast %add3A_274 : i32 to index
        %get3A_278 = tpu.vector_load %arg6[%get3A_276, %get3A_277] {strides = array<i32>} : memref<8x6400xf32, #tpu.memory_space<vmem>>, vector<1x16xf32>,
        %get3A_279 = vector.shape_cast %get3A_278 : vector<1x16xf32> to vector<16xf32>
        %mul3A_280 = arith.mulf %get3A_279, %add3A_131 : vector<16xf32>
        %swap3A_281 = arith.constant 5 : i32
        %swap3A_282 = arith.index_cast %swap3A_281 : i32 to index
        %swap3A_283 = arith.index_cast %add3A_274 : i32 to index
        %swap3A_284 = tpu.vector_load %arg7[%swap3A_282, %swap3A_283] {strides = array<i32>} : memref<8x6400xf32, #tpu.memory_space<vmem>>, vector<1x16xf32>,
        %swap3A_285 = vector.shape_cast %swap3A_284 : vector<1x16xf32> to vector<16xf32>
        %swap3A_286 = vector.shape_cast %mul3A_280 : vector<16xf32> to vector<1x16xf32>
        tpu.vector_store %arg7[%swap3A_282, %swap3A_283], %swap3A_286 {strides = array<i32>} : memref<8x6400xf32, #tpu.memory_space<vmem>>, vector<1x16xf32>,
        %add3A_287 = arith.constant 64 : i32
        %add3A_288 = arith.addi %mul3A_231, %add3A_287 : i32
        %get3A_289 = arith.constant 5 : i32
        %get3A_290 = arith.index_cast %get3A_289 : i32 to index
        %get3A_291 = arith.index_cast %add3A_288 : i32 to index
        %get3A_292 = tpu.vector_load %arg6[%get3A_290, %get3A_291] {strides = array<i32>} : memref<8x6400xf32, #tpu.memory_space<vmem>>, vector<1x16xf32>,
        %get3A_293 = vector.shape_cast %get3A_292 : vector<1x16xf32> to vector<16xf32>
        %mul3A_294 = arith.mulf %get3A_293, %add3A_131 : vector<16xf32>
        %swap3A_295 = arith.constant 5 : i32
        %swap3A_296 = arith.index_cast %swap3A_295 : i32 to index
        %swap3A_297 = arith.index_cast %add3A_288 : i32 to index
        %swap3A_298 = tpu.vector_load %arg7[%swap3A_296, %swap3A_297] {strides = array<i32>} : memref<8x6400xf32, #tpu.memory_space<vmem>>, vector<1x16xf32>,
        %swap3A_299 = vector.shape_cast %swap3A_298 : vector<1x16xf32> to vector<16xf32>
        %swap3A_300 = vector.shape_cast %mul3A_294 : vector<16xf32> to vector<1x16xf32>
        tpu.vector_store %arg7[%swap3A_296, %swap3A_297], %swap3A_300 {strides = array<i32>} : memref<8x6400xf32, #tpu.memory_space<vmem>>, vector<1x16xf32>,
        %add3A_301 = arith.constant 80 : i32
        %add3A_302 = arith.addi %mul3A_231, %add3A_301 : i32
        %get3A_303 = arith.constant 5 : i32
        %get3A_304 = arith.index_cast %get3A_303 : i32 to index
        %get3A_305 = arith.index_cast %add3A_302 : i32 to index
        %get3A_306 = tpu.vector_load %arg6[%get3A_304, %get3A_305] {strides = array<i32>} : memref<8x6400xf32, #tpu.memory_space<vmem>>, vector<1x16xf32>,
        %get3A_307 = vector.shape_cast %get3A_306 : vector<1x16xf32> to vector<16xf32>
        %mul3A_308 = arith.mulf %get3A_307, %add3A_131 : vector<16xf32>
        %swap3A_309 = arith.constant 5 : i32
        %swap3A_310 = arith.index_cast %swap3A_309 : i32 to index
        %swap3A_311 = arith.index_cast %add3A_302 : i32 to index
        %swap3A_312 = tpu.vector_load %arg7[%swap3A_310, %swap3A_311] {strides = array<i32>} : memref<8x6400xf32, #tpu.memory_space<vmem>>, vector<1x16xf32>,
        %swap3A_313 = vector.shape_cast %swap3A_312 : vector<1x16xf32> to vector<16xf32>
        %swap3A_314 = vector.shape_cast %mul3A_308 : vector<16xf32> to vector<1x16xf32>
        tpu.vector_store %arg7[%swap3A_310, %swap3A_311], %swap3A_314 {strides = array<i32>} : memref<8x6400xf32, #tpu.memory_space<vmem>>, vector<1x16xf32>,
        %add3A_315 = arith.constant 96 : i32
        %add3A_316 = arith.addi %mul3A_231, %add3A_315 : i32
        %get3A_317 = arith.constant 5 : i32
        %get3A_318 = arith.index_cast %get3A_317 : i32 to index
        %get3A_319 = arith.index_cast %add3A_316 : i32 to index
        %get3A_320 = tpu.vector_load %arg6[%get3A_318, %get3A_319] {strides = array<i32>} : memref<8x6400xf32, #tpu.memory_space<vmem>>, vector<1x16xf32>,
        %get3A_321 = vector.shape_cast %get3A_320 : vector<1x16xf32> to vector<16xf32>
        %mul3A_322 = arith.mulf %get3A_321, %add3A_131 : vector<16xf32>
        %swap3A_323 = arith.constant 5 : i32
        %swap3A_324 = arith.index_cast %swap3A_323 : i32 to index
        %swap3A_325 = arith.index_cast %add3A_316 : i32 to index
        %swap3A_326 = tpu.vector_load %arg7[%swap3A_324, %swap3A_325] {strides = array<i32>} : memref<8x6400xf32, #tpu.memory_space<vmem>>, vector<1x16xf32>,
        %swap3A_327 = vector.shape_cast %swap3A_326 : vector<1x16xf32> to vector<16xf32>
        %swap3A_328 = vector.shape_cast %mul3A_322 : vector<16xf32> to vector<1x16xf32>
        tpu.vector_store %arg7[%swap3A_324, %swap3A_325], %swap3A_328 {strides = array<i32>} : memref<8x6400xf32, #tpu.memory_space<vmem>>, vector<1x16xf32>,
        %add3A_329 = arith.constant 112 : i32
        %add3A_330 = arith.addi %mul3A_231, %add3A_329 : i32
        %get3A_331 = arith.constant 5 : i32
        %get3A_332 = arith.index_cast %get3A_331 : i32 to index
        %get3A_333 = arith.index_cast %add3A_330 : i32 to index
        %get3A_334 = tpu.vector_load %arg6[%get3A_332, %get3A_333] {strides = array<i32>} : memref<8x6400xf32, #tpu.memory_space<vmem>>, vector<1x16xf32>,
        %get3A_335 = vector.shape_cast %get3A_334 : vector<1x16xf32> to vector<16xf32>
        %mul3A_336 = arith.mulf %get3A_335, %add3A_131 : vector<16xf32>
        %swap3A_337 = arith.constant 5 : i32
        %swap3A_338 = arith.index_cast %swap3A_337 : i32 to index
        %swap3A_339 = arith.index_cast %add3A_330 : i32 to index
        %swap3A_340 = tpu.vector_load %arg7[%swap3A_338, %swap3A_339] {strides = array<i32>} : memref<8x6400xf32, #tpu.memory_space<vmem>>, vector<1x16xf32>,
        %swap3A_341 = vector.shape_cast %swap3A_340 : vector<1x16xf32> to vector<16xf32>
        %swap3A_342 = vector.shape_cast %mul3A_336 : vector<16xf32> to vector<1x16xf32>
        tpu.vector_store %arg7[%swap3A_338, %swap3A_339], %swap3A_342 {strides = array<i32>} : memref<8x6400xf32, #tpu.memory_space<vmem>>, vector<1x16xf32>,
      }
      %scan3A_216 = arith.constant 50 : i32
      %scan3A_217 = arith.constant 0 : i32
      %scan3A_218 = arith.constant 0 : i32
      %scan3A_219 = arith.constant 50 : i32
      %scan3A_220 = arith.addi %scan3A_218, %scan3A_219 : i32
      %scan3A_221 = arith.constant 1 : i32
      scf.for %scan3A_229 = %scan3A_218 to %scan3A_220 step %scan3A_221  : i32 {
        %mul3A_230 = arith.constant 128 : i32
        %mul3A_231 = arith.muli %scan3A_229, %mul3A_230 : i32
        %add3A_232 = arith.constant 0 : i32
        %add3A_233 = arith.addi %mul3A_231, %add3A_232 : i32
        %get3A_234 = arith.constant 6 : i32
        %get3A_235 = arith.index_cast %get3A_234 : i32 to index
        %get3A_236 = arith.index_cast %add3A_233 : i32 to index
        %get3A_237 = tpu.vector_load %arg6[%get3A_235, %get3A_236] {strides = array<i32>} : memref<8x6400xf32, #tpu.memory_space<vmem>>, vector<1x16xf32>,
        %get3A_238 = vector.shape_cast %get3A_237 : vector<1x16xf32> to vector<16xf32>
        %mul3A_239 = arith.mulf %get3A_238, %add3A_148 : vector<16xf32>
        %swap3A = arith.constant 6 : i32
        %swap3A_240 = arith.index_cast %swap3A : i32 to index
        %swap3A_241 = arith.index_cast %add3A_233 : i32 to index
        %swap3A_242 = tpu.vector_load %arg7[%swap3A_240, %swap3A_241] {strides = array<i32>} : memref<8x6400xf32, #tpu.memory_space<vmem>>, vector<1x16xf32>,
        %swap3A_243 = vector.shape_cast %swap3A_242 : vector<1x16xf32> to vector<16xf32>
        %swap3A_244 = vector.shape_cast %mul3A_239 : vector<16xf32> to vector<1x16xf32>
        tpu.vector_store %arg7[%swap3A_240, %swap3A_241], %swap3A_244 {strides = array<i32>} : memref<8x6400xf32, #tpu.memory_space<vmem>>, vector<1x16xf32>,
        %add3A_245 = arith.constant 16 : i32
        %add3A_246 = arith.addi %mul3A_231, %add3A_245 : i32
        %get3A_247 = arith.constant 6 : i32
        %get3A_248 = arith.index_cast %get3A_247 : i32 to index
        %get3A_249 = arith.index_cast %add3A_246 : i32 to index
        %get3A_250 = tpu.vector_load %arg6[%get3A_248, %get3A_249] {strides = array<i32>} : memref<8x6400xf32, #tpu.memory_space<vmem>>, vector<1x16xf32>,
        %get3A_251 = vector.shape_cast %get3A_250 : vector<1x16xf32> to vector<16xf32>
        %mul3A_252 = arith.mulf %get3A_251, %add3A_148 : vector<16xf32>
        %swap3A_253 = arith.constant 6 : i32
        %swap3A_254 = arith.index_cast %swap3A_253 : i32 to index
        %swap3A_255 = arith.index_cast %add3A_246 : i32 to index
        %swap3A_256 = tpu.vector_load %arg7[%swap3A_254, %swap3A_255] {strides = array<i32>} : memref<8x6400xf32, #tpu.memory_space<vmem>>, vector<1x16xf32>,
        %swap3A_257 = vector.shape_cast %swap3A_256 : vector<1x16xf32> to vector<16xf32>
        %swap3A_258 = vector.shape_cast %mul3A_252 : vector<16xf32> to vector<1x16xf32>
        tpu.vector_store %arg7[%swap3A_254, %swap3A_255], %swap3A_258 {strides = array<i32>} : memref<8x6400xf32, #tpu.memory_space<vmem>>, vector<1x16xf32>,
        %add3A_259 = arith.constant 32 : i32
        %add3A_260 = arith.addi %mul3A_231, %add3A_259 : i32
        %get3A_261 = arith.constant 6 : i32
        %get3A_262 = arith.index_cast %get3A_261 : i32 to index
        %get3A_263 = arith.index_cast %add3A_260 : i32 to index
        %get3A_264 = tpu.vector_load %arg6[%get3A_262, %get3A_263] {strides = array<i32>} : memref<8x6400xf32, #tpu.memory_space<vmem>>, vector<1x16xf32>,
        %get3A_265 = vector.shape_cast %get3A_264 : vector<1x16xf32> to vector<16xf32>
        %mul3A_266 = arith.mulf %get3A_265, %add3A_148 : vector<16xf32>
        %swap3A_267 = arith.constant 6 : i32
        %swap3A_268 = arith.index_cast %swap3A_267 : i32 to index
        %swap3A_269 = arith.index_cast %add3A_260 : i32 to index
        %swap3A_270 = tpu.vector_load %arg7[%swap3A_268, %swap3A_269] {strides = array<i32>} : memref<8x6400xf32, #tpu.memory_space<vmem>>, vector<1x16xf32>,
        %swap3A_271 = vector.shape_cast %swap3A_270 : vector<1x16xf32> to vector<16xf32>
        %swap3A_272 = vector.shape_cast %mul3A_266 : vector<16xf32> to vector<1x16xf32>
        tpu.vector_store %arg7[%swap3A_268, %swap3A_269], %swap3A_272 {strides = array<i32>} : memref<8x6400xf32, #tpu.memory_space<vmem>>, vector<1x16xf32>,
        %add3A_273 = arith.constant 48 : i32
        %add3A_274 = arith.addi %mul3A_231, %add3A_273 : i32
        %get3A_275 = arith.constant 6 : i32
        %get3A_276 = arith.index_cast %get3A_275 : i32 to index
        %get3A_277 = arith.index_cast %add3A_274 : i32 to index
        %get3A_278 = tpu.vector_load %arg6[%get3A_276, %get3A_277] {strides = array<i32>} : memref<8x6400xf32, #tpu.memory_space<vmem>>, vector<1x16xf32>,
        %get3A_279 = vector.shape_cast %get3A_278 : vector<1x16xf32> to vector<16xf32>
        %mul3A_280 = arith.mulf %get3A_279, %add3A_148 : vector<16xf32>
        %swap3A_281 = arith.constant 6 : i32
        %swap3A_282 = arith.index_cast %swap3A_281 : i32 to index
        %swap3A_283 = arith.index_cast %add3A_274 : i32 to index
        %swap3A_284 = tpu.vector_load %arg7[%swap3A_282, %swap3A_283] {strides = array<i32>} : memref<8x6400xf32, #tpu.memory_space<vmem>>, vector<1x16xf32>,
        %swap3A_285 = vector.shape_cast %swap3A_284 : vector<1x16xf32> to vector<16xf32>
        %swap3A_286 = vector.shape_cast %mul3A_280 : vector<16xf32> to vector<1x16xf32>
        tpu.vector_store %arg7[%swap3A_282, %swap3A_283], %swap3A_286 {strides = array<i32>} : memref<8x6400xf32, #tpu.memory_space<vmem>>, vector<1x16xf32>,
        %add3A_287 = arith.constant 64 : i32
        %add3A_288 = arith.addi %mul3A_231, %add3A_287 : i32
        %get3A_289 = arith.constant 6 : i32
        %get3A_290 = arith.index_cast %get3A_289 : i32 to index
        %get3A_291 = arith.index_cast %add3A_288 : i32 to index
        %get3A_292 = tpu.vector_load %arg6[%get3A_290, %get3A_291] {strides = array<i32>} : memref<8x6400xf32, #tpu.memory_space<vmem>>, vector<1x16xf32>,
        %get3A_293 = vector.shape_cast %get3A_292 : vector<1x16xf32> to vector<16xf32>
        %mul3A_294 = arith.mulf %get3A_293, %add3A_148 : vector<16xf32>
        %swap3A_295 = arith.constant 6 : i32
        %swap3A_296 = arith.index_cast %swap3A_295 : i32 to index
        %swap3A_297 = arith.index_cast %add3A_288 : i32 to index
        %swap3A_298 = tpu.vector_load %arg7[%swap3A_296, %swap3A_297] {strides = array<i32>} : memref<8x6400xf32, #tpu.memory_space<vmem>>, vector<1x16xf32>,
        %swap3A_299 = vector.shape_cast %swap3A_298 : vector<1x16xf32> to vector<16xf32>
        %swap3A_300 = vector.shape_cast %mul3A_294 : vector<16xf32> to vector<1x16xf32>
        tpu.vector_store %arg7[%swap3A_296, %swap3A_297], %swap3A_300 {strides = array<i32>} : memref<8x6400xf32, #tpu.memory_space<vmem>>, vector<1x16xf32>,
        %add3A_301 = arith.constant 80 : i32
        %add3A_302 = arith.addi %mul3A_231, %add3A_301 : i32
        %get3A_303 = arith.constant 6 : i32
        %get3A_304 = arith.index_cast %get3A_303 : i32 to index
        %get3A_305 = arith.index_cast %add3A_302 : i32 to index
        %get3A_306 = tpu.vector_load %arg6[%get3A_304, %get3A_305] {strides = array<i32>} : memref<8x6400xf32, #tpu.memory_space<vmem>>, vector<1x16xf32>,
        %get3A_307 = vector.shape_cast %get3A_306 : vector<1x16xf32> to vector<16xf32>
        %mul3A_308 = arith.mulf %get3A_307, %add3A_148 : vector<16xf32>
        %swap3A_309 = arith.constant 6 : i32
        %swap3A_310 = arith.index_cast %swap3A_309 : i32 to index
        %swap3A_311 = arith.index_cast %add3A_302 : i32 to index
        %swap3A_312 = tpu.vector_load %arg7[%swap3A_310, %swap3A_311] {strides = array<i32>} : memref<8x6400xf32, #tpu.memory_space<vmem>>, vector<1x16xf32>,
        %swap3A_313 = vector.shape_cast %swap3A_312 : vector<1x16xf32> to vector<16xf32>
        %swap3A_314 = vector.shape_cast %mul3A_308 : vector<16xf32> to vector<1x16xf32>
        tpu.vector_store %arg7[%swap3A_310, %swap3A_311], %swap3A_314 {strides = array<i32>} : memref<8x6400xf32, #tpu.memory_space<vmem>>, vector<1x16xf32>,
        %add3A_315 = arith.constant 96 : i32
        %add3A_316 = arith.addi %mul3A_231, %add3A_315 : i32
        %get3A_317 = arith.constant 6 : i32
        %get3A_318 = arith.index_cast %get3A_317 : i32 to index
        %get3A_319 = arith.index_cast %add3A_316 : i32 to index
        %get3A_320 = tpu.vector_load %arg6[%get3A_318, %get3A_319] {strides = array<i32>} : memref<8x6400xf32, #tpu.memory_space<vmem>>, vector<1x16xf32>,
        %get3A_321 = vector.shape_cast %get3A_320 : vector<1x16xf32> to vector<16xf32>
        %mul3A_322 = arith.mulf %get3A_321, %add3A_148 : vector<16xf32>
        %swap3A_323 = arith.constant 6 : i32
        %swap3A_324 = arith.index_cast %swap3A_323 : i32 to index
        %swap3A_325 = arith.index_cast %add3A_316 : i32 to index
        %swap3A_326 = tpu.vector_load %arg7[%swap3A_324, %swap3A_325] {strides = array<i32>} : memref<8x6400xf32, #tpu.memory_space<vmem>>, vector<1x16xf32>,
        %swap3A_327 = vector.shape_cast %swap3A_326 : vector<1x16xf32> to vector<16xf32>
        %swap3A_328 = vector.shape_cast %mul3A_322 : vector<16xf32> to vector<1x16xf32>
        tpu.vector_store %arg7[%swap3A_324, %swap3A_325], %swap3A_328 {strides = array<i32>} : memref<8x6400xf32, #tpu.memory_space<vmem>>, vector<1x16xf32>,
        %add3A_329 = arith.constant 112 : i32
        %add3A_330 = arith.addi %mul3A_231, %add3A_329 : i32
        %get3A_331 = arith.constant 6 : i32
        %get3A_332 = arith.index_cast %get3A_331 : i32 to index
        %get3A_333 = arith.index_cast %add3A_330 : i32 to index
        %get3A_334 = tpu.vector_load %arg6[%get3A_332, %get3A_333] {strides = array<i32>} : memref<8x6400xf32, #tpu.memory_space<vmem>>, vector<1x16xf32>,
        %get3A_335 = vector.shape_cast %get3A_334 : vector<1x16xf32> to vector<16xf32>
        %mul3A_336 = arith.mulf %get3A_335, %add3A_148 : vector<16xf32>
        %swap3A_337 = arith.constant 6 : i32
        %swap3A_338 = arith.index_cast %swap3A_337 : i32 to index
        %swap3A_339 = arith.index_cast %add3A_330 : i32 to index
        %swap3A_340 = tpu.vector_load %arg7[%swap3A_338, %swap3A_339] {strides = array<i32>} : memref<8x6400xf32, #tpu.memory_space<vmem>>, vector<1x16xf32>,
        %swap3A_341 = vector.shape_cast %swap3A_340 : vector<1x16xf32> to vector<16xf32>
        %swap3A_342 = vector.shape_cast %mul3A_336 : vector<16xf32> to vector<1x16xf32>
        tpu.vector_store %arg7[%swap3A_338, %swap3A_339], %swap3A_342 {strides = array<i32>} : memref<8x6400xf32, #tpu.memory_space<vmem>>, vector<1x16xf32>,
      }
      %scan3A_222 = arith.constant 50 : i32
      %scan3A_223 = arith.constant 0 : i32
      %scan3A_224 = arith.constant 0 : i32
      %scan3A_225 = arith.constant 50 : i32
      %scan3A_226 = arith.addi %scan3A_224, %scan3A_225 : i32
      %scan3A_227 = arith.constant 1 : i32
      scf.for %scan3A_229 = %scan3A_224 to %scan3A_226 step %scan3A_227  : i32 {
        %mul3A_230 = arith.constant 128 : i32
        %mul3A_231 = arith.muli %scan3A_229, %mul3A_230 : i32
        %add3A_232 = arith.constant 0 : i32
        %add3A_233 = arith.addi %mul3A_231, %add3A_232 : i32
        %get3A_234 = arith.constant 7 : i32
        %get3A_235 = arith.index_cast %get3A_234 : i32 to index
        %get3A_236 = arith.index_cast %add3A_233 : i32 to index
        %get3A_237 = tpu.vector_load %arg6[%get3A_235, %get3A_236] {strides = array<i32>} : memref<8x6400xf32, #tpu.memory_space<vmem>>, vector<1x16xf32>,
        %get3A_238 = vector.shape_cast %get3A_237 : vector<1x16xf32> to vector<16xf32>
        %mul3A_239 = arith.mulf %get3A_238, %add3A_165 : vector<16xf32>
        %swap3A = arith.constant 7 : i32
        %swap3A_240 = arith.index_cast %swap3A : i32 to index
        %swap3A_241 = arith.index_cast %add3A_233 : i32 to index
        %swap3A_242 = tpu.vector_load %arg7[%swap3A_240, %swap3A_241] {strides = array<i32>} : memref<8x6400xf32, #tpu.memory_space<vmem>>, vector<1x16xf32>,
        %swap3A_243 = vector.shape_cast %swap3A_242 : vector<1x16xf32> to vector<16xf32>
        %swap3A_244 = vector.shape_cast %mul3A_239 : vector<16xf32> to vector<1x16xf32>
        tpu.vector_store %arg7[%swap3A_240, %swap3A_241], %swap3A_244 {strides = array<i32>} : memref<8x6400xf32, #tpu.memory_space<vmem>>, vector<1x16xf32>,
        %add3A_245 = arith.constant 16 : i32
        %add3A_246 = arith.addi %mul3A_231, %add3A_245 : i32
        %get3A_247 = arith.constant 7 : i32
        %get3A_248 = arith.index_cast %get3A_247 : i32 to index
        %get3A_249 = arith.index_cast %add3A_246 : i32 to index
        %get3A_250 = tpu.vector_load %arg6[%get3A_248, %get3A_249] {strides = array<i32>} : memref<8x6400xf32, #tpu.memory_space<vmem>>, vector<1x16xf32>,
        %get3A_251 = vector.shape_cast %get3A_250 : vector<1x16xf32> to vector<16xf32>
        %mul3A_252 = arith.mulf %get3A_251, %add3A_165 : vector<16xf32>
        %swap3A_253 = arith.constant 7 : i32
        %swap3A_254 = arith.index_cast %swap3A_253 : i32 to index
        %swap3A_255 = arith.index_cast %add3A_246 : i32 to index
        %swap3A_256 = tpu.vector_load %arg7[%swap3A_254, %swap3A_255] {strides = array<i32>} : memref<8x6400xf32, #tpu.memory_space<vmem>>, vector<1x16xf32>,
        %swap3A_257 = vector.shape_cast %swap3A_256 : vector<1x16xf32> to vector<16xf32>
        %swap3A_258 = vector.shape_cast %mul3A_252 : vector<16xf32> to vector<1x16xf32>
        tpu.vector_store %arg7[%swap3A_254, %swap3A_255], %swap3A_258 {strides = array<i32>} : memref<8x6400xf32, #tpu.memory_space<vmem>>, vector<1x16xf32>,
        %add3A_259 = arith.constant 32 : i32
        %add3A_260 = arith.addi %mul3A_231, %add3A_259 : i32
        %get3A_261 = arith.constant 7 : i32
        %get3A_262 = arith.index_cast %get3A_261 : i32 to index
        %get3A_263 = arith.index_cast %add3A_260 : i32 to index
        %get3A_264 = tpu.vector_load %arg6[%get3A_262, %get3A_263] {strides = array<i32>} : memref<8x6400xf32, #tpu.memory_space<vmem>>, vector<1x16xf32>,
        %get3A_265 = vector.shape_cast %get3A_264 : vector<1x16xf32> to vector<16xf32>
        %mul3A_266 = arith.mulf %get3A_265, %add3A_165 : vector<16xf32>
        %swap3A_267 = arith.constant 7 : i32
        %swap3A_268 = arith.index_cast %swap3A_267 : i32 to index
        %swap3A_269 = arith.index_cast %add3A_260 : i32 to index
        %swap3A_270 = tpu.vector_load %arg7[%swap3A_268, %swap3A_269] {strides = array<i32>} : memref<8x6400xf32, #tpu.memory_space<vmem>>, vector<1x16xf32>,
        %swap3A_271 = vector.shape_cast %swap3A_270 : vector<1x16xf32> to vector<16xf32>
        %swap3A_272 = vector.shape_cast %mul3A_266 : vector<16xf32> to vector<1x16xf32>
        tpu.vector_store %arg7[%swap3A_268, %swap3A_269], %swap3A_272 {strides = array<i32>} : memref<8x6400xf32, #tpu.memory_space<vmem>>, vector<1x16xf32>,
        %add3A_273 = arith.constant 48 : i32
        %add3A_274 = arith.addi %mul3A_231, %add3A_273 : i32
        %get3A_275 = arith.constant 7 : i32
        %get3A_276 = arith.index_cast %get3A_275 : i32 to index
        %get3A_277 = arith.index_cast %add3A_274 : i32 to index
        %get3A_278 = tpu.vector_load %arg6[%get3A_276, %get3A_277] {strides = array<i32>} : memref<8x6400xf32, #tpu.memory_space<vmem>>, vector<1x16xf32>,
        %get3A_279 = vector.shape_cast %get3A_278 : vector<1x16xf32> to vector<16xf32>
        %mul3A_280 = arith.mulf %get3A_279, %add3A_165 : vector<16xf32>
        %swap3A_281 = arith.constant 7 : i32
        %swap3A_282 = arith.index_cast %swap3A_281 : i32 to index
        %swap3A_283 = arith.index_cast %add3A_274 : i32 to index
        %swap3A_284 = tpu.vector_load %arg7[%swap3A_282, %swap3A_283] {strides = array<i32>} : memref<8x6400xf32, #tpu.memory_space<vmem>>, vector<1x16xf32>,
        %swap3A_285 = vector.shape_cast %swap3A_284 : vector<1x16xf32> to vector<16xf32>
        %swap3A_286 = vector.shape_cast %mul3A_280 : vector<16xf32> to vector<1x16xf32>
        tpu.vector_store %arg7[%swap3A_282, %swap3A_283], %swap3A_286 {strides = array<i32>} : memref<8x6400xf32, #tpu.memory_space<vmem>>, vector<1x16xf32>,
        %add3A_287 = arith.constant 64 : i32
        %add3A_288 = arith.addi %mul3A_231, %add3A_287 : i32
        %get3A_289 = arith.constant 7 : i32
        %get3A_290 = arith.index_cast %get3A_289 : i32 to index
        %get3A_291 = arith.index_cast %add3A_288 : i32 to index
        %get3A_292 = tpu.vector_load %arg6[%get3A_290, %get3A_291] {strides = array<i32>} : memref<8x6400xf32, #tpu.memory_space<vmem>>, vector<1x16xf32>,
        %get3A_293 = vector.shape_cast %get3A_292 : vector<1x16xf32> to vector<16xf32>
        %mul3A_294 = arith.mulf %get3A_293, %add3A_165 : vector<16xf32>
        %swap3A_295 = arith.constant 7 : i32
        %swap3A_296 = arith.index_cast %swap3A_295 : i32 to index
        %swap3A_297 = arith.index_cast %add3A_288 : i32 to index
        %swap3A_298 = tpu.vector_load %arg7[%swap3A_296, %swap3A_297] {strides = array<i32>} : memref<8x6400xf32, #tpu.memory_space<vmem>>, vector<1x16xf32>,
        %swap3A_299 = vector.shape_cast %swap3A_298 : vector<1x16xf32> to vector<16xf32>
        %swap3A_300 = vector.shape_cast %mul3A_294 : vector<16xf32> to vector<1x16xf32>
        tpu.vector_store %arg7[%swap3A_296, %swap3A_297], %swap3A_300 {strides = array<i32>} : memref<8x6400xf32, #tpu.memory_space<vmem>>, vector<1x16xf32>,
        %add3A_301 = arith.constant 80 : i32
        %add3A_302 = arith.addi %mul3A_231, %add3A_301 : i32
        %get3A_303 = arith.constant 7 : i32
        %get3A_304 = arith.index_cast %get3A_303 : i32 to index
        %get3A_305 = arith.index_cast %add3A_302 : i32 to index
        %get3A_306 = tpu.vector_load %arg6[%get3A_304, %get3A_305] {strides = array<i32>} : memref<8x6400xf32, #tpu.memory_space<vmem>>, vector<1x16xf32>,
        %get3A_307 = vector.shape_cast %get3A_306 : vector<1x16xf32> to vector<16xf32>
        %mul3A_308 = arith.mulf %get3A_307, %add3A_165 : vector<16xf32>
        %swap3A_309 = arith.constant 7 : i32
        %swap3A_310 = arith.index_cast %swap3A_309 : i32 to index
        %swap3A_311 = arith.index_cast %add3A_302 : i32 to index
        %swap3A_312 = tpu.vector_load %arg7[%swap3A_310, %swap3A_311] {strides = array<i32>} : memref<8x6400xf32, #tpu.memory_space<vmem>>, vector<1x16xf32>,
        %swap3A_313 = vector.shape_cast %swap3A_312 : vector<1x16xf32> to vector<16xf32>
        %swap3A_314 = vector.shape_cast %mul3A_308 : vector<16xf32> to vector<1x16xf32>
        tpu.vector_store %arg7[%swap3A_310, %swap3A_311], %swap3A_314 {strides = array<i32>} : memref<8x6400xf32, #tpu.memory_space<vmem>>, vector<1x16xf32>,
        %add3A_315 = arith.constant 96 : i32
        %add3A_316 = arith.addi %mul3A_231, %add3A_315 : i32
        %get3A_317 = arith.constant 7 : i32
        %get3A_318 = arith.index_cast %get3A_317 : i32 to index
        %get3A_319 = arith.index_cast %add3A_316 : i32 to index
        %get3A_320 = tpu.vector_load %arg6[%get3A_318, %get3A_319] {strides = array<i32>} : memref<8x6400xf32, #tpu.memory_space<vmem>>, vector<1x16xf32>,
        %get3A_321 = vector.shape_cast %get3A_320 : vector<1x16xf32> to vector<16xf32>
        %mul3A_322 = arith.mulf %get3A_321, %add3A_165 : vector<16xf32>
        %swap3A_323 = arith.constant 7 : i32
        %swap3A_324 = arith.index_cast %swap3A_323 : i32 to index
        %swap3A_325 = arith.index_cast %add3A_316 : i32 to index
        %swap3A_326 = tpu.vector_load %arg7[%swap3A_324, %swap3A_325] {strides = array<i32>} : memref<8x6400xf32, #tpu.memory_space<vmem>>, vector<1x16xf32>,
        %swap3A_327 = vector.shape_cast %swap3A_326 : vector<1x16xf32> to vector<16xf32>
        %swap3A_328 = vector.shape_cast %mul3A_322 : vector<16xf32> to vector<1x16xf32>
        tpu.vector_store %arg7[%swap3A_324, %swap3A_325], %swap3A_328 {strides = array<i32>} : memref<8x6400xf32, #tpu.memory_space<vmem>>, vector<1x16xf32>,
        %add3A_329 = arith.constant 112 : i32
        %add3A_330 = arith.addi %mul3A_231, %add3A_329 : i32
        %get3A_331 = arith.constant 7 : i32
        %get3A_332 = arith.index_cast %get3A_331 : i32 to index
        %get3A_333 = arith.index_cast %add3A_330 : i32 to index
        %get3A_334 = tpu.vector_load %arg6[%get3A_332, %get3A_333] {strides = array<i32>} : memref<8x6400xf32, #tpu.memory_space<vmem>>, vector<1x16xf32>,
        %get3A_335 = vector.shape_cast %get3A_334 : vector<1x16xf32> to vector<16xf32>
        %mul3A_336 = arith.mulf %get3A_335, %add3A_165 : vector<16xf32>
        %swap3A_337 = arith.constant 7 : i32
        %swap3A_338 = arith.index_cast %swap3A_337 : i32 to index
        %swap3A_339 = arith.index_cast %add3A_330 : i32 to index
        %swap3A_340 = tpu.vector_load %arg7[%swap3A_338, %swap3A_339] {strides = array<i32>} : memref<8x6400xf32, #tpu.memory_space<vmem>>, vector<1x16xf32>,
        %swap3A_341 = vector.shape_cast %swap3A_340 : vector<1x16xf32> to vector<16xf32>
        %swap3A_342 = vector.shape_cast %mul3A_336 : vector<16xf32> to vector<1x16xf32>
        tpu.vector_store %arg7[%swap3A_338, %swap3A_339], %swap3A_342 {strides = array<i32>} : memref<8x6400xf32, #tpu.memory_space<vmem>>, vector<1x16xf32>,
      }
      %scan3A_228 = arith.constant 50 : i32
      "tpu.region"() ({
        %run_scoped3A = tpu.sem_alloc : memref<!tpu.dma_semaphore, #tpu.memory_space<semaphore_mem>>
        %dma_start3A = tpu.memref_slice %arg4[%multiple_of3A, %multiple_of3A_180] : memref<64x1000000xf32, #tpu.memory_space<hbm>> -> memref<8x6400xf32, #tpu.memory_space<hbm>>
        %dma_start3A_229 = tpu.memref_slice %arg4[%multiple_of3A, %multiple_of3A_180] : memref<64x1000000xf32, #tpu.memory_space<hbm>> -> memref<8x6400xf32, #tpu.memory_space<hbm>>
        tpu.enqueue_dma source(%arg7 : memref<8x6400xf32, #tpu.memory_space<vmem>>) target(%dma_start3A_229 : memref<8x6400xf32, #tpu.memory_space<hbm>>) target_semaphore(%run_scoped3A : memref<!tpu.dma_semaphore, #tpu.memory_space<semaphore_mem>>)
        %dma_wait3A = tpu.memref_slice %arg4[%multiple_of3A, %multiple_of3A_180] : memref<64x1000000xf32, #tpu.memory_space<hbm>> -> memref<8x6400xf32, #tpu.memory_space<hbm>>
        %dma_wait3A_230 = tpu.memref_slice %arg4[%multiple_of3A, %multiple_of3A_180] : memref<64x1000000xf32, #tpu.memory_space<hbm>> -> memref<8x6400xf32, #tpu.memory_space<hbm>>
        tpu.wait_dma2 semaphore(%run_scoped3A : memref<!tpu.dma_semaphore, #tpu.memory_space<semaphore_mem>>) src(%arg7 : memref<8x6400xf32, #tpu.memory_space<vmem>>) dst(%dma_wait3A_230 : memref<8x6400xf32, #tpu.memory_space<hbm>>)
        tpu.yield
      }) : () -> ()
    }
    %scan3A_170 = arith.constant 39 : i32
    %eq3A_171 = arith.constant 3 : i32
    %eq3A_172 = arith.cmpi eq, %select_n3A_30, %eq3A_171 : i32
    %convert_element_type3A = arith.extui %eq3A_172 : i1 to i32
    %cond3A = arith.constant 0 : i32
    %cond3A_173 = arith.cmpi ne, %convert_element_type3A, %cond3A : i32
    scf.if %cond3A_173 {
      %multiple_of3A_174 = arith.constant 998400 : i32
      %multiple_of3A_175 = tpu.assume_multiple %multiple_of3A_174, 128 : i32
      "tpu.region"() ({
        %run_scoped3A = tpu.sem_alloc : memref<!tpu.dma_semaphore, #tpu.memory_space<semaphore_mem>>
        %dma_start3A = arith.constant 0 : i32
        %dma_start3A_224 = arith.constant 0 : i32
        %dma_start3A_225 = tpu.memref_slice %arg6[%dma_start3A, %dma_start3A_224] : memref<8x6400xf32, #tpu.memory_space<vmem>> -> memref<8x1664xf32, #tpu.memory_space<vmem>>
        %dma_start3A_226 = tpu.memref_slice %arg2[%multiple_of3A, %multiple_of3A_175] : memref<64x1000000xf32, #tpu.memory_space<hbm>> -> memref<8x1664xf32, #tpu.memory_space<hbm>>
        %dma_start3A_227 = arith.constant 0 : i32
        %dma_start3A_228 = arith.constant 0 : i32
        %dma_start3A_229 = tpu.memref_slice %arg6[%dma_start3A_227, %dma_start3A_228] : memref<8x6400xf32, #tpu.memory_space<vmem>> -> memref<8x1664xf32, #tpu.memory_space<vmem>>
        %dma_start3A_230 = tpu.memref_slice %arg2[%multiple_of3A, %multiple_of3A_175] : memref<64x1000000xf32, #tpu.memory_space<hbm>> -> memref<8x1664xf32, #tpu.memory_space<hbm>>
        tpu.enqueue_dma source(%dma_start3A_230 : memref<8x1664xf32, #tpu.memory_space<hbm>>) target(%dma_start3A_229 : memref<8x1664xf32, #tpu.memory_space<vmem>>) target_semaphore(%run_scoped3A : memref<!tpu.dma_semaphore, #tpu.memory_space<semaphore_mem>>)
        %dma_wait3A = arith.constant 0 : i32
        %dma_wait3A_231 = arith.constant 0 : i32
        %dma_wait3A_232 = tpu.memref_slice %arg6[%dma_wait3A, %dma_wait3A_231] : memref<8x6400xf32, #tpu.memory_space<vmem>> -> memref<8x1664xf32, #tpu.memory_space<vmem>>
        %dma_wait3A_233 = tpu.memref_slice %arg2[%multiple_of3A, %multiple_of3A_175] : memref<64x1000000xf32, #tpu.memory_space<hbm>> -> memref<8x1664xf32, #tpu.memory_space<hbm>>
        %dma_wait3A_234 = arith.constant 0 : i32
        %dma_wait3A_235 = arith.constant 0 : i32
        %dma_wait3A_236 = tpu.memref_slice %arg6[%dma_wait3A_234, %dma_wait3A_235] : memref<8x6400xf32, #tpu.memory_space<vmem>> -> memref<8x1664xf32, #tpu.memory_space<vmem>>
        %dma_wait3A_237 = tpu.memref_slice %arg2[%multiple_of3A, %multiple_of3A_175] : memref<64x1000000xf32, #tpu.memory_space<hbm>> -> memref<8x1664xf32, #tpu.memory_space<hbm>>
        tpu.wait_dma2 semaphore(%run_scoped3A : memref<!tpu.dma_semaphore, #tpu.memory_space<semaphore_mem>>) src(%dma_wait3A_237 : memref<8x1664xf32, #tpu.memory_space<hbm>>) dst(%dma_wait3A_236 : memref<8x1664xf32, #tpu.memory_space<vmem>>)
        tpu.yield
      }) : () -> ()
      %scan3A_176 = arith.constant 0 : i32
      %scan3A_177 = arith.constant 0 : i32
      %scan3A_178 = arith.constant 13 : i32
      %scan3A_179 = arith.addi %scan3A_177, %scan3A_178 : i32
      %scan3A_180 = arith.constant 1 : i32
      scf.for %scan3A_224 = %scan3A_177 to %scan3A_179 step %scan3A_180  : i32 {
        %mul3A_225 = arith.constant 128 : i32
        %mul3A_226 = arith.muli %scan3A_224, %mul3A_225 : i32
        %add3A_227 = arith.constant 0 : i32
        %add3A_228 = arith.addi %mul3A_226, %add3A_227 : i32
        %get3A_229 = arith.constant 0 : i32
        %get3A_230 = arith.index_cast %get3A_229 : i32 to index
        %get3A_231 = arith.index_cast %add3A_228 : i32 to index
        %get3A_232 = tpu.vector_load %arg6[%get3A_230, %get3A_231] {strides = array<i32>} : memref<8x6400xf32, #tpu.memory_space<vmem>>, vector<1x16xf32>,
        %get3A_233 = vector.shape_cast %get3A_232 : vector<1x16xf32> to vector<16xf32>
        %mul3A_234 = arith.mulf %get3A_233, %add3A_46 : vector<16xf32>
        %swap3A = arith.constant 0 : i32
        %swap3A_235 = arith.index_cast %swap3A : i32 to index
        %swap3A_236 = arith.index_cast %add3A_228 : i32 to index
        %swap3A_237 = tpu.vector_load %arg7[%swap3A_235, %swap3A_236] {strides = array<i32>} : memref<8x6400xf32, #tpu.memory_space<vmem>>, vector<1x16xf32>,
        %swap3A_238 = vector.shape_cast %swap3A_237 : vector<1x16xf32> to vector<16xf32>
        %swap3A_239 = vector.shape_cast %mul3A_234 : vector<16xf32> to vector<1x16xf32>
        tpu.vector_store %arg7[%swap3A_235, %swap3A_236], %swap3A_239 {strides = array<i32>} : memref<8x6400xf32, #tpu.memory_space<vmem>>, vector<1x16xf32>,
        %add3A_240 = arith.constant 16 : i32
        %add3A_241 = arith.addi %mul3A_226, %add3A_240 : i32
        %get3A_242 = arith.constant 0 : i32
        %get3A_243 = arith.index_cast %get3A_242 : i32 to index
        %get3A_244 = arith.index_cast %add3A_241 : i32 to index
        %get3A_245 = tpu.vector_load %arg6[%get3A_243, %get3A_244] {strides = array<i32>} : memref<8x6400xf32, #tpu.memory_space<vmem>>, vector<1x16xf32>,
        %get3A_246 = vector.shape_cast %get3A_245 : vector<1x16xf32> to vector<16xf32>
        %mul3A_247 = arith.mulf %get3A_246, %add3A_46 : vector<16xf32>
        %swap3A_248 = arith.constant 0 : i32
        %swap3A_249 = arith.index_cast %swap3A_248 : i32 to index
        %swap3A_250 = arith.index_cast %add3A_241 : i32 to index
        %swap3A_251 = tpu.vector_load %arg7[%swap3A_249, %swap3A_250] {strides = array<i32>} : memref<8x6400xf32, #tpu.memory_space<vmem>>, vector<1x16xf32>,
        %swap3A_252 = vector.shape_cast %swap3A_251 : vector<1x16xf32> to vector<16xf32>
        %swap3A_253 = vector.shape_cast %mul3A_247 : vector<16xf32> to vector<1x16xf32>
        tpu.vector_store %arg7[%swap3A_249, %swap3A_250], %swap3A_253 {strides = array<i32>} : memref<8x6400xf32, #tpu.memory_space<vmem>>, vector<1x16xf32>,
        %add3A_254 = arith.constant 32 : i32
        %add3A_255 = arith.addi %mul3A_226, %add3A_254 : i32
        %get3A_256 = arith.constant 0 : i32
        %get3A_257 = arith.index_cast %get3A_256 : i32 to index
        %get3A_258 = arith.index_cast %add3A_255 : i32 to index
        %get3A_259 = tpu.vector_load %arg6[%get3A_257, %get3A_258] {strides = array<i32>} : memref<8x6400xf32, #tpu.memory_space<vmem>>, vector<1x16xf32>,
        %get3A_260 = vector.shape_cast %get3A_259 : vector<1x16xf32> to vector<16xf32>
        %mul3A_261 = arith.mulf %get3A_260, %add3A_46 : vector<16xf32>
        %swap3A_262 = arith.constant 0 : i32
        %swap3A_263 = arith.index_cast %swap3A_262 : i32 to index
        %swap3A_264 = arith.index_cast %add3A_255 : i32 to index
        %swap3A_265 = tpu.vector_load %arg7[%swap3A_263, %swap3A_264] {strides = array<i32>} : memref<8x6400xf32, #tpu.memory_space<vmem>>, vector<1x16xf32>,
        %swap3A_266 = vector.shape_cast %swap3A_265 : vector<1x16xf32> to vector<16xf32>
        %swap3A_267 = vector.shape_cast %mul3A_261 : vector<16xf32> to vector<1x16xf32>
        tpu.vector_store %arg7[%swap3A_263, %swap3A_264], %swap3A_267 {strides = array<i32>} : memref<8x6400xf32, #tpu.memory_space<vmem>>, vector<1x16xf32>,
        %add3A_268 = arith.constant 48 : i32
        %add3A_269 = arith.addi %mul3A_226, %add3A_268 : i32
        %get3A_270 = arith.constant 0 : i32
        %get3A_271 = arith.index_cast %get3A_270 : i32 to index
        %get3A_272 = arith.index_cast %add3A_269 : i32 to index
        %get3A_273 = tpu.vector_load %arg6[%get3A_271, %get3A_272] {strides = array<i32>} : memref<8x6400xf32, #tpu.memory_space<vmem>>, vector<1x16xf32>,
        %get3A_274 = vector.shape_cast %get3A_273 : vector<1x16xf32> to vector<16xf32>
        %mul3A_275 = arith.mulf %get3A_274, %add3A_46 : vector<16xf32>
        %swap3A_276 = arith.constant 0 : i32
        %swap3A_277 = arith.index_cast %swap3A_276 : i32 to index
        %swap3A_278 = arith.index_cast %add3A_269 : i32 to index
        %swap3A_279 = tpu.vector_load %arg7[%swap3A_277, %swap3A_278] {strides = array<i32>} : memref<8x6400xf32, #tpu.memory_space<vmem>>, vector<1x16xf32>,
        %swap3A_280 = vector.shape_cast %swap3A_279 : vector<1x16xf32> to vector<16xf32>
        %swap3A_281 = vector.shape_cast %mul3A_275 : vector<16xf32> to vector<1x16xf32>
        tpu.vector_store %arg7[%swap3A_277, %swap3A_278], %swap3A_281 {strides = array<i32>} : memref<8x6400xf32, #tpu.memory_space<vmem>>, vector<1x16xf32>,
        %add3A_282 = arith.constant 64 : i32
        %add3A_283 = arith.addi %mul3A_226, %add3A_282 : i32
        %get3A_284 = arith.constant 0 : i32
        %get3A_285 = arith.index_cast %get3A_284 : i32 to index
        %get3A_286 = arith.index_cast %add3A_283 : i32 to index
        %get3A_287 = tpu.vector_load %arg6[%get3A_285, %get3A_286] {strides = array<i32>} : memref<8x6400xf32, #tpu.memory_space<vmem>>, vector<1x16xf32>,
        %get3A_288 = vector.shape_cast %get3A_287 : vector<1x16xf32> to vector<16xf32>
        %mul3A_289 = arith.mulf %get3A_288, %add3A_46 : vector<16xf32>
        %swap3A_290 = arith.constant 0 : i32
        %swap3A_291 = arith.index_cast %swap3A_290 : i32 to index
        %swap3A_292 = arith.index_cast %add3A_283 : i32 to index
        %swap3A_293 = tpu.vector_load %arg7[%swap3A_291, %swap3A_292] {strides = array<i32>} : memref<8x6400xf32, #tpu.memory_space<vmem>>, vector<1x16xf32>,
        %swap3A_294 = vector.shape_cast %swap3A_293 : vector<1x16xf32> to vector<16xf32>
        %swap3A_295 = vector.shape_cast %mul3A_289 : vector<16xf32> to vector<1x16xf32>
        tpu.vector_store %arg7[%swap3A_291, %swap3A_292], %swap3A_295 {strides = array<i32>} : memref<8x6400xf32, #tpu.memory_space<vmem>>, vector<1x16xf32>,
        %add3A_296 = arith.constant 80 : i32
        %add3A_297 = arith.addi %mul3A_226, %add3A_296 : i32
        %get3A_298 = arith.constant 0 : i32
        %get3A_299 = arith.index_cast %get3A_298 : i32 to index
        %get3A_300 = arith.index_cast %add3A_297 : i32 to index
        %get3A_301 = tpu.vector_load %arg6[%get3A_299, %get3A_300] {strides = array<i32>} : memref<8x6400xf32, #tpu.memory_space<vmem>>, vector<1x16xf32>,
        %get3A_302 = vector.shape_cast %get3A_301 : vector<1x16xf32> to vector<16xf32>
        %mul3A_303 = arith.mulf %get3A_302, %add3A_46 : vector<16xf32>
        %swap3A_304 = arith.constant 0 : i32
        %swap3A_305 = arith.index_cast %swap3A_304 : i32 to index
        %swap3A_306 = arith.index_cast %add3A_297 : i32 to index
        %swap3A_307 = tpu.vector_load %arg7[%swap3A_305, %swap3A_306] {strides = array<i32>} : memref<8x6400xf32, #tpu.memory_space<vmem>>, vector<1x16xf32>,
        %swap3A_308 = vector.shape_cast %swap3A_307 : vector<1x16xf32> to vector<16xf32>
        %swap3A_309 = vector.shape_cast %mul3A_303 : vector<16xf32> to vector<1x16xf32>
        tpu.vector_store %arg7[%swap3A_305, %swap3A_306], %swap3A_309 {strides = array<i32>} : memref<8x6400xf32, #tpu.memory_space<vmem>>, vector<1x16xf32>,
        %add3A_310 = arith.constant 96 : i32
        %add3A_311 = arith.addi %mul3A_226, %add3A_310 : i32
        %get3A_312 = arith.constant 0 : i32
        %get3A_313 = arith.index_cast %get3A_312 : i32 to index
        %get3A_314 = arith.index_cast %add3A_311 : i32 to index
        %get3A_315 = tpu.vector_load %arg6[%get3A_313, %get3A_314] {strides = array<i32>} : memref<8x6400xf32, #tpu.memory_space<vmem>>, vector<1x16xf32>,
        %get3A_316 = vector.shape_cast %get3A_315 : vector<1x16xf32> to vector<16xf32>
        %mul3A_317 = arith.mulf %get3A_316, %add3A_46 : vector<16xf32>
        %swap3A_318 = arith.constant 0 : i32
        %swap3A_319 = arith.index_cast %swap3A_318 : i32 to index
        %swap3A_320 = arith.index_cast %add3A_311 : i32 to index
        %swap3A_321 = tpu.vector_load %arg7[%swap3A_319, %swap3A_320] {strides = array<i32>} : memref<8x6400xf32, #tpu.memory_space<vmem>>, vector<1x16xf32>,
        %swap3A_322 = vector.shape_cast %swap3A_321 : vector<1x16xf32> to vector<16xf32>
        %swap3A_323 = vector.shape_cast %mul3A_317 : vector<16xf32> to vector<1x16xf32>
        tpu.vector_store %arg7[%swap3A_319, %swap3A_320], %swap3A_323 {strides = array<i32>} : memref<8x6400xf32, #tpu.memory_space<vmem>>, vector<1x16xf32>,
        %add3A_324 = arith.constant 112 : i32
        %add3A_325 = arith.addi %mul3A_226, %add3A_324 : i32
        %get3A_326 = arith.constant 0 : i32
        %get3A_327 = arith.index_cast %get3A_326 : i32 to index
        %get3A_328 = arith.index_cast %add3A_325 : i32 to index
        %get3A_329 = tpu.vector_load %arg6[%get3A_327, %get3A_328] {strides = array<i32>} : memref<8x6400xf32, #tpu.memory_space<vmem>>, vector<1x16xf32>,
        %get3A_330 = vector.shape_cast %get3A_329 : vector<1x16xf32> to vector<16xf32>
        %mul3A_331 = arith.mulf %get3A_330, %add3A_46 : vector<16xf32>
        %swap3A_332 = arith.constant 0 : i32
        %swap3A_333 = arith.index_cast %swap3A_332 : i32 to index
        %swap3A_334 = arith.index_cast %add3A_325 : i32 to index
        %swap3A_335 = tpu.vector_load %arg7[%swap3A_333, %swap3A_334] {strides = array<i32>} : memref<8x6400xf32, #tpu.memory_space<vmem>>, vector<1x16xf32>,
        %swap3A_336 = vector.shape_cast %swap3A_335 : vector<1x16xf32> to vector<16xf32>
        %swap3A_337 = vector.shape_cast %mul3A_331 : vector<16xf32> to vector<1x16xf32>
        tpu.vector_store %arg7[%swap3A_333, %swap3A_334], %swap3A_337 {strides = array<i32>} : memref<8x6400xf32, #tpu.memory_space<vmem>>, vector<1x16xf32>,
      }
      %scan3A_181 = arith.constant 13 : i32
      %scan3A_182 = arith.constant 0 : i32
      %scan3A_183 = arith.constant 0 : i32
      %scan3A_184 = arith.constant 13 : i32
      %scan3A_185 = arith.addi %scan3A_183, %scan3A_184 : i32
      %scan3A_186 = arith.constant 1 : i32
      scf.for %scan3A_224 = %scan3A_183 to %scan3A_185 step %scan3A_186  : i32 {
        %mul3A_225 = arith.constant 128 : i32
        %mul3A_226 = arith.muli %scan3A_224, %mul3A_225 : i32
        %add3A_227 = arith.constant 0 : i32
        %add3A_228 = arith.addi %mul3A_226, %add3A_227 : i32
        %get3A_229 = arith.constant 1 : i32
        %get3A_230 = arith.index_cast %get3A_229 : i32 to index
        %get3A_231 = arith.index_cast %add3A_228 : i32 to index
        %get3A_232 = tpu.vector_load %arg6[%get3A_230, %get3A_231] {strides = array<i32>} : memref<8x6400xf32, #tpu.memory_space<vmem>>, vector<1x16xf32>,
        %get3A_233 = vector.shape_cast %get3A_232 : vector<1x16xf32> to vector<16xf32>
        %mul3A_234 = arith.mulf %get3A_233, %add3A_63 : vector<16xf32>
        %swap3A = arith.constant 1 : i32
        %swap3A_235 = arith.index_cast %swap3A : i32 to index
        %swap3A_236 = arith.index_cast %add3A_228 : i32 to index
        %swap3A_237 = tpu.vector_load %arg7[%swap3A_235, %swap3A_236] {strides = array<i32>} : memref<8x6400xf32, #tpu.memory_space<vmem>>, vector<1x16xf32>,
        %swap3A_238 = vector.shape_cast %swap3A_237 : vector<1x16xf32> to vector<16xf32>
        %swap3A_239 = vector.shape_cast %mul3A_234 : vector<16xf32> to vector<1x16xf32>
        tpu.vector_store %arg7[%swap3A_235, %swap3A_236], %swap3A_239 {strides = array<i32>} : memref<8x6400xf32, #tpu.memory_space<vmem>>, vector<1x16xf32>,
        %add3A_240 = arith.constant 16 : i32
        %add3A_241 = arith.addi %mul3A_226, %add3A_240 : i32
        %get3A_242 = arith.constant 1 : i32
        %get3A_243 = arith.index_cast %get3A_242 : i32 to index
        %get3A_244 = arith.index_cast %add3A_241 : i32 to index
        %get3A_245 = tpu.vector_load %arg6[%get3A_243, %get3A_244] {strides = array<i32>} : memref<8x6400xf32, #tpu.memory_space<vmem>>, vector<1x16xf32>,
        %get3A_246 = vector.shape_cast %get3A_245 : vector<1x16xf32> to vector<16xf32>
        %mul3A_247 = arith.mulf %get3A_246, %add3A_63 : vector<16xf32>
        %swap3A_248 = arith.constant 1 : i32
        %swap3A_249 = arith.index_cast %swap3A_248 : i32 to index
        %swap3A_250 = arith.index_cast %add3A_241 : i32 to index
        %swap3A_251 = tpu.vector_load %arg7[%swap3A_249, %swap3A_250] {strides = array<i32>} : memref<8x6400xf32, #tpu.memory_space<vmem>>, vector<1x16xf32>,
        %swap3A_252 = vector.shape_cast %swap3A_251 : vector<1x16xf32> to vector<16xf32>
        %swap3A_253 = vector.shape_cast %mul3A_247 : vector<16xf32> to vector<1x16xf32>
        tpu.vector_store %arg7[%swap3A_249, %swap3A_250], %swap3A_253 {strides = array<i32>} : memref<8x6400xf32, #tpu.memory_space<vmem>>, vector<1x16xf32>,
        %add3A_254 = arith.constant 32 : i32
        %add3A_255 = arith.addi %mul3A_226, %add3A_254 : i32
        %get3A_256 = arith.constant 1 : i32
        %get3A_257 = arith.index_cast %get3A_256 : i32 to index
        %get3A_258 = arith.index_cast %add3A_255 : i32 to index
        %get3A_259 = tpu.vector_load %arg6[%get3A_257, %get3A_258] {strides = array<i32>} : memref<8x6400xf32, #tpu.memory_space<vmem>>, vector<1x16xf32>,
        %get3A_260 = vector.shape_cast %get3A_259 : vector<1x16xf32> to vector<16xf32>
        %mul3A_261 = arith.mulf %get3A_260, %add3A_63 : vector<16xf32>
        %swap3A_262 = arith.constant 1 : i32
        %swap3A_263 = arith.index_cast %swap3A_262 : i32 to index
        %swap3A_264 = arith.index_cast %add3A_255 : i32 to index
        %swap3A_265 = tpu.vector_load %arg7[%swap3A_263, %swap3A_264] {strides = array<i32>} : memref<8x6400xf32, #tpu.memory_space<vmem>>, vector<1x16xf32>,
        %swap3A_266 = vector.shape_cast %swap3A_265 : vector<1x16xf32> to vector<16xf32>
        %swap3A_267 = vector.shape_cast %mul3A_261 : vector<16xf32> to vector<1x16xf32>
        tpu.vector_store %arg7[%swap3A_263, %swap3A_264], %swap3A_267 {strides = array<i32>} : memref<8x6400xf32, #tpu.memory_space<vmem>>, vector<1x16xf32>,
        %add3A_268 = arith.constant 48 : i32
        %add3A_269 = arith.addi %mul3A_226, %add3A_268 : i32
        %get3A_270 = arith.constant 1 : i32
        %get3A_271 = arith.index_cast %get3A_270 : i32 to index
        %get3A_272 = arith.index_cast %add3A_269 : i32 to index
        %get3A_273 = tpu.vector_load %arg6[%get3A_271, %get3A_272] {strides = array<i32>} : memref<8x6400xf32, #tpu.memory_space<vmem>>, vector<1x16xf32>,
        %get3A_274 = vector.shape_cast %get3A_273 : vector<1x16xf32> to vector<16xf32>
        %mul3A_275 = arith.mulf %get3A_274, %add3A_63 : vector<16xf32>
        %swap3A_276 = arith.constant 1 : i32
        %swap3A_277 = arith.index_cast %swap3A_276 : i32 to index
        %swap3A_278 = arith.index_cast %add3A_269 : i32 to index
        %swap3A_279 = tpu.vector_load %arg7[%swap3A_277, %swap3A_278] {strides = array<i32>} : memref<8x6400xf32, #tpu.memory_space<vmem>>, vector<1x16xf32>,
        %swap3A_280 = vector.shape_cast %swap3A_279 : vector<1x16xf32> to vector<16xf32>
        %swap3A_281 = vector.shape_cast %mul3A_275 : vector<16xf32> to vector<1x16xf32>
        tpu.vector_store %arg7[%swap3A_277, %swap3A_278], %swap3A_281 {strides = array<i32>} : memref<8x6400xf32, #tpu.memory_space<vmem>>, vector<1x16xf32>,
        %add3A_282 = arith.constant 64 : i32
        %add3A_283 = arith.addi %mul3A_226, %add3A_282 : i32
        %get3A_284 = arith.constant 1 : i32
        %get3A_285 = arith.index_cast %get3A_284 : i32 to index
        %get3A_286 = arith.index_cast %add3A_283 : i32 to index
        %get3A_287 = tpu.vector_load %arg6[%get3A_285, %get3A_286] {strides = array<i32>} : memref<8x6400xf32, #tpu.memory_space<vmem>>, vector<1x16xf32>,
        %get3A_288 = vector.shape_cast %get3A_287 : vector<1x16xf32> to vector<16xf32>
        %mul3A_289 = arith.mulf %get3A_288, %add3A_63 : vector<16xf32>
        %swap3A_290 = arith.constant 1 : i32
        %swap3A_291 = arith.index_cast %swap3A_290 : i32 to index
        %swap3A_292 = arith.index_cast %add3A_283 : i32 to index
        %swap3A_293 = tpu.vector_load %arg7[%swap3A_291, %swap3A_292] {strides = array<i32>} : memref<8x6400xf32, #tpu.memory_space<vmem>>, vector<1x16xf32>,
        %swap3A_294 = vector.shape_cast %swap3A_293 : vector<1x16xf32> to vector<16xf32>
        %swap3A_295 = vector.shape_cast %mul3A_289 : vector<16xf32> to vector<1x16xf32>
        tpu.vector_store %arg7[%swap3A_291, %swap3A_292], %swap3A_295 {strides = array<i32>} : memref<8x6400xf32, #tpu.memory_space<vmem>>, vector<1x16xf32>,
        %add3A_296 = arith.constant 80 : i32
        %add3A_297 = arith.addi %mul3A_226, %add3A_296 : i32
        %get3A_298 = arith.constant 1 : i32
        %get3A_299 = arith.index_cast %get3A_298 : i32 to index
        %get3A_300 = arith.index_cast %add3A_297 : i32 to index
        %get3A_301 = tpu.vector_load %arg6[%get3A_299, %get3A_300] {strides = array<i32>} : memref<8x6400xf32, #tpu.memory_space<vmem>>, vector<1x16xf32>,
        %get3A_302 = vector.shape_cast %get3A_301 : vector<1x16xf32> to vector<16xf32>
        %mul3A_303 = arith.mulf %get3A_302, %add3A_63 : vector<16xf32>
        %swap3A_304 = arith.constant 1 : i32
        %swap3A_305 = arith.index_cast %swap3A_304 : i32 to index
        %swap3A_306 = arith.index_cast %add3A_297 : i32 to index
        %swap3A_307 = tpu.vector_load %arg7[%swap3A_305, %swap3A_306] {strides = array<i32>} : memref<8x6400xf32, #tpu.memory_space<vmem>>, vector<1x16xf32>,
        %swap3A_308 = vector.shape_cast %swap3A_307 : vector<1x16xf32> to vector<16xf32>
        %swap3A_309 = vector.shape_cast %mul3A_303 : vector<16xf32> to vector<1x16xf32>
        tpu.vector_store %arg7[%swap3A_305, %swap3A_306], %swap3A_309 {strides = array<i32>} : memref<8x6400xf32, #tpu.memory_space<vmem>>, vector<1x16xf32>,
        %add3A_310 = arith.constant 96 : i32
        %add3A_311 = arith.addi %mul3A_226, %add3A_310 : i32
        %get3A_312 = arith.constant 1 : i32
        %get3A_313 = arith.index_cast %get3A_312 : i32 to index
        %get3A_314 = arith.index_cast %add3A_311 : i32 to index
        %get3A_315 = tpu.vector_load %arg6[%get3A_313, %get3A_314] {strides = array<i32>} : memref<8x6400xf32, #tpu.memory_space<vmem>>, vector<1x16xf32>,
        %get3A_316 = vector.shape_cast %get3A_315 : vector<1x16xf32> to vector<16xf32>
        %mul3A_317 = arith.mulf %get3A_316, %add3A_63 : vector<16xf32>
        %swap3A_318 = arith.constant 1 : i32
        %swap3A_319 = arith.index_cast %swap3A_318 : i32 to index
        %swap3A_320 = arith.index_cast %add3A_311 : i32 to index
        %swap3A_321 = tpu.vector_load %arg7[%swap3A_319, %swap3A_320] {strides = array<i32>} : memref<8x6400xf32, #tpu.memory_space<vmem>>, vector<1x16xf32>,
        %swap3A_322 = vector.shape_cast %swap3A_321 : vector<1x16xf32> to vector<16xf32>
        %swap3A_323 = vector.shape_cast %mul3A_317 : vector<16xf32> to vector<1x16xf32>
        tpu.vector_store %arg7[%swap3A_319, %swap3A_320], %swap3A_323 {strides = array<i32>} : memref<8x6400xf32, #tpu.memory_space<vmem>>, vector<1x16xf32>,
        %add3A_324 = arith.constant 112 : i32
        %add3A_325 = arith.addi %mul3A_226, %add3A_324 : i32
        %get3A_326 = arith.constant 1 : i32
        %get3A_327 = arith.index_cast %get3A_326 : i32 to index
        %get3A_328 = arith.index_cast %add3A_325 : i32 to index
        %get3A_329 = tpu.vector_load %arg6[%get3A_327, %get3A_328] {strides = array<i32>} : memref<8x6400xf32, #tpu.memory_space<vmem>>, vector<1x16xf32>,
        %get3A_330 = vector.shape_cast %get3A_329 : vector<1x16xf32> to vector<16xf32>
        %mul3A_331 = arith.mulf %get3A_330, %add3A_63 : vector<16xf32>
        %swap3A_332 = arith.constant 1 : i32
        %swap3A_333 = arith.index_cast %swap3A_332 : i32 to index
        %swap3A_334 = arith.index_cast %add3A_325 : i32 to index
        %swap3A_335 = tpu.vector_load %arg7[%swap3A_333, %swap3A_334] {strides = array<i32>} : memref<8x6400xf32, #tpu.memory_space<vmem>>, vector<1x16xf32>,
        %swap3A_336 = vector.shape_cast %swap3A_335 : vector<1x16xf32> to vector<16xf32>
        %swap3A_337 = vector.shape_cast %mul3A_331 : vector<16xf32> to vector<1x16xf32>
        tpu.vector_store %arg7[%swap3A_333, %swap3A_334], %swap3A_337 {strides = array<i32>} : memref<8x6400xf32, #tpu.memory_space<vmem>>, vector<1x16xf32>,
      }
      %scan3A_187 = arith.constant 13 : i32
      %scan3A_188 = arith.constant 0 : i32
      %scan3A_189 = arith.constant 0 : i32
      %scan3A_190 = arith.constant 13 : i32
      %scan3A_191 = arith.addi %scan3A_189, %scan3A_190 : i32
      %scan3A_192 = arith.constant 1 : i32
      scf.for %scan3A_224 = %scan3A_189 to %scan3A_191 step %scan3A_192  : i32 {
        %mul3A_225 = arith.constant 128 : i32
        %mul3A_226 = arith.muli %scan3A_224, %mul3A_225 : i32
        %add3A_227 = arith.constant 0 : i32
        %add3A_228 = arith.addi %mul3A_226, %add3A_227 : i32
        %get3A_229 = arith.constant 2 : i32
        %get3A_230 = arith.index_cast %get3A_229 : i32 to index
        %get3A_231 = arith.index_cast %add3A_228 : i32 to index
        %get3A_232 = tpu.vector_load %arg6[%get3A_230, %get3A_231] {strides = array<i32>} : memref<8x6400xf32, #tpu.memory_space<vmem>>, vector<1x16xf32>,
        %get3A_233 = vector.shape_cast %get3A_232 : vector<1x16xf32> to vector<16xf32>
        %mul3A_234 = arith.mulf %get3A_233, %add3A_80 : vector<16xf32>
        %swap3A = arith.constant 2 : i32
        %swap3A_235 = arith.index_cast %swap3A : i32 to index
        %swap3A_236 = arith.index_cast %add3A_228 : i32 to index
        %swap3A_237 = tpu.vector_load %arg7[%swap3A_235, %swap3A_236] {strides = array<i32>} : memref<8x6400xf32, #tpu.memory_space<vmem>>, vector<1x16xf32>,
        %swap3A_238 = vector.shape_cast %swap3A_237 : vector<1x16xf32> to vector<16xf32>
        %swap3A_239 = vector.shape_cast %mul3A_234 : vector<16xf32> to vector<1x16xf32>
        tpu.vector_store %arg7[%swap3A_235, %swap3A_236], %swap3A_239 {strides = array<i32>} : memref<8x6400xf32, #tpu.memory_space<vmem>>, vector<1x16xf32>,
        %add3A_240 = arith.constant 16 : i32
        %add3A_241 = arith.addi %mul3A_226, %add3A_240 : i32
        %get3A_242 = arith.constant 2 : i32
        %get3A_243 = arith.index_cast %get3A_242 : i32 to index
        %get3A_244 = arith.index_cast %add3A_241 : i32 to index
        %get3A_245 = tpu.vector_load %arg6[%get3A_243, %get3A_244] {strides = array<i32>} : memref<8x6400xf32, #tpu.memory_space<vmem>>, vector<1x16xf32>,
        %get3A_246 = vector.shape_cast %get3A_245 : vector<1x16xf32> to vector<16xf32>
        %mul3A_247 = arith.mulf %get3A_246, %add3A_80 : vector<16xf32>
        %swap3A_248 = arith.constant 2 : i32
        %swap3A_249 = arith.index_cast %swap3A_248 : i32 to index
        %swap3A_250 = arith.index_cast %add3A_241 : i32 to index
        %swap3A_251 = tpu.vector_load %arg7[%swap3A_249, %swap3A_250] {strides = array<i32>} : memref<8x6400xf32, #tpu.memory_space<vmem>>, vector<1x16xf32>,
        %swap3A_252 = vector.shape_cast %swap3A_251 : vector<1x16xf32> to vector<16xf32>
        %swap3A_253 = vector.shape_cast %mul3A_247 : vector<16xf32> to vector<1x16xf32>
        tpu.vector_store %arg7[%swap3A_249, %swap3A_250], %swap3A_253 {strides = array<i32>} : memref<8x6400xf32, #tpu.memory_space<vmem>>, vector<1x16xf32>,
        %add3A_254 = arith.constant 32 : i32
        %add3A_255 = arith.addi %mul3A_226, %add3A_254 : i32
        %get3A_256 = arith.constant 2 : i32
        %get3A_257 = arith.index_cast %get3A_256 : i32 to index
        %get3A_258 = arith.index_cast %add3A_255 : i32 to index
        %get3A_259 = tpu.vector_load %arg6[%get3A_257, %get3A_258] {strides = array<i32>} : memref<8x6400xf32, #tpu.memory_space<vmem>>, vector<1x16xf32>,
        %get3A_260 = vector.shape_cast %get3A_259 : vector<1x16xf32> to vector<16xf32>
        %mul3A_261 = arith.mulf %get3A_260, %add3A_80 : vector<16xf32>
        %swap3A_262 = arith.constant 2 : i32
        %swap3A_263 = arith.index_cast %swap3A_262 : i32 to index
        %swap3A_264 = arith.index_cast %add3A_255 : i32 to index
        %swap3A_265 = tpu.vector_load %arg7[%swap3A_263, %swap3A_264] {strides = array<i32>} : memref<8x6400xf32, #tpu.memory_space<vmem>>, vector<1x16xf32>,
        %swap3A_266 = vector.shape_cast %swap3A_265 : vector<1x16xf32> to vector<16xf32>
        %swap3A_267 = vector.shape_cast %mul3A_261 : vector<16xf32> to vector<1x16xf32>
        tpu.vector_store %arg7[%swap3A_263, %swap3A_264], %swap3A_267 {strides = array<i32>} : memref<8x6400xf32, #tpu.memory_space<vmem>>, vector<1x16xf32>,
        %add3A_268 = arith.constant 48 : i32
        %add3A_269 = arith.addi %mul3A_226, %add3A_268 : i32
        %get3A_270 = arith.constant 2 : i32
        %get3A_271 = arith.index_cast %get3A_270 : i32 to index
        %get3A_272 = arith.index_cast %add3A_269 : i32 to index
        %get3A_273 = tpu.vector_load %arg6[%get3A_271, %get3A_272] {strides = array<i32>} : memref<8x6400xf32, #tpu.memory_space<vmem>>, vector<1x16xf32>,
        %get3A_274 = vector.shape_cast %get3A_273 : vector<1x16xf32> to vector<16xf32>
        %mul3A_275 = arith.mulf %get3A_274, %add3A_80 : vector<16xf32>
        %swap3A_276 = arith.constant 2 : i32
        %swap3A_277 = arith.index_cast %swap3A_276 : i32 to index
        %swap3A_278 = arith.index_cast %add3A_269 : i32 to index
        %swap3A_279 = tpu.vector_load %arg7[%swap3A_277, %swap3A_278] {strides = array<i32>} : memref<8x6400xf32, #tpu.memory_space<vmem>>, vector<1x16xf32>,
        %swap3A_280 = vector.shape_cast %swap3A_279 : vector<1x16xf32> to vector<16xf32>
        %swap3A_281 = vector.shape_cast %mul3A_275 : vector<16xf32> to vector<1x16xf32>
        tpu.vector_store %arg7[%swap3A_277, %swap3A_278], %swap3A_281 {strides = array<i32>} : memref<8x6400xf32, #tpu.memory_space<vmem>>, vector<1x16xf32>,
        %add3A_282 = arith.constant 64 : i32
        %add3A_283 = arith.addi %mul3A_226, %add3A_282 : i32
        %get3A_284 = arith.constant 2 : i32
        %get3A_285 = arith.index_cast %get3A_284 : i32 to index
        %get3A_286 = arith.index_cast %add3A_283 : i32 to index
        %get3A_287 = tpu.vector_load %arg6[%get3A_285, %get3A_286] {strides = array<i32>} : memref<8x6400xf32, #tpu.memory_space<vmem>>, vector<1x16xf32>,
        %get3A_288 = vector.shape_cast %get3A_287 : vector<1x16xf32> to vector<16xf32>
        %mul3A_289 = arith.mulf %get3A_288, %add3A_80 : vector<16xf32>
        %swap3A_290 = arith.constant 2 : i32
        %swap3A_291 = arith.index_cast %swap3A_290 : i32 to index
        %swap3A_292 = arith.index_cast %add3A_283 : i32 to index
        %swap3A_293 = tpu.vector_load %arg7[%swap3A_291, %swap3A_292] {strides = array<i32>} : memref<8x6400xf32, #tpu.memory_space<vmem>>, vector<1x16xf32>,
        %swap3A_294 = vector.shape_cast %swap3A_293 : vector<1x16xf32> to vector<16xf32>
        %swap3A_295 = vector.shape_cast %mul3A_289 : vector<16xf32> to vector<1x16xf32>
        tpu.vector_store %arg7[%swap3A_291, %swap3A_292], %swap3A_295 {strides = array<i32>} : memref<8x6400xf32, #tpu.memory_space<vmem>>, vector<1x16xf32>,
        %add3A_296 = arith.constant 80 : i32
        %add3A_297 = arith.addi %mul3A_226, %add3A_296 : i32
        %get3A_298 = arith.constant 2 : i32
        %get3A_299 = arith.index_cast %get3A_298 : i32 to index
        %get3A_300 = arith.index_cast %add3A_297 : i32 to index
        %get3A_301 = tpu.vector_load %arg6[%get3A_299, %get3A_300] {strides = array<i32>} : memref<8x6400xf32, #tpu.memory_space<vmem>>, vector<1x16xf32>,
        %get3A_302 = vector.shape_cast %get3A_301 : vector<1x16xf32> to vector<16xf32>
        %mul3A_303 = arith.mulf %get3A_302, %add3A_80 : vector<16xf32>
        %swap3A_304 = arith.constant 2 : i32
        %swap3A_305 = arith.index_cast %swap3A_304 : i32 to index
        %swap3A_306 = arith.index_cast %add3A_297 : i32 to index
        %swap3A_307 = tpu.vector_load %arg7[%swap3A_305, %swap3A_306] {strides = array<i32>} : memref<8x6400xf32, #tpu.memory_space<vmem>>, vector<1x16xf32>,
        %swap3A_308 = vector.shape_cast %swap3A_307 : vector<1x16xf32> to vector<16xf32>
        %swap3A_309 = vector.shape_cast %mul3A_303 : vector<16xf32> to vector<1x16xf32>
        tpu.vector_store %arg7[%swap3A_305, %swap3A_306], %swap3A_309 {strides = array<i32>} : memref<8x6400xf32, #tpu.memory_space<vmem>>, vector<1x16xf32>,
        %add3A_310 = arith.constant 96 : i32
        %add3A_311 = arith.addi %mul3A_226, %add3A_310 : i32
        %get3A_312 = arith.constant 2 : i32
        %get3A_313 = arith.index_cast %get3A_312 : i32 to index
        %get3A_314 = arith.index_cast %add3A_311 : i32 to index
        %get3A_315 = tpu.vector_load %arg6[%get3A_313, %get3A_314] {strides = array<i32>} : memref<8x6400xf32, #tpu.memory_space<vmem>>, vector<1x16xf32>,
        %get3A_316 = vector.shape_cast %get3A_315 : vector<1x16xf32> to vector<16xf32>
        %mul3A_317 = arith.mulf %get3A_316, %add3A_80 : vector<16xf32>
        %swap3A_318 = arith.constant 2 : i32
        %swap3A_319 = arith.index_cast %swap3A_318 : i32 to index
        %swap3A_320 = arith.index_cast %add3A_311 : i32 to index
        %swap3A_321 = tpu.vector_load %arg7[%swap3A_319, %swap3A_320] {strides = array<i32>} : memref<8x6400xf32, #tpu.memory_space<vmem>>, vector<1x16xf32>,
        %swap3A_322 = vector.shape_cast %swap3A_321 : vector<1x16xf32> to vector<16xf32>
        %swap3A_323 = vector.shape_cast %mul3A_317 : vector<16xf32> to vector<1x16xf32>
        tpu.vector_store %arg7[%swap3A_319, %swap3A_320], %swap3A_323 {strides = array<i32>} : memref<8x6400xf32, #tpu.memory_space<vmem>>, vector<1x16xf32>,
        %add3A_324 = arith.constant 112 : i32
        %add3A_325 = arith.addi %mul3A_226, %add3A_324 : i32
        %get3A_326 = arith.constant 2 : i32
        %get3A_327 = arith.index_cast %get3A_326 : i32 to index
        %get3A_328 = arith.index_cast %add3A_325 : i32 to index
        %get3A_329 = tpu.vector_load %arg6[%get3A_327, %get3A_328] {strides = array<i32>} : memref<8x6400xf32, #tpu.memory_space<vmem>>, vector<1x16xf32>,
        %get3A_330 = vector.shape_cast %get3A_329 : vector<1x16xf32> to vector<16xf32>
        %mul3A_331 = arith.mulf %get3A_330, %add3A_80 : vector<16xf32>
        %swap3A_332 = arith.constant 2 : i32
        %swap3A_333 = arith.index_cast %swap3A_332 : i32 to index
        %swap3A_334 = arith.index_cast %add3A_325 : i32 to index
        %swap3A_335 = tpu.vector_load %arg7[%swap3A_333, %swap3A_334] {strides = array<i32>} : memref<8x6400xf32, #tpu.memory_space<vmem>>, vector<1x16xf32>,
        %swap3A_336 = vector.shape_cast %swap3A_335 : vector<1x16xf32> to vector<16xf32>
        %swap3A_337 = vector.shape_cast %mul3A_331 : vector<16xf32> to vector<1x16xf32>
        tpu.vector_store %arg7[%swap3A_333, %swap3A_334], %swap3A_337 {strides = array<i32>} : memref<8x6400xf32, #tpu.memory_space<vmem>>, vector<1x16xf32>,
      }
      %scan3A_193 = arith.constant 13 : i32
      %scan3A_194 = arith.constant 0 : i32
      %scan3A_195 = arith.constant 0 : i32
      %scan3A_196 = arith.constant 13 : i32
      %scan3A_197 = arith.addi %scan3A_195, %scan3A_196 : i32
      %scan3A_198 = arith.constant 1 : i32
      scf.for %scan3A_224 = %scan3A_195 to %scan3A_197 step %scan3A_198  : i32 {
        %mul3A_225 = arith.constant 128 : i32
        %mul3A_226 = arith.muli %scan3A_224, %mul3A_225 : i32
        %add3A_227 = arith.constant 0 : i32
        %add3A_228 = arith.addi %mul3A_226, %add3A_227 : i32
        %get3A_229 = arith.constant 3 : i32
        %get3A_230 = arith.index_cast %get3A_229 : i32 to index
        %get3A_231 = arith.index_cast %add3A_228 : i32 to index
        %get3A_232 = tpu.vector_load %arg6[%get3A_230, %get3A_231] {strides = array<i32>} : memref<8x6400xf32, #tpu.memory_space<vmem>>, vector<1x16xf32>,
        %get3A_233 = vector.shape_cast %get3A_232 : vector<1x16xf32> to vector<16xf32>
        %mul3A_234 = arith.mulf %get3A_233, %add3A_97 : vector<16xf32>
        %swap3A = arith.constant 3 : i32
        %swap3A_235 = arith.index_cast %swap3A : i32 to index
        %swap3A_236 = arith.index_cast %add3A_228 : i32 to index
        %swap3A_237 = tpu.vector_load %arg7[%swap3A_235, %swap3A_236] {strides = array<i32>} : memref<8x6400xf32, #tpu.memory_space<vmem>>, vector<1x16xf32>,
        %swap3A_238 = vector.shape_cast %swap3A_237 : vector<1x16xf32> to vector<16xf32>
        %swap3A_239 = vector.shape_cast %mul3A_234 : vector<16xf32> to vector<1x16xf32>
        tpu.vector_store %arg7[%swap3A_235, %swap3A_236], %swap3A_239 {strides = array<i32>} : memref<8x6400xf32, #tpu.memory_space<vmem>>, vector<1x16xf32>,
        %add3A_240 = arith.constant 16 : i32
        %add3A_241 = arith.addi %mul3A_226, %add3A_240 : i32
        %get3A_242 = arith.constant 3 : i32
        %get3A_243 = arith.index_cast %get3A_242 : i32 to index
        %get3A_244 = arith.index_cast %add3A_241 : i32 to index
        %get3A_245 = tpu.vector_load %arg6[%get3A_243, %get3A_244] {strides = array<i32>} : memref<8x6400xf32, #tpu.memory_space<vmem>>, vector<1x16xf32>,
        %get3A_246 = vector.shape_cast %get3A_245 : vector<1x16xf32> to vector<16xf32>
        %mul3A_247 = arith.mulf %get3A_246, %add3A_97 : vector<16xf32>
        %swap3A_248 = arith.constant 3 : i32
        %swap3A_249 = arith.index_cast %swap3A_248 : i32 to index
        %swap3A_250 = arith.index_cast %add3A_241 : i32 to index
        %swap3A_251 = tpu.vector_load %arg7[%swap3A_249, %swap3A_250] {strides = array<i32>} : memref<8x6400xf32, #tpu.memory_space<vmem>>, vector<1x16xf32>,
        %swap3A_252 = vector.shape_cast %swap3A_251 : vector<1x16xf32> to vector<16xf32>
        %swap3A_253 = vector.shape_cast %mul3A_247 : vector<16xf32> to vector<1x16xf32>
        tpu.vector_store %arg7[%swap3A_249, %swap3A_250], %swap3A_253 {strides = array<i32>} : memref<8x6400xf32, #tpu.memory_space<vmem>>, vector<1x16xf32>,
        %add3A_254 = arith.constant 32 : i32
        %add3A_255 = arith.addi %mul3A_226, %add3A_254 : i32
        %get3A_256 = arith.constant 3 : i32
        %get3A_257 = arith.index_cast %get3A_256 : i32 to index
        %get3A_258 = arith.index_cast %add3A_255 : i32 to index
        %get3A_259 = tpu.vector_load %arg6[%get3A_257, %get3A_258] {strides = array<i32>} : memref<8x6400xf32, #tpu.memory_space<vmem>>, vector<1x16xf32>,
        %get3A_260 = vector.shape_cast %get3A_259 : vector<1x16xf32> to vector<16xf32>
        %mul3A_261 = arith.mulf %get3A_260, %add3A_97 : vector<16xf32>
        %swap3A_262 = arith.constant 3 : i32
        %swap3A_263 = arith.index_cast %swap3A_262 : i32 to index
        %swap3A_264 = arith.index_cast %add3A_255 : i32 to index
        %swap3A_265 = tpu.vector_load %arg7[%swap3A_263, %swap3A_264] {strides = array<i32>} : memref<8x6400xf32, #tpu.memory_space<vmem>>, vector<1x16xf32>,
        %swap3A_266 = vector.shape_cast %swap3A_265 : vector<1x16xf32> to vector<16xf32>
        %swap3A_267 = vector.shape_cast %mul3A_261 : vector<16xf32> to vector<1x16xf32>
        tpu.vector_store %arg7[%swap3A_263, %swap3A_264], %swap3A_267 {strides = array<i32>} : memref<8x6400xf32, #tpu.memory_space<vmem>>, vector<1x16xf32>,
        %add3A_268 = arith.constant 48 : i32
        %add3A_269 = arith.addi %mul3A_226, %add3A_268 : i32
        %get3A_270 = arith.constant 3 : i32
        %get3A_271 = arith.index_cast %get3A_270 : i32 to index
        %get3A_272 = arith.index_cast %add3A_269 : i32 to index
        %get3A_273 = tpu.vector_load %arg6[%get3A_271, %get3A_272] {strides = array<i32>} : memref<8x6400xf32, #tpu.memory_space<vmem>>, vector<1x16xf32>,
        %get3A_274 = vector.shape_cast %get3A_273 : vector<1x16xf32> to vector<16xf32>
        %mul3A_275 = arith.mulf %get3A_274, %add3A_97 : vector<16xf32>
        %swap3A_276 = arith.constant 3 : i32
        %swap3A_277 = arith.index_cast %swap3A_276 : i32 to index
        %swap3A_278 = arith.index_cast %add3A_269 : i32 to index
        %swap3A_279 = tpu.vector_load %arg7[%swap3A_277, %swap3A_278] {strides = array<i32>} : memref<8x6400xf32, #tpu.memory_space<vmem>>, vector<1x16xf32>,
        %swap3A_280 = vector.shape_cast %swap3A_279 : vector<1x16xf32> to vector<16xf32>
        %swap3A_281 = vector.shape_cast %mul3A_275 : vector<16xf32> to vector<1x16xf32>
        tpu.vector_store %arg7[%swap3A_277, %swap3A_278], %swap3A_281 {strides = array<i32>} : memref<8x6400xf32, #tpu.memory_space<vmem>>, vector<1x16xf32>,
        %add3A_282 = arith.constant 64 : i32
        %add3A_283 = arith.addi %mul3A_226, %add3A_282 : i32
        %get3A_284 = arith.constant 3 : i32
        %get3A_285 = arith.index_cast %get3A_284 : i32 to index
        %get3A_286 = arith.index_cast %add3A_283 : i32 to index
        %get3A_287 = tpu.vector_load %arg6[%get3A_285, %get3A_286] {strides = array<i32>} : memref<8x6400xf32, #tpu.memory_space<vmem>>, vector<1x16xf32>,
        %get3A_288 = vector.shape_cast %get3A_287 : vector<1x16xf32> to vector<16xf32>
        %mul3A_289 = arith.mulf %get3A_288, %add3A_97 : vector<16xf32>
        %swap3A_290 = arith.constant 3 : i32
        %swap3A_291 = arith.index_cast %swap3A_290 : i32 to index
        %swap3A_292 = arith.index_cast %add3A_283 : i32 to index
        %swap3A_293 = tpu.vector_load %arg7[%swap3A_291, %swap3A_292] {strides = array<i32>} : memref<8x6400xf32, #tpu.memory_space<vmem>>, vector<1x16xf32>,
        %swap3A_294 = vector.shape_cast %swap3A_293 : vector<1x16xf32> to vector<16xf32>
        %swap3A_295 = vector.shape_cast %mul3A_289 : vector<16xf32> to vector<1x16xf32>
        tpu.vector_store %arg7[%swap3A_291, %swap3A_292], %swap3A_295 {strides = array<i32>} : memref<8x6400xf32, #tpu.memory_space<vmem>>, vector<1x16xf32>,
        %add3A_296 = arith.constant 80 : i32
        %add3A_297 = arith.addi %mul3A_226, %add3A_296 : i32
        %get3A_298 = arith.constant 3 : i32
        %get3A_299 = arith.index_cast %get3A_298 : i32 to index
        %get3A_300 = arith.index_cast %add3A_297 : i32 to index
        %get3A_301 = tpu.vector_load %arg6[%get3A_299, %get3A_300] {strides = array<i32>} : memref<8x6400xf32, #tpu.memory_space<vmem>>, vector<1x16xf32>,
        %get3A_302 = vector.shape_cast %get3A_301 : vector<1x16xf32> to vector<16xf32>
        %mul3A_303 = arith.mulf %get3A_302, %add3A_97 : vector<16xf32>
        %swap3A_304 = arith.constant 3 : i32
        %swap3A_305 = arith.index_cast %swap3A_304 : i32 to index
        %swap3A_306 = arith.index_cast %add3A_297 : i32 to index
        %swap3A_307 = tpu.vector_load %arg7[%swap3A_305, %swap3A_306] {strides = array<i32>} : memref<8x6400xf32, #tpu.memory_space<vmem>>, vector<1x16xf32>,
        %swap3A_308 = vector.shape_cast %swap3A_307 : vector<1x16xf32> to vector<16xf32>
        %swap3A_309 = vector.shape_cast %mul3A_303 : vector<16xf32> to vector<1x16xf32>
        tpu.vector_store %arg7[%swap3A_305, %swap3A_306], %swap3A_309 {strides = array<i32>} : memref<8x6400xf32, #tpu.memory_space<vmem>>, vector<1x16xf32>,
        %add3A_310 = arith.constant 96 : i32
        %add3A_311 = arith.addi %mul3A_226, %add3A_310 : i32
        %get3A_312 = arith.constant 3 : i32
        %get3A_313 = arith.index_cast %get3A_312 : i32 to index
        %get3A_314 = arith.index_cast %add3A_311 : i32 to index
        %get3A_315 = tpu.vector_load %arg6[%get3A_313, %get3A_314] {strides = array<i32>} : memref<8x6400xf32, #tpu.memory_space<vmem>>, vector<1x16xf32>,
        %get3A_316 = vector.shape_cast %get3A_315 : vector<1x16xf32> to vector<16xf32>
        %mul3A_317 = arith.mulf %get3A_316, %add3A_97 : vector<16xf32>
        %swap3A_318 = arith.constant 3 : i32
        %swap3A_319 = arith.index_cast %swap3A_318 : i32 to index
        %swap3A_320 = arith.index_cast %add3A_311 : i32 to index
        %swap3A_321 = tpu.vector_load %arg7[%swap3A_319, %swap3A_320] {strides = array<i32>} : memref<8x6400xf32, #tpu.memory_space<vmem>>, vector<1x16xf32>,
        %swap3A_322 = vector.shape_cast %swap3A_321 : vector<1x16xf32> to vector<16xf32>
        %swap3A_323 = vector.shape_cast %mul3A_317 : vector<16xf32> to vector<1x16xf32>
        tpu.vector_store %arg7[%swap3A_319, %swap3A_320], %swap3A_323 {strides = array<i32>} : memref<8x6400xf32, #tpu.memory_space<vmem>>, vector<1x16xf32>,
        %add3A_324 = arith.constant 112 : i32
        %add3A_325 = arith.addi %mul3A_226, %add3A_324 : i32
        %get3A_326 = arith.constant 3 : i32
        %get3A_327 = arith.index_cast %get3A_326 : i32 to index
        %get3A_328 = arith.index_cast %add3A_325 : i32 to index
        %get3A_329 = tpu.vector_load %arg6[%get3A_327, %get3A_328] {strides = array<i32>} : memref<8x6400xf32, #tpu.memory_space<vmem>>, vector<1x16xf32>,
        %get3A_330 = vector.shape_cast %get3A_329 : vector<1x16xf32> to vector<16xf32>
        %mul3A_331 = arith.mulf %get3A_330, %add3A_97 : vector<16xf32>
        %swap3A_332 = arith.constant 3 : i32
        %swap3A_333 = arith.index_cast %swap3A_332 : i32 to index
        %swap3A_334 = arith.index_cast %add3A_325 : i32 to index
        %swap3A_335 = tpu.vector_load %arg7[%swap3A_333, %swap3A_334] {strides = array<i32>} : memref<8x6400xf32, #tpu.memory_space<vmem>>, vector<1x16xf32>,
        %swap3A_336 = vector.shape_cast %swap3A_335 : vector<1x16xf32> to vector<16xf32>
        %swap3A_337 = vector.shape_cast %mul3A_331 : vector<16xf32> to vector<1x16xf32>
        tpu.vector_store %arg7[%swap3A_333, %swap3A_334], %swap3A_337 {strides = array<i32>} : memref<8x6400xf32, #tpu.memory_space<vmem>>, vector<1x16xf32>,
      }
      %scan3A_199 = arith.constant 13 : i32
      %scan3A_200 = arith.constant 0 : i32
      %scan3A_201 = arith.constant 0 : i32
      %scan3A_202 = arith.constant 13 : i32
      %scan3A_203 = arith.addi %scan3A_201, %scan3A_202 : i32
      %scan3A_204 = arith.constant 1 : i32
      scf.for %scan3A_224 = %scan3A_201 to %scan3A_203 step %scan3A_204  : i32 {
        %mul3A_225 = arith.constant 128 : i32
        %mul3A_226 = arith.muli %scan3A_224, %mul3A_225 : i32
        %add3A_227 = arith.constant 0 : i32
        %add3A_228 = arith.addi %mul3A_226, %add3A_227 : i32
        %get3A_229 = arith.constant 4 : i32
        %get3A_230 = arith.index_cast %get3A_229 : i32 to index
        %get3A_231 = arith.index_cast %add3A_228 : i32 to index
        %get3A_232 = tpu.vector_load %arg6[%get3A_230, %get3A_231] {strides = array<i32>} : memref<8x6400xf32, #tpu.memory_space<vmem>>, vector<1x16xf32>,
        %get3A_233 = vector.shape_cast %get3A_232 : vector<1x16xf32> to vector<16xf32>
        %mul3A_234 = arith.mulf %get3A_233, %add3A_114 : vector<16xf32>
        %swap3A = arith.constant 4 : i32
        %swap3A_235 = arith.index_cast %swap3A : i32 to index
        %swap3A_236 = arith.index_cast %add3A_228 : i32 to index
        %swap3A_237 = tpu.vector_load %arg7[%swap3A_235, %swap3A_236] {strides = array<i32>} : memref<8x6400xf32, #tpu.memory_space<vmem>>, vector<1x16xf32>,
        %swap3A_238 = vector.shape_cast %swap3A_237 : vector<1x16xf32> to vector<16xf32>
        %swap3A_239 = vector.shape_cast %mul3A_234 : vector<16xf32> to vector<1x16xf32>
        tpu.vector_store %arg7[%swap3A_235, %swap3A_236], %swap3A_239 {strides = array<i32>} : memref<8x6400xf32, #tpu.memory_space<vmem>>, vector<1x16xf32>,
        %add3A_240 = arith.constant 16 : i32
        %add3A_241 = arith.addi %mul3A_226, %add3A_240 : i32
        %get3A_242 = arith.constant 4 : i32
        %get3A_243 = arith.index_cast %get3A_242 : i32 to index
        %get3A_244 = arith.index_cast %add3A_241 : i32 to index
        %get3A_245 = tpu.vector_load %arg6[%get3A_243, %get3A_244] {strides = array<i32>} : memref<8x6400xf32, #tpu.memory_space<vmem>>, vector<1x16xf32>,
        %get3A_246 = vector.shape_cast %get3A_245 : vector<1x16xf32> to vector<16xf32>
        %mul3A_247 = arith.mulf %get3A_246, %add3A_114 : vector<16xf32>
        %swap3A_248 = arith.constant 4 : i32
        %swap3A_249 = arith.index_cast %swap3A_248 : i32 to index
        %swap3A_250 = arith.index_cast %add3A_241 : i32 to index
        %swap3A_251 = tpu.vector_load %arg7[%swap3A_249, %swap3A_250] {strides = array<i32>} : memref<8x6400xf32, #tpu.memory_space<vmem>>, vector<1x16xf32>,
        %swap3A_252 = vector.shape_cast %swap3A_251 : vector<1x16xf32> to vector<16xf32>
        %swap3A_253 = vector.shape_cast %mul3A_247 : vector<16xf32> to vector<1x16xf32>
        tpu.vector_store %arg7[%swap3A_249, %swap3A_250], %swap3A_253 {strides = array<i32>} : memref<8x6400xf32, #tpu.memory_space<vmem>>, vector<1x16xf32>,
        %add3A_254 = arith.constant 32 : i32
        %add3A_255 = arith.addi %mul3A_226, %add3A_254 : i32
        %get3A_256 = arith.constant 4 : i32
        %get3A_257 = arith.index_cast %get3A_256 : i32 to index
        %get3A_258 = arith.index_cast %add3A_255 : i32 to index
        %get3A_259 = tpu.vector_load %arg6[%get3A_257, %get3A_258] {strides = array<i32>} : memref<8x6400xf32, #tpu.memory_space<vmem>>, vector<1x16xf32>,
        %get3A_260 = vector.shape_cast %get3A_259 : vector<1x16xf32> to vector<16xf32>
        %mul3A_261 = arith.mulf %get3A_260, %add3A_114 : vector<16xf32>
        %swap3A_262 = arith.constant 4 : i32
        %swap3A_263 = arith.index_cast %swap3A_262 : i32 to index
        %swap3A_264 = arith.index_cast %add3A_255 : i32 to index
        %swap3A_265 = tpu.vector_load %arg7[%swap3A_263, %swap3A_264] {strides = array<i32>} : memref<8x6400xf32, #tpu.memory_space<vmem>>, vector<1x16xf32>,
        %swap3A_266 = vector.shape_cast %swap3A_265 : vector<1x16xf32> to vector<16xf32>
        %swap3A_267 = vector.shape_cast %mul3A_261 : vector<16xf32> to vector<1x16xf32>
        tpu.vector_store %arg7[%swap3A_263, %swap3A_264], %swap3A_267 {strides = array<i32>} : memref<8x6400xf32, #tpu.memory_space<vmem>>, vector<1x16xf32>,
        %add3A_268 = arith.constant 48 : i32
        %add3A_269 = arith.addi %mul3A_226, %add3A_268 : i32
        %get3A_270 = arith.constant 4 : i32
        %get3A_271 = arith.index_cast %get3A_270 : i32 to index
        %get3A_272 = arith.index_cast %add3A_269 : i32 to index
        %get3A_273 = tpu.vector_load %arg6[%get3A_271, %get3A_272] {strides = array<i32>} : memref<8x6400xf32, #tpu.memory_space<vmem>>, vector<1x16xf32>,
        %get3A_274 = vector.shape_cast %get3A_273 : vector<1x16xf32> to vector<16xf32>
        %mul3A_275 = arith.mulf %get3A_274, %add3A_114 : vector<16xf32>
        %swap3A_276 = arith.constant 4 : i32
        %swap3A_277 = arith.index_cast %swap3A_276 : i32 to index
        %swap3A_278 = arith.index_cast %add3A_269 : i32 to index
        %swap3A_279 = tpu.vector_load %arg7[%swap3A_277, %swap3A_278] {strides = array<i32>} : memref<8x6400xf32, #tpu.memory_space<vmem>>, vector<1x16xf32>,
        %swap3A_280 = vector.shape_cast %swap3A_279 : vector<1x16xf32> to vector<16xf32>
        %swap3A_281 = vector.shape_cast %mul3A_275 : vector<16xf32> to vector<1x16xf32>
        tpu.vector_store %arg7[%swap3A_277, %swap3A_278], %swap3A_281 {strides = array<i32>} : memref<8x6400xf32, #tpu.memory_space<vmem>>, vector<1x16xf32>,
        %add3A_282 = arith.constant 64 : i32
        %add3A_283 = arith.addi %mul3A_226, %add3A_282 : i32
        %get3A_284 = arith.constant 4 : i32
        %get3A_285 = arith.index_cast %get3A_284 : i32 to index
        %get3A_286 = arith.index_cast %add3A_283 : i32 to index
        %get3A_287 = tpu.vector_load %arg6[%get3A_285, %get3A_286] {strides = array<i32>} : memref<8x6400xf32, #tpu.memory_space<vmem>>, vector<1x16xf32>,
        %get3A_288 = vector.shape_cast %get3A_287 : vector<1x16xf32> to vector<16xf32>
        %mul3A_289 = arith.mulf %get3A_288, %add3A_114 : vector<16xf32>
        %swap3A_290 = arith.constant 4 : i32
        %swap3A_291 = arith.index_cast %swap3A_290 : i32 to index
        %swap3A_292 = arith.index_cast %add3A_283 : i32 to index
        %swap3A_293 = tpu.vector_load %arg7[%swap3A_291, %swap3A_292] {strides = array<i32>} : memref<8x6400xf32, #tpu.memory_space<vmem>>, vector<1x16xf32>,
        %swap3A_294 = vector.shape_cast %swap3A_293 : vector<1x16xf32> to vector<16xf32>
        %swap3A_295 = vector.shape_cast %mul3A_289 : vector<16xf32> to vector<1x16xf32>
        tpu.vector_store %arg7[%swap3A_291, %swap3A_292], %swap3A_295 {strides = array<i32>} : memref<8x6400xf32, #tpu.memory_space<vmem>>, vector<1x16xf32>,
        %add3A_296 = arith.constant 80 : i32
        %add3A_297 = arith.addi %mul3A_226, %add3A_296 : i32
        %get3A_298 = arith.constant 4 : i32
        %get3A_299 = arith.index_cast %get3A_298 : i32 to index
        %get3A_300 = arith.index_cast %add3A_297 : i32 to index
        %get3A_301 = tpu.vector_load %arg6[%get3A_299, %get3A_300] {strides = array<i32>} : memref<8x6400xf32, #tpu.memory_space<vmem>>, vector<1x16xf32>,
        %get3A_302 = vector.shape_cast %get3A_301 : vector<1x16xf32> to vector<16xf32>
        %mul3A_303 = arith.mulf %get3A_302, %add3A_114 : vector<16xf32>
        %swap3A_304 = arith.constant 4 : i32
        %swap3A_305 = arith.index_cast %swap3A_304 : i32 to index
        %swap3A_306 = arith.index_cast %add3A_297 : i32 to index
        %swap3A_307 = tpu.vector_load %arg7[%swap3A_305, %swap3A_306] {strides = array<i32>} : memref<8x6400xf32, #tpu.memory_space<vmem>>, vector<1x16xf32>,
        %swap3A_308 = vector.shape_cast %swap3A_307 : vector<1x16xf32> to vector<16xf32>
        %swap3A_309 = vector.shape_cast %mul3A_303 : vector<16xf32> to vector<1x16xf32>
        tpu.vector_store %arg7[%swap3A_305, %swap3A_306], %swap3A_309 {strides = array<i32>} : memref<8x6400xf32, #tpu.memory_space<vmem>>, vector<1x16xf32>,
        %add3A_310 = arith.constant 96 : i32
        %add3A_311 = arith.addi %mul3A_226, %add3A_310 : i32
        %get3A_312 = arith.constant 4 : i32
        %get3A_313 = arith.index_cast %get3A_312 : i32 to index
        %get3A_314 = arith.index_cast %add3A_311 : i32 to index
        %get3A_315 = tpu.vector_load %arg6[%get3A_313, %get3A_314] {strides = array<i32>} : memref<8x6400xf32, #tpu.memory_space<vmem>>, vector<1x16xf32>,
        %get3A_316 = vector.shape_cast %get3A_315 : vector<1x16xf32> to vector<16xf32>
        %mul3A_317 = arith.mulf %get3A_316, %add3A_114 : vector<16xf32>
        %swap3A_318 = arith.constant 4 : i32
        %swap3A_319 = arith.index_cast %swap3A_318 : i32 to index
        %swap3A_320 = arith.index_cast %add3A_311 : i32 to index
        %swap3A_321 = tpu.vector_load %arg7[%swap3A_319, %swap3A_320] {strides = array<i32>} : memref<8x6400xf32, #tpu.memory_space<vmem>>, vector<1x16xf32>,
        %swap3A_322 = vector.shape_cast %swap3A_321 : vector<1x16xf32> to vector<16xf32>
        %swap3A_323 = vector.shape_cast %mul3A_317 : vector<16xf32> to vector<1x16xf32>
        tpu.vector_store %arg7[%swap3A_319, %swap3A_320], %swap3A_323 {strides = array<i32>} : memref<8x6400xf32, #tpu.memory_space<vmem>>, vector<1x16xf32>,
        %add3A_324 = arith.constant 112 : i32
        %add3A_325 = arith.addi %mul3A_226, %add3A_324 : i32
        %get3A_326 = arith.constant 4 : i32
        %get3A_327 = arith.index_cast %get3A_326 : i32 to index
        %get3A_328 = arith.index_cast %add3A_325 : i32 to index
        %get3A_329 = tpu.vector_load %arg6[%get3A_327, %get3A_328] {strides = array<i32>} : memref<8x6400xf32, #tpu.memory_space<vmem>>, vector<1x16xf32>,
        %get3A_330 = vector.shape_cast %get3A_329 : vector<1x16xf32> to vector<16xf32>
        %mul3A_331 = arith.mulf %get3A_330, %add3A_114 : vector<16xf32>
        %swap3A_332 = arith.constant 4 : i32
        %swap3A_333 = arith.index_cast %swap3A_332 : i32 to index
        %swap3A_334 = arith.index_cast %add3A_325 : i32 to index
        %swap3A_335 = tpu.vector_load %arg7[%swap3A_333, %swap3A_334] {strides = array<i32>} : memref<8x6400xf32, #tpu.memory_space<vmem>>, vector<1x16xf32>,
        %swap3A_336 = vector.shape_cast %swap3A_335 : vector<1x16xf32> to vector<16xf32>
        %swap3A_337 = vector.shape_cast %mul3A_331 : vector<16xf32> to vector<1x16xf32>
        tpu.vector_store %arg7[%swap3A_333, %swap3A_334], %swap3A_337 {strides = array<i32>} : memref<8x6400xf32, #tpu.memory_space<vmem>>, vector<1x16xf32>,
      }
      %scan3A_205 = arith.constant 13 : i32
      %scan3A_206 = arith.constant 0 : i32
      %scan3A_207 = arith.constant 0 : i32
      %scan3A_208 = arith.constant 13 : i32
      %scan3A_209 = arith.addi %scan3A_207, %scan3A_208 : i32
      %scan3A_210 = arith.constant 1 : i32
      scf.for %scan3A_224 = %scan3A_207 to %scan3A_209 step %scan3A_210  : i32 {
        %mul3A_225 = arith.constant 128 : i32
        %mul3A_226 = arith.muli %scan3A_224, %mul3A_225 : i32
        %add3A_227 = arith.constant 0 : i32
        %add3A_228 = arith.addi %mul3A_226, %add3A_227 : i32
        %get3A_229 = arith.constant 5 : i32
        %get3A_230 = arith.index_cast %get3A_229 : i32 to index
        %get3A_231 = arith.index_cast %add3A_228 : i32 to index
        %get3A_232 = tpu.vector_load %arg6[%get3A_230, %get3A_231] {strides = array<i32>} : memref<8x6400xf32, #tpu.memory_space<vmem>>, vector<1x16xf32>,
        %get3A_233 = vector.shape_cast %get3A_232 : vector<1x16xf32> to vector<16xf32>
        %mul3A_234 = arith.mulf %get3A_233, %add3A_131 : vector<16xf32>
        %swap3A = arith.constant 5 : i32
        %swap3A_235 = arith.index_cast %swap3A : i32 to index
        %swap3A_236 = arith.index_cast %add3A_228 : i32 to index
        %swap3A_237 = tpu.vector_load %arg7[%swap3A_235, %swap3A_236] {strides = array<i32>} : memref<8x6400xf32, #tpu.memory_space<vmem>>, vector<1x16xf32>,
        %swap3A_238 = vector.shape_cast %swap3A_237 : vector<1x16xf32> to vector<16xf32>
        %swap3A_239 = vector.shape_cast %mul3A_234 : vector<16xf32> to vector<1x16xf32>
        tpu.vector_store %arg7[%swap3A_235, %swap3A_236], %swap3A_239 {strides = array<i32>} : memref<8x6400xf32, #tpu.memory_space<vmem>>, vector<1x16xf32>,
        %add3A_240 = arith.constant 16 : i32
        %add3A_241 = arith.addi %mul3A_226, %add3A_240 : i32
        %get3A_242 = arith.constant 5 : i32
        %get3A_243 = arith.index_cast %get3A_242 : i32 to index
        %get3A_244 = arith.index_cast %add3A_241 : i32 to index
        %get3A_245 = tpu.vector_load %arg6[%get3A_243, %get3A_244] {strides = array<i32>} : memref<8x6400xf32, #tpu.memory_space<vmem>>, vector<1x16xf32>,
        %get3A_246 = vector.shape_cast %get3A_245 : vector<1x16xf32> to vector<16xf32>
        %mul3A_247 = arith.mulf %get3A_246, %add3A_131 : vector<16xf32>
        %swap3A_248 = arith.constant 5 : i32
        %swap3A_249 = arith.index_cast %swap3A_248 : i32 to index
        %swap3A_250 = arith.index_cast %add3A_241 : i32 to index
        %swap3A_251 = tpu.vector_load %arg7[%swap3A_249, %swap3A_250] {strides = array<i32>} : memref<8x6400xf32, #tpu.memory_space<vmem>>, vector<1x16xf32>,
        %swap3A_252 = vector.shape_cast %swap3A_251 : vector<1x16xf32> to vector<16xf32>
        %swap3A_253 = vector.shape_cast %mul3A_247 : vector<16xf32> to vector<1x16xf32>
        tpu.vector_store %arg7[%swap3A_249, %swap3A_250], %swap3A_253 {strides = array<i32>} : memref<8x6400xf32, #tpu.memory_space<vmem>>, vector<1x16xf32>,
        %add3A_254 = arith.constant 32 : i32
        %add3A_255 = arith.addi %mul3A_226, %add3A_254 : i32
        %get3A_256 = arith.constant 5 : i32
        %get3A_257 = arith.index_cast %get3A_256 : i32 to index
        %get3A_258 = arith.index_cast %add3A_255 : i32 to index
        %get3A_259 = tpu.vector_load %arg6[%get3A_257, %get3A_258] {strides = array<i32>} : memref<8x6400xf32, #tpu.memory_space<vmem>>, vector<1x16xf32>,
        %get3A_260 = vector.shape_cast %get3A_259 : vector<1x16xf32> to vector<16xf32>
        %mul3A_261 = arith.mulf %get3A_260, %add3A_131 : vector<16xf32>
        %swap3A_262 = arith.constant 5 : i32
        %swap3A_263 = arith.index_cast %swap3A_262 : i32 to index
        %swap3A_264 = arith.index_cast %add3A_255 : i32 to index
        %swap3A_265 = tpu.vector_load %arg7[%swap3A_263, %swap3A_264] {strides = array<i32>} : memref<8x6400xf32, #tpu.memory_space<vmem>>, vector<1x16xf32>,
        %swap3A_266 = vector.shape_cast %swap3A_265 : vector<1x16xf32> to vector<16xf32>
        %swap3A_267 = vector.shape_cast %mul3A_261 : vector<16xf32> to vector<1x16xf32>
        tpu.vector_store %arg7[%swap3A_263, %swap3A_264], %swap3A_267 {strides = array<i32>} : memref<8x6400xf32, #tpu.memory_space<vmem>>, vector<1x16xf32>,
        %add3A_268 = arith.constant 48 : i32
        %add3A_269 = arith.addi %mul3A_226, %add3A_268 : i32
        %get3A_270 = arith.constant 5 : i32
        %get3A_271 = arith.index_cast %get3A_270 : i32 to index
        %get3A_272 = arith.index_cast %add3A_269 : i32 to index
        %get3A_273 = tpu.vector_load %arg6[%get3A_271, %get3A_272] {strides = array<i32>} : memref<8x6400xf32, #tpu.memory_space<vmem>>, vector<1x16xf32>,
        %get3A_274 = vector.shape_cast %get3A_273 : vector<1x16xf32> to vector<16xf32>
        %mul3A_275 = arith.mulf %get3A_274, %add3A_131 : vector<16xf32>
        %swap3A_276 = arith.constant 5 : i32
        %swap3A_277 = arith.index_cast %swap3A_276 : i32 to index
        %swap3A_278 = arith.index_cast %add3A_269 : i32 to index
        %swap3A_279 = tpu.vector_load %arg7[%swap3A_277, %swap3A_278] {strides = array<i32>} : memref<8x6400xf32, #tpu.memory_space<vmem>>, vector<1x16xf32>,
        %swap3A_280 = vector.shape_cast %swap3A_279 : vector<1x16xf32> to vector<16xf32>
        %swap3A_281 = vector.shape_cast %mul3A_275 : vector<16xf32> to vector<1x16xf32>
        tpu.vector_store %arg7[%swap3A_277, %swap3A_278], %swap3A_281 {strides = array<i32>} : memref<8x6400xf32, #tpu.memory_space<vmem>>, vector<1x16xf32>,
        %add3A_282 = arith.constant 64 : i32
        %add3A_283 = arith.addi %mul3A_226, %add3A_282 : i32
        %get3A_284 = arith.constant 5 : i32
        %get3A_285 = arith.index_cast %get3A_284 : i32 to index
        %get3A_286 = arith.index_cast %add3A_283 : i32 to index
        %get3A_287 = tpu.vector_load %arg6[%get3A_285, %get3A_286] {strides = array<i32>} : memref<8x6400xf32, #tpu.memory_space<vmem>>, vector<1x16xf32>,
        %get3A_288 = vector.shape_cast %get3A_287 : vector<1x16xf32> to vector<16xf32>
        %mul3A_289 = arith.mulf %get3A_288, %add3A_131 : vector<16xf32>
        %swap3A_290 = arith.constant 5 : i32
        %swap3A_291 = arith.index_cast %swap3A_290 : i32 to index
        %swap3A_292 = arith.index_cast %add3A_283 : i32 to index
        %swap3A_293 = tpu.vector_load %arg7[%swap3A_291, %swap3A_292] {strides = array<i32>} : memref<8x6400xf32, #tpu.memory_space<vmem>>, vector<1x16xf32>,
        %swap3A_294 = vector.shape_cast %swap3A_293 : vector<1x16xf32> to vector<16xf32>
        %swap3A_295 = vector.shape_cast %mul3A_289 : vector<16xf32> to vector<1x16xf32>
        tpu.vector_store %arg7[%swap3A_291, %swap3A_292], %swap3A_295 {strides = array<i32>} : memref<8x6400xf32, #tpu.memory_space<vmem>>, vector<1x16xf32>,
        %add3A_296 = arith.constant 80 : i32
        %add3A_297 = arith.addi %mul3A_226, %add3A_296 : i32
        %get3A_298 = arith.constant 5 : i32
        %get3A_299 = arith.index_cast %get3A_298 : i32 to index
        %get3A_300 = arith.index_cast %add3A_297 : i32 to index
        %get3A_301 = tpu.vector_load %arg6[%get3A_299, %get3A_300] {strides = array<i32>} : memref<8x6400xf32, #tpu.memory_space<vmem>>, vector<1x16xf32>,
        %get3A_302 = vector.shape_cast %get3A_301 : vector<1x16xf32> to vector<16xf32>
        %mul3A_303 = arith.mulf %get3A_302, %add3A_131 : vector<16xf32>
        %swap3A_304 = arith.constant 5 : i32
        %swap3A_305 = arith.index_cast %swap3A_304 : i32 to index
        %swap3A_306 = arith.index_cast %add3A_297 : i32 to index
        %swap3A_307 = tpu.vector_load %arg7[%swap3A_305, %swap3A_306] {strides = array<i32>} : memref<8x6400xf32, #tpu.memory_space<vmem>>, vector<1x16xf32>,
        %swap3A_308 = vector.shape_cast %swap3A_307 : vector<1x16xf32> to vector<16xf32>
        %swap3A_309 = vector.shape_cast %mul3A_303 : vector<16xf32> to vector<1x16xf32>
        tpu.vector_store %arg7[%swap3A_305, %swap3A_306], %swap3A_309 {strides = array<i32>} : memref<8x6400xf32, #tpu.memory_space<vmem>>, vector<1x16xf32>,
        %add3A_310 = arith.constant 96 : i32
        %add3A_311 = arith.addi %mul3A_226, %add3A_310 : i32
        %get3A_312 = arith.constant 5 : i32
        %get3A_313 = arith.index_cast %get3A_312 : i32 to index
        %get3A_314 = arith.index_cast %add3A_311 : i32 to index
        %get3A_315 = tpu.vector_load %arg6[%get3A_313, %get3A_314] {strides = array<i32>} : memref<8x6400xf32, #tpu.memory_space<vmem>>, vector<1x16xf32>,
        %get3A_316 = vector.shape_cast %get3A_315 : vector<1x16xf32> to vector<16xf32>
        %mul3A_317 = arith.mulf %get3A_316, %add3A_131 : vector<16xf32>
        %swap3A_318 = arith.constant 5 : i32
        %swap3A_319 = arith.index_cast %swap3A_318 : i32 to index
        %swap3A_320 = arith.index_cast %add3A_311 : i32 to index
        %swap3A_321 = tpu.vector_load %arg7[%swap3A_319, %swap3A_320] {strides = array<i32>} : memref<8x6400xf32, #tpu.memory_space<vmem>>, vector<1x16xf32>,
        %swap3A_322 = vector.shape_cast %swap3A_321 : vector<1x16xf32> to vector<16xf32>
        %swap3A_323 = vector.shape_cast %mul3A_317 : vector<16xf32> to vector<1x16xf32>
        tpu.vector_store %arg7[%swap3A_319, %swap3A_320], %swap3A_323 {strides = array<i32>} : memref<8x6400xf32, #tpu.memory_space<vmem>>, vector<1x16xf32>,
        %add3A_324 = arith.constant 112 : i32
        %add3A_325 = arith.addi %mul3A_226, %add3A_324 : i32
        %get3A_326 = arith.constant 5 : i32
        %get3A_327 = arith.index_cast %get3A_326 : i32 to index
        %get3A_328 = arith.index_cast %add3A_325 : i32 to index
        %get3A_329 = tpu.vector_load %arg6[%get3A_327, %get3A_328] {strides = array<i32>} : memref<8x6400xf32, #tpu.memory_space<vmem>>, vector<1x16xf32>,
        %get3A_330 = vector.shape_cast %get3A_329 : vector<1x16xf32> to vector<16xf32>
        %mul3A_331 = arith.mulf %get3A_330, %add3A_131 : vector<16xf32>
        %swap3A_332 = arith.constant 5 : i32
        %swap3A_333 = arith.index_cast %swap3A_332 : i32 to index
        %swap3A_334 = arith.index_cast %add3A_325 : i32 to index
        %swap3A_335 = tpu.vector_load %arg7[%swap3A_333, %swap3A_334] {strides = array<i32>} : memref<8x6400xf32, #tpu.memory_space<vmem>>, vector<1x16xf32>,
        %swap3A_336 = vector.shape_cast %swap3A_335 : vector<1x16xf32> to vector<16xf32>
        %swap3A_337 = vector.shape_cast %mul3A_331 : vector<16xf32> to vector<1x16xf32>
        tpu.vector_store %arg7[%swap3A_333, %swap3A_334], %swap3A_337 {strides = array<i32>} : memref<8x6400xf32, #tpu.memory_space<vmem>>, vector<1x16xf32>,
      }
      %scan3A_211 = arith.constant 13 : i32
      %scan3A_212 = arith.constant 0 : i32
      %scan3A_213 = arith.constant 0 : i32
      %scan3A_214 = arith.constant 13 : i32
      %scan3A_215 = arith.addi %scan3A_213, %scan3A_214 : i32
      %scan3A_216 = arith.constant 1 : i32
      scf.for %scan3A_224 = %scan3A_213 to %scan3A_215 step %scan3A_216  : i32 {
        %mul3A_225 = arith.constant 128 : i32
        %mul3A_226 = arith.muli %scan3A_224, %mul3A_225 : i32
        %add3A_227 = arith.constant 0 : i32
        %add3A_228 = arith.addi %mul3A_226, %add3A_227 : i32
        %get3A_229 = arith.constant 6 : i32
        %get3A_230 = arith.index_cast %get3A_229 : i32 to index
        %get3A_231 = arith.index_cast %add3A_228 : i32 to index
        %get3A_232 = tpu.vector_load %arg6[%get3A_230, %get3A_231] {strides = array<i32>} : memref<8x6400xf32, #tpu.memory_space<vmem>>, vector<1x16xf32>,
        %get3A_233 = vector.shape_cast %get3A_232 : vector<1x16xf32> to vector<16xf32>
        %mul3A_234 = arith.mulf %get3A_233, %add3A_148 : vector<16xf32>
        %swap3A = arith.constant 6 : i32
        %swap3A_235 = arith.index_cast %swap3A : i32 to index
        %swap3A_236 = arith.index_cast %add3A_228 : i32 to index
        %swap3A_237 = tpu.vector_load %arg7[%swap3A_235, %swap3A_236] {strides = array<i32>} : memref<8x6400xf32, #tpu.memory_space<vmem>>, vector<1x16xf32>,
        %swap3A_238 = vector.shape_cast %swap3A_237 : vector<1x16xf32> to vector<16xf32>
        %swap3A_239 = vector.shape_cast %mul3A_234 : vector<16xf32> to vector<1x16xf32>
        tpu.vector_store %arg7[%swap3A_235, %swap3A_236], %swap3A_239 {strides = array<i32>} : memref<8x6400xf32, #tpu.memory_space<vmem>>, vector<1x16xf32>,
        %add3A_240 = arith.constant 16 : i32
        %add3A_241 = arith.addi %mul3A_226, %add3A_240 : i32
        %get3A_242 = arith.constant 6 : i32
        %get3A_243 = arith.index_cast %get3A_242 : i32 to index
        %get3A_244 = arith.index_cast %add3A_241 : i32 to index
        %get3A_245 = tpu.vector_load %arg6[%get3A_243, %get3A_244] {strides = array<i32>} : memref<8x6400xf32, #tpu.memory_space<vmem>>, vector<1x16xf32>,
        %get3A_246 = vector.shape_cast %get3A_245 : vector<1x16xf32> to vector<16xf32>
        %mul3A_247 = arith.mulf %get3A_246, %add3A_148 : vector<16xf32>
        %swap3A_248 = arith.constant 6 : i32
        %swap3A_249 = arith.index_cast %swap3A_248 : i32 to index
        %swap3A_250 = arith.index_cast %add3A_241 : i32 to index
        %swap3A_251 = tpu.vector_load %arg7[%swap3A_249, %swap3A_250] {strides = array<i32>} : memref<8x6400xf32, #tpu.memory_space<vmem>>, vector<1x16xf32>,
        %swap3A_252 = vector.shape_cast %swap3A_251 : vector<1x16xf32> to vector<16xf32>
        %swap3A_253 = vector.shape_cast %mul3A_247 : vector<16xf32> to vector<1x16xf32>
        tpu.vector_store %arg7[%swap3A_249, %swap3A_250], %swap3A_253 {strides = array<i32>} : memref<8x6400xf32, #tpu.memory_space<vmem>>, vector<1x16xf32>,
        %add3A_254 = arith.constant 32 : i32
        %add3A_255 = arith.addi %mul3A_226, %add3A_254 : i32
        %get3A_256 = arith.constant 6 : i32
        %get3A_257 = arith.index_cast %get3A_256 : i32 to index
        %get3A_258 = arith.index_cast %add3A_255 : i32 to index
        %get3A_259 = tpu.vector_load %arg6[%get3A_257, %get3A_258] {strides = array<i32>} : memref<8x6400xf32, #tpu.memory_space<vmem>>, vector<1x16xf32>,
        %get3A_260 = vector.shape_cast %get3A_259 : vector<1x16xf32> to vector<16xf32>
        %mul3A_261 = arith.mulf %get3A_260, %add3A_148 : vector<16xf32>
        %swap3A_262 = arith.constant 6 : i32
        %swap3A_263 = arith.index_cast %swap3A_262 : i32 to index
        %swap3A_264 = arith.index_cast %add3A_255 : i32 to index
        %swap3A_265 = tpu.vector_load %arg7[%swap3A_263, %swap3A_264] {strides = array<i32>} : memref<8x6400xf32, #tpu.memory_space<vmem>>, vector<1x16xf32>,
        %swap3A_266 = vector.shape_cast %swap3A_265 : vector<1x16xf32> to vector<16xf32>
        %swap3A_267 = vector.shape_cast %mul3A_261 : vector<16xf32> to vector<1x16xf32>
        tpu.vector_store %arg7[%swap3A_263, %swap3A_264], %swap3A_267 {strides = array<i32>} : memref<8x6400xf32, #tpu.memory_space<vmem>>, vector<1x16xf32>,
        %add3A_268 = arith.constant 48 : i32
        %add3A_269 = arith.addi %mul3A_226, %add3A_268 : i32
        %get3A_270 = arith.constant 6 : i32
        %get3A_271 = arith.index_cast %get3A_270 : i32 to index
        %get3A_272 = arith.index_cast %add3A_269 : i32 to index
        %get3A_273 = tpu.vector_load %arg6[%get3A_271, %get3A_272] {strides = array<i32>} : memref<8x6400xf32, #tpu.memory_space<vmem>>, vector<1x16xf32>,
        %get3A_274 = vector.shape_cast %get3A_273 : vector<1x16xf32> to vector<16xf32>
        %mul3A_275 = arith.mulf %get3A_274, %add3A_148 : vector<16xf32>
        %swap3A_276 = arith.constant 6 : i32
        %swap3A_277 = arith.index_cast %swap3A_276 : i32 to index
        %swap3A_278 = arith.index_cast %add3A_269 : i32 to index
        %swap3A_279 = tpu.vector_load %arg7[%swap3A_277, %swap3A_278] {strides = array<i32>} : memref<8x6400xf32, #tpu.memory_space<vmem>>, vector<1x16xf32>,
        %swap3A_280 = vector.shape_cast %swap3A_279 : vector<1x16xf32> to vector<16xf32>
        %swap3A_281 = vector.shape_cast %mul3A_275 : vector<16xf32> to vector<1x16xf32>
        tpu.vector_store %arg7[%swap3A_277, %swap3A_278], %swap3A_281 {strides = array<i32>} : memref<8x6400xf32, #tpu.memory_space<vmem>>, vector<1x16xf32>,
        %add3A_282 = arith.constant 64 : i32
        %add3A_283 = arith.addi %mul3A_226, %add3A_282 : i32
        %get3A_284 = arith.constant 6 : i32
        %get3A_285 = arith.index_cast %get3A_284 : i32 to index
        %get3A_286 = arith.index_cast %add3A_283 : i32 to index
        %get3A_287 = tpu.vector_load %arg6[%get3A_285, %get3A_286] {strides = array<i32>} : memref<8x6400xf32, #tpu.memory_space<vmem>>, vector<1x16xf32>,
        %get3A_288 = vector.shape_cast %get3A_287 : vector<1x16xf32> to vector<16xf32>
        %mul3A_289 = arith.mulf %get3A_288, %add3A_148 : vector<16xf32>
        %swap3A_290 = arith.constant 6 : i32
        %swap3A_291 = arith.index_cast %swap3A_290 : i32 to index
        %swap3A_292 = arith.index_cast %add3A_283 : i32 to index
        %swap3A_293 = tpu.vector_load %arg7[%swap3A_291, %swap3A_292] {strides = array<i32>} : memref<8x6400xf32, #tpu.memory_space<vmem>>, vector<1x16xf32>,
        %swap3A_294 = vector.shape_cast %swap3A_293 : vector<1x16xf32> to vector<16xf32>
        %swap3A_295 = vector.shape_cast %mul3A_289 : vector<16xf32> to vector<1x16xf32>
        tpu.vector_store %arg7[%swap3A_291, %swap3A_292], %swap3A_295 {strides = array<i32>} : memref<8x6400xf32, #tpu.memory_space<vmem>>, vector<1x16xf32>,
        %add3A_296 = arith.constant 80 : i32
        %add3A_297 = arith.addi %mul3A_226, %add3A_296 : i32
        %get3A_298 = arith.constant 6 : i32
        %get3A_299 = arith.index_cast %get3A_298 : i32 to index
        %get3A_300 = arith.index_cast %add3A_297 : i32 to index
        %get3A_301 = tpu.vector_load %arg6[%get3A_299, %get3A_300] {strides = array<i32>} : memref<8x6400xf32, #tpu.memory_space<vmem>>, vector<1x16xf32>,
        %get3A_302 = vector.shape_cast %get3A_301 : vector<1x16xf32> to vector<16xf32>
        %mul3A_303 = arith.mulf %get3A_302, %add3A_148 : vector<16xf32>
        %swap3A_304 = arith.constant 6 : i32
        %swap3A_305 = arith.index_cast %swap3A_304 : i32 to index
        %swap3A_306 = arith.index_cast %add3A_297 : i32 to index
        %swap3A_307 = tpu.vector_load %arg7[%swap3A_305, %swap3A_306] {strides = array<i32>} : memref<8x6400xf32, #tpu.memory_space<vmem>>, vector<1x16xf32>,
        %swap3A_308 = vector.shape_cast %swap3A_307 : vector<1x16xf32> to vector<16xf32>
        %swap3A_309 = vector.shape_cast %mul3A_303 : vector<16xf32> to vector<1x16xf32>
        tpu.vector_store %arg7[%swap3A_305, %swap3A_306], %swap3A_309 {strides = array<i32>} : memref<8x6400xf32, #tpu.memory_space<vmem>>, vector<1x16xf32>,
        %add3A_310 = arith.constant 96 : i32
        %add3A_311 = arith.addi %mul3A_226, %add3A_310 : i32
        %get3A_312 = arith.constant 6 : i32
        %get3A_313 = arith.index_cast %get3A_312 : i32 to index
        %get3A_314 = arith.index_cast %add3A_311 : i32 to index
        %get3A_315 = tpu.vector_load %arg6[%get3A_313, %get3A_314] {strides = array<i32>} : memref<8x6400xf32, #tpu.memory_space<vmem>>, vector<1x16xf32>,
        %get3A_316 = vector.shape_cast %get3A_315 : vector<1x16xf32> to vector<16xf32>
        %mul3A_317 = arith.mulf %get3A_316, %add3A_148 : vector<16xf32>
        %swap3A_318 = arith.constant 6 : i32
        %swap3A_319 = arith.index_cast %swap3A_318 : i32 to index
        %swap3A_320 = arith.index_cast %add3A_311 : i32 to index
        %swap3A_321 = tpu.vector_load %arg7[%swap3A_319, %swap3A_320] {strides = array<i32>} : memref<8x6400xf32, #tpu.memory_space<vmem>>, vector<1x16xf32>,
        %swap3A_322 = vector.shape_cast %swap3A_321 : vector<1x16xf32> to vector<16xf32>
        %swap3A_323 = vector.shape_cast %mul3A_317 : vector<16xf32> to vector<1x16xf32>
        tpu.vector_store %arg7[%swap3A_319, %swap3A_320], %swap3A_323 {strides = array<i32>} : memref<8x6400xf32, #tpu.memory_space<vmem>>, vector<1x16xf32>,
        %add3A_324 = arith.constant 112 : i32
        %add3A_325 = arith.addi %mul3A_226, %add3A_324 : i32
        %get3A_326 = arith.constant 6 : i32
        %get3A_327 = arith.index_cast %get3A_326 : i32 to index
        %get3A_328 = arith.index_cast %add3A_325 : i32 to index
        %get3A_329 = tpu.vector_load %arg6[%get3A_327, %get3A_328] {strides = array<i32>} : memref<8x6400xf32, #tpu.memory_space<vmem>>, vector<1x16xf32>,
        %get3A_330 = vector.shape_cast %get3A_329 : vector<1x16xf32> to vector<16xf32>
        %mul3A_331 = arith.mulf %get3A_330, %add3A_148 : vector<16xf32>
        %swap3A_332 = arith.constant 6 : i32
        %swap3A_333 = arith.index_cast %swap3A_332 : i32 to index
        %swap3A_334 = arith.index_cast %add3A_325 : i32 to index
        %swap3A_335 = tpu.vector_load %arg7[%swap3A_333, %swap3A_334] {strides = array<i32>} : memref<8x6400xf32, #tpu.memory_space<vmem>>, vector<1x16xf32>,
        %swap3A_336 = vector.shape_cast %swap3A_335 : vector<1x16xf32> to vector<16xf32>
        %swap3A_337 = vector.shape_cast %mul3A_331 : vector<16xf32> to vector<1x16xf32>
        tpu.vector_store %arg7[%swap3A_333, %swap3A_334], %swap3A_337 {strides = array<i32>} : memref<8x6400xf32, #tpu.memory_space<vmem>>, vector<1x16xf32>,
      }
      %scan3A_217 = arith.constant 13 : i32
      %scan3A_218 = arith.constant 0 : i32
      %scan3A_219 = arith.constant 0 : i32
      %scan3A_220 = arith.constant 13 : i32
      %scan3A_221 = arith.addi %scan3A_219, %scan3A_220 : i32
      %scan3A_222 = arith.constant 1 : i32
      scf.for %scan3A_224 = %scan3A_219 to %scan3A_221 step %scan3A_222  : i32 {
        %mul3A_225 = arith.constant 128 : i32
        %mul3A_226 = arith.muli %scan3A_224, %mul3A_225 : i32
        %add3A_227 = arith.constant 0 : i32
        %add3A_228 = arith.addi %mul3A_226, %add3A_227 : i32
        %get3A_229 = arith.constant 7 : i32
        %get3A_230 = arith.index_cast %get3A_229 : i32 to index
        %get3A_231 = arith.index_cast %add3A_228 : i32 to index
        %get3A_232 = tpu.vector_load %arg6[%get3A_230, %get3A_231] {strides = array<i32>} : memref<8x6400xf32, #tpu.memory_space<vmem>>, vector<1x16xf32>,
        %get3A_233 = vector.shape_cast %get3A_232 : vector<1x16xf32> to vector<16xf32>
        %mul3A_234 = arith.mulf %get3A_233, %add3A_165 : vector<16xf32>
        %swap3A = arith.constant 7 : i32
        %swap3A_235 = arith.index_cast %swap3A : i32 to index
        %swap3A_236 = arith.index_cast %add3A_228 : i32 to index
        %swap3A_237 = tpu.vector_load %arg7[%swap3A_235, %swap3A_236] {strides = array<i32>} : memref<8x6400xf32, #tpu.memory_space<vmem>>, vector<1x16xf32>,
        %swap3A_238 = vector.shape_cast %swap3A_237 : vector<1x16xf32> to vector<16xf32>
        %swap3A_239 = vector.shape_cast %mul3A_234 : vector<16xf32> to vector<1x16xf32>
        tpu.vector_store %arg7[%swap3A_235, %swap3A_236], %swap3A_239 {strides = array<i32>} : memref<8x6400xf32, #tpu.memory_space<vmem>>, vector<1x16xf32>,
        %add3A_240 = arith.constant 16 : i32
        %add3A_241 = arith.addi %mul3A_226, %add3A_240 : i32
        %get3A_242 = arith.constant 7 : i32
        %get3A_243 = arith.index_cast %get3A_242 : i32 to index
        %get3A_244 = arith.index_cast %add3A_241 : i32 to index
        %get3A_245 = tpu.vector_load %arg6[%get3A_243, %get3A_244] {strides = array<i32>} : memref<8x6400xf32, #tpu.memory_space<vmem>>, vector<1x16xf32>,
        %get3A_246 = vector.shape_cast %get3A_245 : vector<1x16xf32> to vector<16xf32>
        %mul3A_247 = arith.mulf %get3A_246, %add3A_165 : vector<16xf32>
        %swap3A_248 = arith.constant 7 : i32
        %swap3A_249 = arith.index_cast %swap3A_248 : i32 to index
        %swap3A_250 = arith.index_cast %add3A_241 : i32 to index
        %swap3A_251 = tpu.vector_load %arg7[%swap3A_249, %swap3A_250] {strides = array<i32>} : memref<8x6400xf32, #tpu.memory_space<vmem>>, vector<1x16xf32>,
        %swap3A_252 = vector.shape_cast %swap3A_251 : vector<1x16xf32> to vector<16xf32>
        %swap3A_253 = vector.shape_cast %mul3A_247 : vector<16xf32> to vector<1x16xf32>
        tpu.vector_store %arg7[%swap3A_249, %swap3A_250], %swap3A_253 {strides = array<i32>} : memref<8x6400xf32, #tpu.memory_space<vmem>>, vector<1x16xf32>,
        %add3A_254 = arith.constant 32 : i32
        %add3A_255 = arith.addi %mul3A_226, %add3A_254 : i32
        %get3A_256 = arith.constant 7 : i32
        %get3A_257 = arith.index_cast %get3A_256 : i32 to index
        %get3A_258 = arith.index_cast %add3A_255 : i32 to index
        %get3A_259 = tpu.vector_load %arg6[%get3A_257, %get3A_258] {strides = array<i32>} : memref<8x6400xf32, #tpu.memory_space<vmem>>, vector<1x16xf32>,
        %get3A_260 = vector.shape_cast %get3A_259 : vector<1x16xf32> to vector<16xf32>
        %mul3A_261 = arith.mulf %get3A_260, %add3A_165 : vector<16xf32>
        %swap3A_262 = arith.constant 7 : i32
        %swap3A_263 = arith.index_cast %swap3A_262 : i32 to index
        %swap3A_264 = arith.index_cast %add3A_255 : i32 to index
        %swap3A_265 = tpu.vector_load %arg7[%swap3A_263, %swap3A_264] {strides = array<i32>} : memref<8x6400xf32, #tpu.memory_space<vmem>>, vector<1x16xf32>,
        %swap3A_266 = vector.shape_cast %swap3A_265 : vector<1x16xf32> to vector<16xf32>
        %swap3A_267 = vector.shape_cast %mul3A_261 : vector<16xf32> to vector<1x16xf32>
        tpu.vector_store %arg7[%swap3A_263, %swap3A_264], %swap3A_267 {strides = array<i32>} : memref<8x6400xf32, #tpu.memory_space<vmem>>, vector<1x16xf32>,
        %add3A_268 = arith.constant 48 : i32
        %add3A_269 = arith.addi %mul3A_226, %add3A_268 : i32
        %get3A_270 = arith.constant 7 : i32
        %get3A_271 = arith.index_cast %get3A_270 : i32 to index
        %get3A_272 = arith.index_cast %add3A_269 : i32 to index
        %get3A_273 = tpu.vector_load %arg6[%get3A_271, %get3A_272] {strides = array<i32>} : memref<8x6400xf32, #tpu.memory_space<vmem>>, vector<1x16xf32>,
        %get3A_274 = vector.shape_cast %get3A_273 : vector<1x16xf32> to vector<16xf32>
        %mul3A_275 = arith.mulf %get3A_274, %add3A_165 : vector<16xf32>
        %swap3A_276 = arith.constant 7 : i32
        %swap3A_277 = arith.index_cast %swap3A_276 : i32 to index
        %swap3A_278 = arith.index_cast %add3A_269 : i32 to index
        %swap3A_279 = tpu.vector_load %arg7[%swap3A_277, %swap3A_278] {strides = array<i32>} : memref<8x6400xf32, #tpu.memory_space<vmem>>, vector<1x16xf32>,
        %swap3A_280 = vector.shape_cast %swap3A_279 : vector<1x16xf32> to vector<16xf32>
        %swap3A_281 = vector.shape_cast %mul3A_275 : vector<16xf32> to vector<1x16xf32>
        tpu.vector_store %arg7[%swap3A_277, %swap3A_278], %swap3A_281 {strides = array<i32>} : memref<8x6400xf32, #tpu.memory_space<vmem>>, vector<1x16xf32>,
        %add3A_282 = arith.constant 64 : i32
        %add3A_283 = arith.addi %mul3A_226, %add3A_282 : i32
        %get3A_284 = arith.constant 7 : i32
        %get3A_285 = arith.index_cast %get3A_284 : i32 to index
        %get3A_286 = arith.index_cast %add3A_283 : i32 to index
        %get3A_287 = tpu.vector_load %arg6[%get3A_285, %get3A_286] {strides = array<i32>} : memref<8x6400xf32, #tpu.memory_space<vmem>>, vector<1x16xf32>,
        %get3A_288 = vector.shape_cast %get3A_287 : vector<1x16xf32> to vector<16xf32>
        %mul3A_289 = arith.mulf %get3A_288, %add3A_165 : vector<16xf32>
        %swap3A_290 = arith.constant 7 : i32
        %swap3A_291 = arith.index_cast %swap3A_290 : i32 to index
        %swap3A_292 = arith.index_cast %add3A_283 : i32 to index
        %swap3A_293 = tpu.vector_load %arg7[%swap3A_291, %swap3A_292] {strides = array<i32>} : memref<8x6400xf32, #tpu.memory_space<vmem>>, vector<1x16xf32>,
        %swap3A_294 = vector.shape_cast %swap3A_293 : vector<1x16xf32> to vector<16xf32>
        %swap3A_295 = vector.shape_cast %mul3A_289 : vector<16xf32> to vector<1x16xf32>
        tpu.vector_store %arg7[%swap3A_291, %swap3A_292], %swap3A_295 {strides = array<i32>} : memref<8x6400xf32, #tpu.memory_space<vmem>>, vector<1x16xf32>,
        %add3A_296 = arith.constant 80 : i32
        %add3A_297 = arith.addi %mul3A_226, %add3A_296 : i32
        %get3A_298 = arith.constant 7 : i32
        %get3A_299 = arith.index_cast %get3A_298 : i32 to index
        %get3A_300 = arith.index_cast %add3A_297 : i32 to index
        %get3A_301 = tpu.vector_load %arg6[%get3A_299, %get3A_300] {strides = array<i32>} : memref<8x6400xf32, #tpu.memory_space<vmem>>, vector<1x16xf32>,
        %get3A_302 = vector.shape_cast %get3A_301 : vector<1x16xf32> to vector<16xf32>
        %mul3A_303 = arith.mulf %get3A_302, %add3A_165 : vector<16xf32>
        %swap3A_304 = arith.constant 7 : i32
        %swap3A_305 = arith.index_cast %swap3A_304 : i32 to index
        %swap3A_306 = arith.index_cast %add3A_297 : i32 to index
        %swap3A_307 = tpu.vector_load %arg7[%swap3A_305, %swap3A_306] {strides = array<i32>} : memref<8x6400xf32, #tpu.memory_space<vmem>>, vector<1x16xf32>,
        %swap3A_308 = vector.shape_cast %swap3A_307 : vector<1x16xf32> to vector<16xf32>
        %swap3A_309 = vector.shape_cast %mul3A_303 : vector<16xf32> to vector<1x16xf32>
        tpu.vector_store %arg7[%swap3A_305, %swap3A_306], %swap3A_309 {strides = array<i32>} : memref<8x6400xf32, #tpu.memory_space<vmem>>, vector<1x16xf32>,
        %add3A_310 = arith.constant 96 : i32
        %add3A_311 = arith.addi %mul3A_226, %add3A_310 : i32
        %get3A_312 = arith.constant 7 : i32
        %get3A_313 = arith.index_cast %get3A_312 : i32 to index
        %get3A_314 = arith.index_cast %add3A_311 : i32 to index
        %get3A_315 = tpu.vector_load %arg6[%get3A_313, %get3A_314] {strides = array<i32>} : memref<8x6400xf32, #tpu.memory_space<vmem>>, vector<1x16xf32>,
        %get3A_316 = vector.shape_cast %get3A_315 : vector<1x16xf32> to vector<16xf32>
        %mul3A_317 = arith.mulf %get3A_316, %add3A_165 : vector<16xf32>
        %swap3A_318 = arith.constant 7 : i32
        %swap3A_319 = arith.index_cast %swap3A_318 : i32 to index
        %swap3A_320 = arith.index_cast %add3A_311 : i32 to index
        %swap3A_321 = tpu.vector_load %arg7[%swap3A_319, %swap3A_320] {strides = array<i32>} : memref<8x6400xf32, #tpu.memory_space<vmem>>, vector<1x16xf32>,
        %swap3A_322 = vector.shape_cast %swap3A_321 : vector<1x16xf32> to vector<16xf32>
        %swap3A_323 = vector.shape_cast %mul3A_317 : vector<16xf32> to vector<1x16xf32>
        tpu.vector_store %arg7[%swap3A_319, %swap3A_320], %swap3A_323 {strides = array<i32>} : memref<8x6400xf32, #tpu.memory_space<vmem>>, vector<1x16xf32>,
        %add3A_324 = arith.constant 112 : i32
        %add3A_325 = arith.addi %mul3A_226, %add3A_324 : i32
        %get3A_326 = arith.constant 7 : i32
        %get3A_327 = arith.index_cast %get3A_326 : i32 to index
        %get3A_328 = arith.index_cast %add3A_325 : i32 to index
        %get3A_329 = tpu.vector_load %arg6[%get3A_327, %get3A_328] {strides = array<i32>} : memref<8x6400xf32, #tpu.memory_space<vmem>>, vector<1x16xf32>,
        %get3A_330 = vector.shape_cast %get3A_329 : vector<1x16xf32> to vector<16xf32>
        %mul3A_331 = arith.mulf %get3A_330, %add3A_165 : vector<16xf32>
        %swap3A_332 = arith.constant 7 : i32
        %swap3A_333 = arith.index_cast %swap3A_332 : i32 to index
        %swap3A_334 = arith.index_cast %add3A_325 : i32 to index
        %swap3A_335 = tpu.vector_load %arg7[%swap3A_333, %swap3A_334] {strides = array<i32>} : memref<8x6400xf32, #tpu.memory_space<vmem>>, vector<1x16xf32>,
        %swap3A_336 = vector.shape_cast %swap3A_335 : vector<1x16xf32> to vector<16xf32>
        %swap3A_337 = vector.shape_cast %mul3A_331 : vector<16xf32> to vector<1x16xf32>
        tpu.vector_store %arg7[%swap3A_333, %swap3A_334], %swap3A_337 {strides = array<i32>} : memref<8x6400xf32, #tpu.memory_space<vmem>>, vector<1x16xf32>,
      }
      %scan3A_223 = arith.constant 13 : i32
      "tpu.region"() ({
        %run_scoped3A = tpu.sem_alloc : memref<!tpu.dma_semaphore, #tpu.memory_space<semaphore_mem>>
        %dma_start3A = arith.constant 0 : i32
        %dma_start3A_224 = arith.constant 0 : i32
        %dma_start3A_225 = tpu.memref_slice %arg7[%dma_start3A, %dma_start3A_224] : memref<8x6400xf32, #tpu.memory_space<vmem>> -> memref<8x1664xf32, #tpu.memory_space<vmem>>
        %dma_start3A_226 = tpu.memref_slice %arg4[%multiple_of3A, %multiple_of3A_175] : memref<64x1000000xf32, #tpu.memory_space<hbm>> -> memref<8x1664xf32, #tpu.memory_space<hbm>>
        %dma_start3A_227 = tpu.memref_slice %arg4[%multiple_of3A, %multiple_of3A_175] : memref<64x1000000xf32, #tpu.memory_space<hbm>> -> memref<8x1664xf32, #tpu.memory_space<hbm>>
        %dma_start3A_228 = arith.constant 0 : i32
        %dma_start3A_229 = arith.constant 0 : i32
        %dma_start3A_230 = tpu.memref_slice %arg7[%dma_start3A_228, %dma_start3A_229] : memref<8x6400xf32, #tpu.memory_space<vmem>> -> memref<8x1664xf32, #tpu.memory_space<vmem>>
        tpu.enqueue_dma source(%dma_start3A_230 : memref<8x1664xf32, #tpu.memory_space<vmem>>) target(%dma_start3A_227 : memref<8x1664xf32, #tpu.memory_space<hbm>>) target_semaphore(%run_scoped3A : memref<!tpu.dma_semaphore, #tpu.memory_space<semaphore_mem>>)
        %dma_wait3A = arith.constant 0 : i32
        %dma_wait3A_231 = arith.constant 0 : i32
        %dma_wait3A_232 = tpu.memref_slice %arg7[%dma_wait3A, %dma_wait3A_231] : memref<8x6400xf32, #tpu.memory_space<vmem>> -> memref<8x1664xf32, #tpu.memory_space<vmem>>
        %dma_wait3A_233 = tpu.memref_slice %arg4[%multiple_of3A, %multiple_of3A_175] : memref<64x1000000xf32, #tpu.memory_space<hbm>> -> memref<8x1664xf32, #tpu.memory_space<hbm>>
        %dma_wait3A_234 = tpu.memref_slice %arg4[%multiple_of3A, %multiple_of3A_175] : memref<64x1000000xf32, #tpu.memory_space<hbm>> -> memref<8x1664xf32, #tpu.memory_space<hbm>>
        %dma_wait3A_235 = arith.constant 0 : i32
        %dma_wait3A_236 = arith.constant 0 : i32
        %dma_wait3A_237 = tpu.memref_slice %arg7[%dma_wait3A_235, %dma_wait3A_236] : memref<8x6400xf32, #tpu.memory_space<vmem>> -> memref<8x1664xf32, #tpu.memory_space<vmem>>
        tpu.wait_dma2 semaphore(%run_scoped3A : memref<!tpu.dma_semaphore, #tpu.memory_space<semaphore_mem>>) src(%dma_wait3A_237 : memref<8x1664xf32, #tpu.memory_space<vmem>>) dst(%dma_wait3A_234 : memref<8x1664xf32, #tpu.memory_space<hbm>>)
        tpu.yield
      }) : () -> ()
    } else {
    }
    return
  }
}

</mosaic_0001>

<sc_bundles>
// kernel: kernel.3.cloned.1.call-start
scs
__scs_entry_jumppad:
0x0: {  	(pc) =	sbr.rel $0x88, $3  }
0x1: {  	(tag) =	ssettag $0x0;
	lr =	simm.s32 $0x1  }
0x2: {  	[smem:$0x3F9F] =	sst lr;
	_ =	strace $0xD0000000  }
0x3: {  	_ = 	snop  }
0x4: {  	_ = 	snop  }
0x5: {  	_ = 	snop  }
0x6: {  	_ = 	snop  }
0x7: {  	_ = 	snop  }
__scs_overlays_trampoline_lowered:
0x8: {  	[smem:$0x3FAE] =	sst s0  }
0x9: {  	[smem:$0x3FAF] =	sst s1  }
0xa: {  	[smem:$0x3FB0] =	sst s2  }
0xb: {  	[smem:$0x3FB1] =	sst s3  }
0xc: {  	[smem:$0x3FB2] =	sst s4  }
0xd: {  	[smem:$0x3FB3] =	sst s5  }
0xe: {  	[smem:$0x3FB4] =	sst s6  }
0xf: {  	[smem:$0x3FB5] =	sst s7  }
0x10: {  	[smem:$0x3FB6] =	sst s8  }
0x11: {  	[smem:$0x3FB7] =	sst s9;
	s0 =	simm.s32 @!p0 $0x0  }
0x12: {  	s1 =	sld [smem:$0x3F9D];
	s0 =	simm.s32 @p0 $0x1  }
0x13: {  	[smem:$0x3FB8] =	sst s0;
	s0 =	simm.s32 @!p1 $0x0  }
0x14: {  	s2 =	sld [smem:$0x3F9C];
	s0 =	simm.s32 @p1 $0x1  }
0x15: {  	[smem:$0x3FB9] =	sst s0;
	s0 =	simm.s32 @!p2 $0x0  }
0x16: {  	s3 =	sld [smem:$0x3FDB];
	s0 =	simm.s32 @p2 $0x1  }
0x17: {  	s4 =	simm.s32 $0x1BF5;
	[smem:$0x3FBB] =	sst s0  }
0x18: {  	s0 =	sld [smem:$0x3F9E];
	_ =	swait.ge [sflag:s4], $0x0  }
0x19: {  	s7 =	sld [smem:$0x3F9F]  }
0x1a: {  	s8 =	sadd.s32 $0xFFFFE003, lr  }
0x1b: {  	s9 =	sadd.s32 $0xFFFFFEF7, lr;
	s5 =	simm.s32 $0xFFFFFFFF;
	p2 =	slt.u32 s8, $0xFFFFF086  }
0x1c: {  	p1 =	slt.u32 s9, $0xF7A;
	s5 =	simm.s32 @!p2 $0x0  }
0x1d: {  	s5 =	simm.s32 @p1 $0x1;
	p0 =	seq.s32 s7, s2  }
0x1e: {  	s7 =	smul.u32 @!p0 $0xF7A, s2;
	p2 =	seq.s32 @!p0 s5, $0x0  }
0x1f: {  	s9 =	smul.u32 $0xF7A, s1;
	s8 =	simm.s32 @!p0 $0x1BF5;
	p2 =	por !p2, p0  }
0x20: {  	[sflag:s8] =	ssyncset.s32 @!p0 $0xFFFFF086;
	s6 =	sadd.s32 @!p0 s3, s7;
	s7 =	simm.s32 @!p0 $0x108  }
0x21: {  	s3 =	sadd.s32 s3, s9;
	s6 =	sadd.s32 @!p0 $0x88, s6;
	s7 =	simm.s32 @p2 $0x1082  }
0x22: {  	[simem:s7], [sflag:s8] =	dma.local @!p0 [hbm:s6], $0xF7A  }
0x23: {  	s9 =	sor.u32 $0xD0000000, s2;
	s6 =	simm.s32 $0x108;
	_ =	swait.ge @!p0 [sflag:s8], $0x0  }
0x24: {  	s3 =	sadd.s32 $0x88, s3;
	s6 =	simm.s32 @!p1 $0x1082;
	[sflag:s4] =	ssyncset.s32 $0xFFFFF086  }
0x25: {  	[simem:s6], [sflag:s4] =	dma.local [hbm:s3], $0xF7A  }
0x26: {  	[smem:$0x3F9F] =	sst s1;
	(tag) =	ssettag s2;
	_ =	strace s9  }
0x27: {  	s1 =	sld [smem:$0x3FAF]  }
0x28: {  	s2 =	sld [smem:$0x3FB0]  }
0x29: {  	s4 =	sld [smem:$0x3FB2]  }
0x2a: {  	p0 =	seq.s32 s5, $0x0;
	s5 =	sld [smem:$0x3FB3]  }
0x2b: {  	s6 =	sld [smem:$0x3FB4]  }
0x2c: {  	s7 =	sld [smem:$0x3FB5]  }
0x2d: {  	s3 =	simm.s32 $0x108;
	s8 =	sld [smem:$0x3FB6]  }
0x2e: {  	s3 =	simm.s32 @!p0 $0x1082;
	s9 =	sld [smem:$0x3FB7]  }
0x2f: {  	lr =	sadd.s32 s0, s3;
	s0 =	sld [smem:$0x3FAE]  }
0x30: {  	s3 =	sld [smem:$0x3FB1]  }
0x31: {  	[smem:$0x3FBA] =	sst s10  }
0x32: {  	s10 =	sld [smem:$0x3FB8];
	_ =	sdelay $0x3  }
0x33: {  	p0 =	seq.s32 s10, $0x1;
	s10 =	sld [smem:$0x3FBA];
	_ =	sdelay $0x3  }
0x34: {  	[smem:$0x3FBA] =	sst s10  }
0x35: {  	s10 =	sld [smem:$0x3FB9];
	_ =	sdelay $0x3  }
0x36: {  	p1 =	seq.s32 s10, $0x1;
	s10 =	sld [smem:$0x3FBA];
	_ =	sdelay $0x3  }
0x37: {  	[smem:$0x3FBA] =	sst s10  }
0x38: {  	s10 =	sld [smem:$0x3FBB]  }
0x39: {  	_ = 	snop;
	(pc) =	sbr.ind lr, $3  }
0x3a: {  	_ = 	snop  }
0x3b: {  	_ = 	snop  }
0x3c: {  	p2 =	seq.s32 s10, $0x1;
	s10 =	sld [smem:$0x3FBA]  }
0x3d: {  	_ =	shalt  }
0x3e: {  	_ =	shalt  }
0x3f: {  	_ =	shalt  }
0x40: {  	_ =	shalt  }
0x41: {  	_ =	shalt  }
0x42: {  	_ =	shalt  }
0x43: {  	_ =	shalt  }
0x44: {  	_ =	shalt  }
0x45: {  	_ =	shalt  }
0x46: {  	_ =	shalt  }
0x47: {  	_ =	shalt  }
0x48: {  	_ =	shalt  }
0x49: {  	_ =	shalt  }
0x4a: {  	_ =	shalt  }
0x4b: {  	_ =	shalt  }
0x4c: {  	_ =	shalt  }
0x4d: {  	_ =	shalt  }
0x4e: {  	_ =	shalt  }
0x4f: {  	_ =	shalt  }
0x50: {  	_ =	shalt  }
0x51: {  	_ =	shalt  }
0x52: {  	_ =	shalt  }
0x53: {  	_ =	shalt  }
0x54: {  	_ =	shalt  }
0x55: {  	_ =	shalt  }
0x56: {  	_ =	shalt  }
0x57: {  	_ =	shalt  }
0x58: {  	_ =	shalt  }
0x59: {  	_ =	shalt  }
0x5a: {  	_ =	shalt  }
0x5b: {  	_ =	shalt  }
0x5c: {  	_ =	shalt  }
0x5d: {  	_ =	shalt  }
0x5e: {  	_ =	shalt  }
0x5f: {  	_ =	shalt  }
0x60: {  	_ =	shalt  }
0x61: {  	_ =	shalt  }
0x62: {  	_ =	shalt  }
0x63: {  	_ =	shalt  }
0x64: {  	_ =	shalt  }
0x65: {  	_ =	shalt  }
0x66: {  	_ =	shalt  }
0x67: {  	_ =	shalt  }
0x68: {  	_ =	shalt  }
0x69: {  	_ =	shalt  }
0x6a: {  	_ =	shalt  }
0x6b: {  	_ =	shalt  }
0x6c: {  	_ =	shalt  }
0x6d: {  	_ =	shalt  }
0x6e: {  	_ =	shalt  }
0x6f: {  	_ =	shalt  }
0x70: {  	_ =	shalt  }
0x71: {  	_ =	shalt  }
0x72: {  	_ =	shalt  }
0x73: {  	_ =	shalt  }
0x74: {  	_ =	shalt  }
0x75: {  	_ =	shalt  }
0x76: {  	_ =	shalt  }
0x77: {  	_ =	shalt  }
0x78: {  	_ =	shalt  }
0x79: {  	_ =	shalt  }
0x7a: {  	_ =	shalt  }
0x7b: {  	_ =	shalt  }
0x7c: {  	_ =	shalt  }
0x7d: {  	_ =	shalt  }
0x7e: {  	_ =	shalt  }
0x7f: {  	_ =	shalt  }
0x80: {  	_ =	shalt  }
0x81: {  	_ =	shalt  }
0x82: {  	_ =	shalt  }
0x83: {  	_ =	shalt  }
0x84: {  	_ =	shalt  }
0x85: {  	_ =	shalt  }
0x86: {  	_ =	shalt  }
0x87: {  	_ =	shalt  }
.Lfunc_end0:
.L_simem_size_0:
called_computation_lowered:
.L_overlay_start_0:
0x88: {  	s2 =	sld [smem:$0x3FD9]  }
0x89: {  	s3 =	sld [smem:$0x3FFE];
	_ =	sdelay $0x1  }
0x8a: {  	s1 =	srdreg.scid  }
0x8b: {  	s0 =	sand.u32 $0x1, s1  }
0x8c: {  	s17 =	sshll.u32 s0, $0xA;
	s2 =	sadd.s32 s3, s2  }
0x8d: {  	s2 =	sadd.s32 s2, s17  }
0x8e: {  	[smem:$0x3FC6] =	sst s2  }
0x8f: {  	_ = 	snop  }
0x90: {  	s2 =	sld [smem:$0x3FC9]  }
0x91: {  	s18 =	sld [smem:$0x3FD0];
	(tm) =	ssettm $0x1  }
0x92: {  	s4 =	sld [smem:$0x3FFB];
	_ =	sdelay $0x3  }
0x93: {  	_ =	strace s4  }
0x94: {  	s4 =	sld [smem:$0x3FFC];
	_ =	sdelay $0x3  }
0x95: {  	_ =	strace s4  }
0x96: {  	s4 =	sld [smem:$0x3FFD];
	_ =	sdelay $0x3  }
0x97: {  	_ =	strace s4  }
0x98: {  	_ =	strace $0x8FFFFFFF  }
0x99: {  	s19 =	sld [smem:$0x3FDB];
	_ =	sdelay $0x1  }
0x9a: {  	s5 =	simm.s32 $_scs_section_size  }
0x9b: {  	s6 =	simm.s32 $_size__tile_overlayer_lowered;
	s7 =	simm.s32 $_tile_overlayer_lowered  }
0x9c: {  	s22 =	simm.s32 $0x1BFF;
	s21 =	sshll.u32 s7, $0x1;
	s4 =	sadd.s32 s5, s19  }
0x9d: {  	s8 =	simm.s32 $0x0;
	s20 =	sshll.u32 s6, $0x1;
	s6 =	sadd.s32 s21, s4  }
0x9e: {  	[timem:s8], [sflag:s22] =	dma.local [hbm:s6], s20  }
0x9f: {  	_ =	swait.ge [sflag:s22], s20  }
0xa0: {  	s5 =	ssub.s32 $0x0, s20;
	[sflag:s22] =	ssyncset.done $0x0  }
0xa1: {  	[sflag:s22] =	ssyncadd.s32 s5;
	_ =	sdelay $0x1  }
0xa2: {  	s23 =	simm.s32 $0x1B8B  }
0xa3: {  	_ =	swait.ge [sflag:s23], $0x1  }
0xa4: {  	[sflag:s23] =	ssyncset.done $0x0  }
0xa5: {  	s25 =	simm.s32 $0x1B8E;
	s24 =	sld [smem:$0x3FFE];
	[sflag:s23] =	ssyncadd.s32 $0xFFFFFFFF  }
0xa6: {  	s26 =	simm.s32 $execute0_lowered;
	[smem:$0x3FD2] =	sst s25  }
0xa7: {  	s6 =	sshll.u32 s26, $0x1;
	_ =	strace $0x80000046;
	[dreg:$0x1] =	wrdreg $0xFFFFFFFF  }
0xa8: {  	s28 =	simm.s32 $_size_execute0_lowered;
	s4 =	sadd.s32 s4, s6;
	[dreg:$0x0] =	wrdreg $0x0  }
0xa9: {  	s6 =	sshll.u32 s28, $0x1;
	[dreg:$0x2] =	wrdreg s4  }
0xaa: {  	[dreg:$0x3] =	wrdreg s6  }
0xab: {  	[dreg:$0x4] =	wrdreg $0xC0  }
0xac: {  	_ =	task [dreg:s8], $0x5FFFF  }
0xad: {  	[dreg:$0x1] =	wrdreg $0xFFFFFFFF  }
0xae: {  	[dreg:$0x0] =	wrdreg $0x60  }
0xaf: {  	[dreg:$0x2] =	wrdreg s2  }
0xb0: {  	[dreg:$0x3] =	wrdreg s24  }
0xb1: {  	[dreg:$0x4] =	wrdreg s18  }
0xb2: {  	[dreg:$0x5] =	wrdreg $0x9  }
0xb3: {  	_ =	task.clear_ibuf [dreg:s8], $0x6FFFF;
	_ =	strace $0x90000046  }
0xb4: {  	s29 =	simm.s32 $0x9;
	_ =	strace $0x80000048  }
0xb5: {  	_ =	swait.ge [sflag:s29], $0x1  }
0xb6: {  	[sflag:s29] =	ssyncadd.s32 $0xFFFFFFFF  }
0xb7: {  	_ =	strace $0x90000048  }
0xb8: {  	_ =	sfence  }
0xb9: {  	s30 =	sld [smem:$0x0];
	_ =	sdelay $0x2  }
0xba: {  	s31 =	sshll.u32 s1, $0xD;
	s1 =	sshrl.u32 s1, $0x2  }
0xbb: {  	s3 =	sand.u32 $0x4000, s31;
	s1 =	sadd.s32 s1, s30  }
0xbc: {  	s0 =	sor.u32 s3, s0;
	s1 =	sshll.u32 s1, $0x11  }
0xbd: {  	s0 =	sor.u32 s1, s0  }
0xbe: {  	s0 =	sadd.s32 $0x8F2B, s0  }
0xbf: {  	[sflag:s0] =	ssyncadd.remote.s32 $0x1  }
0xc0: {  	_ =	sfence.sel $0xFFFF  }
0xc1: {  	[dreg:$0x0] =	wrdreg $0xFFFFFFFF;
	(pc) =	sbr.abs _section_cstart, $3  }
0xc2: {  	[dreg:$0x1] =	wrdreg $0xFFFFFFFF  }
0xc3: {  	_ =	task.clear_ibuf [dreg:s8], $0x2FFFF;
	_ =	strace $0x9FFFFFFF  }
0xc4: {  	(tm) =	ssettm $0x7FFFFFFF  }
0xc5: {  	_ =	shalt  }
tec
execute0_lowered:
.L_overlay_start_1:
0x0: {  	(tag) =	ssettag $0x1  }
0x1: {  	s1 =	rddreg [dreg:$0x0];
	s0 =	stileid.u32  }
0x2: {  	s6 =	rddreg [dreg:$0x1];
	s2 =	srdreg.scid  }
0x3: {  	s3 =	rddreg [dreg:$0x2];
	s12 =	simm.s32 $0x1;
	s4 =	sshll.u32 s0, $0x1  }
0x4: {  	s13 =	simm.s32 $0x400;
	s7 =	sand.u32 $0x1, s2;
	s5 =	sand.u32 $0x6, s4  }
0x5: {  	s14 =	simm.s32 $0xCC00;
	s15 =	simm.s32 $0x0;
	s8 =	sor.u32 s7, s5  }
0x6: {  	s2 =	rddreg [dreg:$0x3];
	s4 =	simm.s32 $0x0;
	s5 =	smul.u32 $0x7A1400, s8  }
.Ltmp0:
0x7: {  	[smem:$0x7FF] =	sst s4;
	s7 =	ssub.s32 $0x2, s7;
	(pc) =	sbr.rel .LBB2_1-.Ltmp0, $4  }
0x8: {  	s6 =	sadd.s32 $0x400, s6;
	_ =	strace $0x80000047;
	s9 =	sshrl.u32 s7, $0x1  }
0x9: {  	s8 =	sshll.u32 s8, $0x7;
	s11 =	ssub.s32 s7, s9;
	s10 =	sshrl.u32 s5, $0x3  }
0xa: {  	s7 =	sshrl.u32 s0, $0x2;
	s11 =	smax.u32 s11, $0x1;
	s10 =	sadd.s32 $0xF3C00, s10  }
0xb: {  	p0 =	sne.s32 s7, $0x3;
	s9 =	sadd.s32 s1, s10;
	s10 =	sadd.s32 s3, s10  }
.LBB2_57:
0xc: {  	s17 =	simm.s32 $0x0  }
.LBB2_60:
0xd: {  	v8 =	vld [tilespmem:s17+$0x7F0];
	[tilespmem:s16+$0xCF80] =	vst @p1 v6;
	v2 =	vmul.f32 @p1 v2, v0  }
0xe: {  	v3 =	vmul.f32 @p1 v3, v0;
	v6 =	vld [tilespmem:s17+$0x780];
	[tilespmem:s16+$0xCF90] =	vst @p1 v7  }
0xf: {  	v1 =	vmul.f32 @p1 v1, v0;
	v7 =	vld [tilespmem:s17+$0x790];
	[tilespmem:s16+$0xCFA0] =	vst @p1 v2  }
0x10: {  	v4 =	vmul.f32 @p1 v4, v0;
	v2 =	vld [tilespmem:s17+$0x7A0];
	[tilespmem:s16+$0xCFB0] =	vst @p1 v3  }
0x11: {  	v5 =	vmul.f32 @p1 v5, v0;
	v3 =	vld [tilespmem:s17+$0x7B0];
	[tilespmem:s16+$0xCFC0] =	vst @p1 v1  }
0x12: {  	v1 =	vld [tilespmem:s17+$0x7C0];
	[tilespmem:s16+$0xCFD0] =	vst @p1 v4;
	v8 =	vmul.f32 v8, v0  }
0x13: {  	v4 =	vld [tilespmem:s17+$0x7D0];
	[tilespmem:s16+$0xCFE0] =	vst @p1 v5;
	v60 =	vmul.f32 v6, v0  }
0x14: {  	v61 =	vld [tilespmem:s17+$0x7E0];
	v7 =	vmul.f32 v7, v0;
	[tilespmem:s17+$0xCFF0] =	vst v8  }
0x15: {  	[tilespmem:s17+$0xCF80] =	vst v60;
	v2 =	vmul.f32 v2, v0  }
0x16: {  	[tilespmem:s17+$0xCF90] =	vst v7;
	v3 =	vmul.f32 v3, v0  }
0x17: {  	[tilespmem:s17+$0xCFA0] =	vst v2;
	v1 =	vmul.f32 v1, v0  }
0x18: {  	[tilespmem:s17+$0xCFB0] =	vst v3;
	v62 =	vmul.f32 v4, v0  }
0x19: {  	[tilespmem:s17+$0xCFC0] =	vst v1;
	v63 =	vmul.f32 v61, v0  }
0x1a: {  	[tilespmem:s17+$0xCFD0] =	vst v62  }
0x1b: {  	[tilespmem:s17+$0xCFE0] =	vst v63  }
0x1c: {  	[hbm4b:s10+s4] =	stream.linear.scatter [tilespmem:s14], [sflag:$0x1], $0x3400, $0x38;
	[tilespmem:$0x19400] =	vst v63  }
0x1d: {  	_ =	swait.ge [sflag:s12], $0x3400  }
0x1e: {  	[sflag:s12] =	ssyncset.done $0x0  }
0x1f: {  	[sflag:s12] =	ssyncadd.s32 $0xFFFFCC00  }
.LBB2_61:
0x20: {  	s15 =	sadd.s32 $0x1, s15  }
0x21: {  	p1 =	sne.s32 s15, s11  }
.Ltmp1:
0x22: {  	_ = 	snop;
	(pc) =	sbr.rel @!p1 .LBB2_62-.Ltmp1, $1  }
0x23: {  	_ =	sdelay $0x3  }
.LBB2_1:
0x24: {  	[tilespmem:s4], [sflag:$0x1] =	stream.linear.gather [hbm4b:s6+s4], $0x400, $0x38;
	[tilespmem:$0x19400] =	vst v63  }
0x25: {  	_ =	swait.ge [sflag:s12], $0x400  }
0x26: {  	[sflag:s12] =	ssyncset.done $0x0  }
0x27: {  	[sflag:s12] =	ssyncadd.s32 $0xFFFFFC00  }
0x28: {  	v0 =	vld [tilespmem:s8+$0x0]  }
0x29: {  	v1 =	vld [tilespmem:s8+$0x10]  }
0x2a: {  	v2 =	vld [tilespmem:s8+$0x20]  }
0x2b: {  	v3 =	vld [tilespmem:s8+$0x30]  }
0x2c: {  	v4 =	vld [tilespmem:s8+$0x40]  }
0x2d: {  	v5 =	vld [tilespmem:s8+$0x50];
	v0 =	vsub.f32 $0.0e+00, v0  }
0x2e: {  	v6 =	vld [tilespmem:s8+$0x60];
	v1 =	vsub.f32 $0.0e+00, v1  }
0x2f: {  	v7 =	vld [tilespmem:s8+$0x70];
	v2 =	vsub.f32 $0.0e+00, v2;
	v0 =	vmul.f32 $1.442695020e+00, v0  }
0x30: {  	v3 =	vsub.f32 $0.0e+00, v3;
	v1 =	vmul.f32 $1.442695020e+00, v1  }
0x31: {  	(erf) = vpow2.f32 v0;
	v0 =	vmul.f32 $1.442695020e+00, v2;
	v2 =	vsub.f32 $0.0e+00, v4  }
0x32: {  	(erf) = vpow2.f32 v1;
	v1 =	vmul.f32 $1.442695020e+00, v3;
	v3 =	vsub.f32 $0.0e+00, v5  }
0x33: {  	(erf) = vpow2.f32 v0;
	v0 =	vmul.f32 $1.442695020e+00, v2;
	v2 =	vsub.f32 $0.0e+00, v6  }
0x34: {  	(erf) = vpow2.f32 v1;
	v1 =	vmul.f32 $1.442695020e+00, v3;
	v3 =	vsub.f32 $0.0e+00, v7  }
0x35: {  	(erf) = vpow2.f32 v0;
	v0 =	vmul.f32 $1.442695020e+00, v2  }
0x36: {  	(erf) = vpow2.f32 v1;
	v1 =	vmul.f32 $1.442695020e+00, v3  }
0x37: {  	(erf) = vpow2.f32 v0  }
0x38: {  	(erf) = vpow2.f32 v1;
	_ =	sdelay $0x1  }
0x39: {  	v0 =	vpop (erf)  }
0x3a: {  	v1 =	vpop (erf)  }
0x3b: {  	v2 =	vpop (erf)  }
0x3c: {  	v3 =	vpop (erf)  }
0x3d: {  	v8 =	vpop (erf)  }
0x3e: {  	v7 =	vadd.f32 $1.000000000e+00, v0;
	v6 =	vadd.f32 $1.000000000e+00, v1;
	v9 =	vpop (erf)  }
0x3f: {  	v5 =	vadd.f32 $1.000000000e+00, v2;
	v4 =	vadd.f32 $1.000000000e+00, v3;
	v0 =	vpop (erf)  }
0x40: {  	v3 =	vadd.f32 $1.000000000e+00, v8;
	v2 =	vadd.f32 $1.000000000e+00, v9;
	v8 =	vpop (erf)  }
0x41: {  	v1 =	vadd.f32 $1.000000000e+00, v0;
	v0 =	vadd.f32 $1.000000000e+00, v8  }
0x42: {  	s16 =	simm.s32 $0x0  }
.LBB2_2:
0x43: {  	s17 =	sshll.u32 s16, $0x2  }
0x44: {  	s17 =	sor.u32 s7, s17  }
0x45: {  	s17 =	smul.u32 $0xC800, s17;
	_ =	sdelay $0x1  }
0x46: {  	s17 =	sadd.s32 s5, s17  }
0x47: {  	s17 =	sshrl.u32 s17, $0x3  }
0x48: {  	s19 =	simm.s32 $0x0;
	s18 =	sadd.s32 s1, s17  }
0x49: {  	[tilespmem:s13], [sflag:$0x1] =	stream.linear.gather [hbm4b:s18+s19], $0xC800, $0x38;
	[tilespmem:$0x19400] =	vst v63  }
0x4a: {  	_ =	swait.ge [sflag:s12], $0xC800  }
0x4b: {  	[sflag:s12] =	ssyncset.done $0x0  }
0x4c: {  	s18 =	simm.s32 $0x0;
	[sflag:s12] =	ssyncadd.s32 $0xFFFF3800  }
0x4d: {  	v9 =	vld [tilespmem:s18+$0x470]  }
0x4e: {  	v13 =	vld [tilespmem:s18+$0x400]  }
0x4f: {  	v14 =	vld [tilespmem:s18+$0x410]  }
0x50: {  	v12 =	vld [tilespmem:s18+$0x420]  }
0x51: {  	v11 =	vld [tilespmem:s18+$0x430]  }
0x52: {  	v8 =	vld [tilespmem:s18+$0x440];
	v15 =	vmul.f32 v9, v7  }
0x53: {  	v9 =	vld [tilespmem:s18+$0x450];
	v13 =	vmul.f32 v13, v7  }
0x54: {  	s21 =	simm.s32 $0x2000;
	s20 =	simm.s32 $0x0;
	s19 =	simm.s32 $0x400;
	v10 =	vld [tilespmem:s18+$0x460];
	v14 =	vmul.f32 v14, v7;
	[tilespmem:s18+$0xCC70] =	vst v15  }
.LBB2_3:
0x55: {  	p1 =	sne.s32 s21, $0x31000;
	v15 =	vld [tilespmem:s19+$0x470];
	[tilespmem:s20+$0xCC00] =	vst v13;
	v12 =	vmul.f32 v12, v7  }
0x56: {  	v13 =	vld [tilespmem:s19+$0x400];
	[tilespmem:s20+$0xCC10] =	vst v14;
	v11 =	vmul.f32 v11, v7  }
0x57: {  	v14 =	vld [tilespmem:s19+$0x410];
	[tilespmem:s20+$0xCC20] =	vst v12;
	v8 =	vmul.f32 v8, v7  }
.Ltmp2:
0x58: {  	v12 =	vld [tilespmem:s19+$0x420];
	[tilespmem:s20+$0xCC30] =	vst v11;
	v9 =	vmul.f32 v9, v7;
	(pc) =	sbr.rel @p1 .LBB2_3-.Ltmp2, $4  }
0x59: {  	v11 =	vld [tilespmem:s19+$0x430];
	[tilespmem:s20+$0xCC40] =	vst v8;
	v10 =	vmul.f32 v10, v7  }
0x5a: {  	v8 =	vld [tilespmem:s19+$0x440];
	v15 =	vmul.f32 v15, v7;
	[tilespmem:s20+$0xCC50] =	vst v9  }
0x5b: {  	v13 =	vmul.f32 v13, v7;
	v9 =	vld [tilespmem:s19+$0x450];
	[tilespmem:s20+$0xCC60] =	vst v10;
	s20 =	smov.u32 s19  }
0x5c: {  	s19 =	sshra.s32 s21, $0x2;
	s21 =	sadd.s32 $0x1000, s21;
	v14 =	vmul.f32 v14, v7;
	v10 =	vld [tilespmem:s20+$0x460];
	[tilespmem:s20+$0xCC70] =	vst v15  }
0x5d: {  	v15 =	vld [tilespmem:s19+$0x470];
	[tilespmem:s20+$0xCC00] =	vst v13;
	v12 =	vmul.f32 v12, v7  }
0x5e: {  	v13 =	vld [tilespmem:s19+$0x400];
	[tilespmem:s20+$0xCC10] =	vst v14;
	v11 =	vmul.f32 v11, v7  }
0x5f: {  	v14 =	vld [tilespmem:s19+$0x410];
	[tilespmem:s20+$0xCC20] =	vst v12;
	v8 =	vmul.f32 v8, v7  }
0x60: {  	v12 =	vld [tilespmem:s19+$0x420];
	[tilespmem:s20+$0xCC30] =	vst v11;
	v9 =	vmul.f32 v9, v7  }
0x61: {  	v11 =	vld [tilespmem:s19+$0x430];
	[tilespmem:s20+$0xCC40] =	vst v8;
	v10 =	vmul.f32 v10, v7  }
0x62: {  	v8 =	vld [tilespmem:s19+$0x440];
	[tilespmem:s20+$0xCC50] =	vst v9;
	v15 =	vmul.f32 v15, v7  }
0x63: {  	v9 =	vld [tilespmem:s19+$0x450];
	[tilespmem:s20+$0xCC60] =	vst v10;
	v10 =	vmul.f32 v13, v7  }
0x64: {  	v13 =	vld [tilespmem:s19+$0x460];
	v14 =	vmul.f32 v14, v7;
	[tilespmem:s19+$0xCC70] =	vst v15  }
0x65: {  	[tilespmem:s19+$0xCC00] =	vst v10;
	v10 =	vmul.f32 v12, v7  }
0x66: {  	[tilespmem:s19+$0xCC10] =	vst v14;
	v11 =	vmul.f32 v11, v7  }
0x67: {  	[tilespmem:s19+$0xCC20] =	vst v10;
	v8 =	vmul.f32 v8, v7  }
0x68: {  	[tilespmem:s19+$0xCC30] =	vst v11;
	v9 =	vmul.f32 v9, v7  }
0x69: {  	[tilespmem:s19+$0xCC40] =	vst v8;
	v8 =	vmul.f32 v13, v7  }
0x6a: {  	[tilespmem:s19+$0xCC50] =	vst v9  }
0x6b: {  	[tilespmem:s19+$0xCC60] =	vst v8  }
0x6c: {  	v9 =	vld [tilespmem:s18+$0x4F0]  }
0x6d: {  	v13 =	vld [tilespmem:s18+$0x480]  }
0x6e: {  	v14 =	vld [tilespmem:s18+$0x490]  }
0x6f: {  	v12 =	vld [tilespmem:s18+$0x4A0]  }
0x70: {  	v11 =	vld [tilespmem:s18+$0x4B0]  }
0x71: {  	v8 =	vld [tilespmem:s18+$0x4C0];
	v15 =	vmul.f32 v9, v6  }
0x72: {  	v9 =	vld [tilespmem:s18+$0x4D0];
	v13 =	vmul.f32 v13, v6  }
0x73: {  	s20 =	simm.s32 $0x2000;
	s19 =	simm.s32 $0x400;
	v10 =	vld [tilespmem:s18+$0x4E0];
	v14 =	vmul.f32 v14, v6;
	[tilespmem:s18+$0xCCF0] =	vst v15  }
.LBB2_5:
0x74: {  	p1 =	sne.s32 s20, $0x31000;
	v15 =	vld [tilespmem:s19+$0x4F0];
	[tilespmem:s18+$0xCC80] =	vst v13;
	v12 =	vmul.f32 v12, v6  }
0x75: {  	v13 =	vld [tilespmem:s19+$0x480];
	[tilespmem:s18+$0xCC90] =	vst v14;
	v11 =	vmul.f32 v11, v6  }
0x76: {  	v14 =	vld [tilespmem:s19+$0x490];
	[tilespmem:s18+$0xCCA0] =	vst v12;
	v8 =	vmul.f32 v8, v6  }
.Ltmp3:
0x77: {  	v12 =	vld [tilespmem:s19+$0x4A0];
	[tilespmem:s18+$0xCCB0] =	vst v11;
	v9 =	vmul.f32 v9, v6;
	(pc) =	sbr.rel @p1 .LBB2_5-.Ltmp3, $4  }
0x78: {  	v11 =	vld [tilespmem:s19+$0x4B0];
	[tilespmem:s18+$0xCCC0] =	vst v8;
	v10 =	vmul.f32 v10, v6  }
0x79: {  	v8 =	vld [tilespmem:s19+$0x4C0];
	v15 =	vmul.f32 v15, v6;
	[tilespmem:s18+$0xCCD0] =	vst v9  }
0x7a: {  	v13 =	vmul.f32 v13, v6;
	v9 =	vld [tilespmem:s19+$0x4D0];
	[tilespmem:s18+$0xCCE0] =	vst v10;
	s18 =	smov.u32 s19  }
0x7b: {  	s19 =	sshra.s32 s20, $0x2;
	s20 =	sadd.s32 $0x1000, s20;
	v14 =	vmul.f32 v14, v6;
	v10 =	vld [tilespmem:s18+$0x4E0];
	[tilespmem:s18+$0xCCF0] =	vst v15  }
0x7c: {  	v15 =	vld [tilespmem:s19+$0x4F0];
	[tilespmem:s18+$0xCC80] =	vst v13;
	v12 =	vmul.f32 v12, v6  }
0x7d: {  	v13 =	vld [tilespmem:s19+$0x480];
	[tilespmem:s18+$0xCC90] =	vst v14;
	v11 =	vmul.f32 v11, v6  }
0x7e: {  	v14 =	vld [tilespmem:s19+$0x490];
	[tilespmem:s18+$0xCCA0] =	vst v12;
	v8 =	vmul.f32 v8, v6  }
0x7f: {  	v12 =	vld [tilespmem:s19+$0x4A0];
	[tilespmem:s18+$0xCCB0] =	vst v11;
	v9 =	vmul.f32 v9, v6  }
0x80: {  	v11 =	vld [tilespmem:s19+$0x4B0];
	[tilespmem:s18+$0xCCC0] =	vst v8;
	v10 =	vmul.f32 v10, v6  }
0x81: {  	v8 =	vld [tilespmem:s19+$0x4C0];
	[tilespmem:s18+$0xCCD0] =	vst v9;
	v15 =	vmul.f32 v15, v6  }
0x82: {  	v9 =	vld [tilespmem:s19+$0x4D0];
	[tilespmem:s18+$0xCCE0] =	vst v10;
	v10 =	vmul.f32 v13, v6  }
0x83: {  	v13 =	vld [tilespmem:s19+$0x4E0];
	v14 =	vmul.f32 v14, v6;
	[tilespmem:s19+$0xCCF0] =	vst v15  }
0x84: {  	[tilespmem:s19+$0xCC80] =	vst v10;
	v10 =	vmul.f32 v12, v6  }
0x85: {  	p2 =	por $0x1, $0x1;
	[tilespmem:s19+$0xCC90] =	vst v14;
	v11 =	vmul.f32 v11, v6  }
.Ltmp4:
0x86: {  	[tilespmem:s19+$0xCCA0] =	vst v10;
	v8 =	vmul.f32 v8, v6;
	(pc) =	sbr.rel @!p2 .LBB2_10-.Ltmp4, $4  }
0x87: {  	[tilespmem:s19+$0xCCB0] =	vst v11;
	v9 =	vmul.f32 v9, v6  }
0x88: {  	[tilespmem:s19+$0xCCC0] =	vst v8;
	v8 =	vmul.f32 v13, v6  }
0x89: {  	p1 =	por $0x0, $0x0;
	[tilespmem:s19+$0xCCD0] =	vst v9  }
0x8a: {  	p3 =	por $0x0, $0x0;
	s18 =	simm.s32 $0x0;
	[tilespmem:s19+$0xCCE0] =	vst v8;
	s19 =	simm.s32 $0x0  }
0x8b: {  	v11 =	vld [tilespmem:s18+$0x570]  }
0x8c: {  	v13 =	vld [tilespmem:s18+$0x500]  }
0x8d: {  	v14 =	vld [tilespmem:s18+$0x510];
	p4 =	por $0x1, $0x1  }
.Ltmp5:
0x8e: {  	v9 =	vld [tilespmem:s18+$0x520];
	(pc) =	sbr.rel @!p4 .LBB2_8-.Ltmp5, $4  }
0x8f: {  	v10 =	vld [tilespmem:s18+$0x530]  }
0x90: {  	v8 =	vld [tilespmem:s18+$0x540];
	v15 =	vmul.f32 v11, v5  }
0x91: {  	s19 =	simm.s32 $0x400;
	v11 =	vld [tilespmem:s18+$0x550];
	v13 =	vmul.f32 v13, v5  }
0x92: {  	v12 =	vld [tilespmem:s18+$0x560];
	s21 =	simm.s32 $0x2000;
	p3 =	por $0x1, $0x1;
	s20 =	simm.s32 $0x0;
	v14 =	vmul.f32 v14, v5;
	[tilespmem:s18+$0xCD70] =	vst v15  }
.LBB2_9:
0x93: {  	p4 =	sne.s32 s21, $0x31000;
	v15 =	vld [tilespmem:s19+$0x570];
	[tilespmem:s20+$0xCD00] =	vst v13;
	v9 =	vmul.f32 v9, v5  }
0x94: {  	v13 =	vld [tilespmem:s19+$0x500];
	[tilespmem:s20+$0xCD10] =	vst v14;
	v10 =	vmul.f32 v10, v5  }
0x95: {  	v14 =	vld [tilespmem:s19+$0x510];
	[tilespmem:s20+$0xCD20] =	vst v9;
	v8 =	vmul.f32 v8, v5  }
.Ltmp6:
0x96: {  	v9 =	vld [tilespmem:s19+$0x520];
	[tilespmem:s20+$0xCD30] =	vst v10;
	v11 =	vmul.f32 v11, v5;
	(pc) =	sbr.rel @p4 .LBB2_9-.Ltmp6, $4  }
0x97: {  	v10 =	vld [tilespmem:s19+$0x530];
	[tilespmem:s20+$0xCD40] =	vst v8;
	v12 =	vmul.f32 v12, v5  }
0x98: {  	v8 =	vld [tilespmem:s19+$0x540];
	v15 =	vmul.f32 v15, v5;
	[tilespmem:s20+$0xCD50] =	vst v11  }
0x99: {  	v13 =	vmul.f32 v13, v5;
	v11 =	vld [tilespmem:s19+$0x550];
	[tilespmem:s20+$0xCD60] =	vst v12;
	s20 =	smov.u32 s19  }
0x9a: {  	s19 =	sshra.s32 s21, $0x2;
	s21 =	sadd.s32 $0x1000, s21;
	v14 =	vmul.f32 v14, v5;
	v12 =	vld [tilespmem:s20+$0x560];
	[tilespmem:s20+$0xCD70] =	vst v15  }
.LBB2_10:
0x9b: {  	v15 =	vld [tilespmem:s19+$0x570];
	[tilespmem:s20+$0xCD00] =	vst @p3 v13;
	v9 =	vmul.f32 @p3 v9, v5  }
0x9c: {  	v13 =	vld [tilespmem:s19+$0x500];
	[tilespmem:s20+$0xCD10] =	vst @p3 v14;
	v10 =	vmul.f32 @p3 v10, v5  }
0x9d: {  	v14 =	vld [tilespmem:s19+$0x510];
	[tilespmem:s20+$0xCD20] =	vst @p3 v9;
	v8 =	vmul.f32 @p3 v8, v5  }
0x9e: {  	v9 =	vld [tilespmem:s19+$0x520];
	[tilespmem:s20+$0xCD30] =	vst @p3 v10;
	v11 =	vmul.f32 @p3 v11, v5  }
0x9f: {  	v10 =	vld [tilespmem:s19+$0x530];
	[tilespmem:s20+$0xCD40] =	vst @p3 v8;
	v12 =	vmul.f32 @p3 v12, v5  }
0xa0: {  	v8 =	vld [tilespmem:s19+$0x540];
	[tilespmem:s20+$0xCD50] =	vst @p3 v11;
	v15 =	vmul.f32 v15, v5  }
0xa1: {  	v11 =	vld [tilespmem:s19+$0x550];
	[tilespmem:s20+$0xCD60] =	vst @p3 v12;
	v61 =	vmul.f32 v13, v5  }
0xa2: {  	v62 =	vld [tilespmem:s19+$0x560];
	v14 =	vmul.f32 v14, v5;
	[tilespmem:s19+$0xCD70] =	vst v15  }
0xa3: {  	[tilespmem:s19+$0xCD00] =	vst v61;
	v9 =	vmul.f32 v9, v5  }
0xa4: {  	[tilespmem:s19+$0xCD10] =	vst v14;
	v10 =	vmul.f32 v10, v5  }
.Ltmp7:
0xa5: {  	[tilespmem:s19+$0xCD20] =	vst v9;
	v8 =	vmul.f32 v8, v5;
	(pc) =	sbr.rel @!p2 .LBB2_11-.Ltmp7, $4  }
0xa6: {  	[tilespmem:s19+$0xCD30] =	vst v10;
	v63 =	vmul.f32 v11, v5  }
0xa7: {  	[tilespmem:s19+$0xCD40] =	vst v8;
	v8 =	vmul.f32 v62, v5  }
0xa8: {  	[tilespmem:s19+$0xCD50] =	vst v63  }
0xa9: {  	[tilespmem:s19+$0xCD60] =	vst v8  }
0xaa: {  	v11 =	vld [tilespmem:s18+$0x5F0]  }
0xab: {  	v13 =	vld [tilespmem:s18+$0x580]  }
0xac: {  	v14 =	vld [tilespmem:s18+$0x590];
	p2 =	por $0x1, $0x1  }
.Ltmp8:
0xad: {  	v9 =	vld [tilespmem:s18+$0x5A0];
	(pc) =	sbr.rel @!p2 .LBB2_14-.Ltmp8, $4  }
0xae: {  	v10 =	vld [tilespmem:s18+$0x5B0]  }
0xaf: {  	v8 =	vld [tilespmem:s18+$0x5C0];
	v15 =	vmul.f32 v11, v4  }
0xb0: {  	v11 =	vld [tilespmem:s18+$0x5D0];
	v13 =	vmul.f32 v13, v4  }
0xb1: {  	v12 =	vld [tilespmem:s18+$0x5E0];
	s19 =	simm.s32 $0x400;
	s20 =	simm.s32 $0x2000;
	p1 =	por $0x1, $0x1;
	v14 =	vmul.f32 v14, v4;
	[tilespmem:s18+$0xCDF0] =	vst v15  }
.LBB2_13:
0xb2: {  	p2 =	sne.s32 s20, $0x31000;
	v15 =	vld [tilespmem:s19+$0x5F0];
	[tilespmem:s18+$0xCD80] =	vst v13;
	v9 =	vmul.f32 v9, v4  }
0xb3: {  	v13 =	vld [tilespmem:s19+$0x580];
	[tilespmem:s18+$0xCD90] =	vst v14;
	v10 =	vmul.f32 v10, v4  }
0xb4: {  	v14 =	vld [tilespmem:s19+$0x590];
	[tilespmem:s18+$0xCDA0] =	vst v9;
	v8 =	vmul.f32 v8, v4  }
.Ltmp9:
0xb5: {  	v9 =	vld [tilespmem:s19+$0x5A0];
	[tilespmem:s18+$0xCDB0] =	vst v10;
	v11 =	vmul.f32 v11, v4;
	(pc) =	sbr.rel @p2 .LBB2_13-.Ltmp9, $4  }
0xb6: {  	v10 =	vld [tilespmem:s19+$0x5B0];
	[tilespmem:s18+$0xCDC0] =	vst v8;
	v12 =	vmul.f32 v12, v4  }
0xb7: {  	v8 =	vld [tilespmem:s19+$0x5C0];
	v15 =	vmul.f32 v15, v4;
	[tilespmem:s18+$0xCDD0] =	vst v11  }
0xb8: {  	v13 =	vmul.f32 v13, v4;
	v11 =	vld [tilespmem:s19+$0x5D0];
	[tilespmem:s18+$0xCDE0] =	vst v12;
	s18 =	smov.u32 s19  }
0xb9: {  	s19 =	sshra.s32 s20, $0x2;
	s20 =	sadd.s32 $0x1000, s20;
	v14 =	vmul.f32 v14, v4;
	v12 =	vld [tilespmem:s18+$0x5E0];
	[tilespmem:s18+$0xCDF0] =	vst v15  }
.LBB2_14:
0xba: {  	v15 =	vld [tilespmem:s19+$0x5F0];
	[tilespmem:s18+$0xCD80] =	vst @p1 v13;
	v9 =	vmul.f32 @p1 v9, v4  }
0xbb: {  	v13 =	vld [tilespmem:s19+$0x580];
	[tilespmem:s18+$0xCD90] =	vst @p1 v14;
	v10 =	vmul.f32 @p1 v10, v4  }
0xbc: {  	v14 =	vld [tilespmem:s19+$0x590];
	[tilespmem:s18+$0xCDA0] =	vst @p1 v9;
	v8 =	vmul.f32 @p1 v8, v4  }
0xbd: {  	v9 =	vld [tilespmem:s19+$0x5A0];
	[tilespmem:s18+$0xCDB0] =	vst @p1 v10;
	v11 =	vmul.f32 @p1 v11, v4  }
0xbe: {  	v10 =	vld [tilespmem:s19+$0x5B0];
	[tilespmem:s18+$0xCDC0] =	vst @p1 v8;
	v12 =	vmul.f32 @p1 v12, v4  }
0xbf: {  	v8 =	vld [tilespmem:s19+$0x5C0];
	[tilespmem:s18+$0xCDD0] =	vst @p1 v11;
	v15 =	vmul.f32 v15, v4  }
0xc0: {  	v11 =	vld [tilespmem:s19+$0x5D0];
	[tilespmem:s18+$0xCDE0] =	vst @p1 v12;
	v12 =	vmul.f32 v13, v4  }
0xc1: {  	v13 =	vld [tilespmem:s19+$0x5E0];
	v14 =	vmul.f32 v14, v4;
	[tilespmem:s19+$0xCDF0] =	vst v15  }
0xc2: {  	[tilespmem:s19+$0xCD80] =	vst v12;
	v9 =	vmul.f32 v9, v4  }
0xc3: {  	p2 =	por $0x1, $0x1;
	[tilespmem:s19+$0xCD90] =	vst v14;
	v10 =	vmul.f32 v10, v4  }
.Ltmp10:
0xc4: {  	[tilespmem:s19+$0xCDA0] =	vst v9;
	v8 =	vmul.f32 v8, v4;
	(pc) =	sbr.rel @!p2 .LBB2_18-.Ltmp10, $4  }
0xc5: {  	[tilespmem:s19+$0xCDB0] =	vst v10;
	v9 =	vmul.f32 v11, v4  }
0xc6: {  	[tilespmem:s19+$0xCDC0] =	vst v8;
	v8 =	vmul.f32 v13, v4  }
0xc7: {  	p3 =	por $0x0, $0x0;
	[tilespmem:s19+$0xCDD0] =	vst v9  }
0xc8: {  	s18 =	simm.s32 $0x0;
	p1 =	por $0x0, $0x0;
	[tilespmem:s19+$0xCDE0] =	vst v8;
	s19 =	simm.s32 $0x0  }
0xc9: {  	v11 =	vld [tilespmem:s18+$0x670]  }
0xca: {  	v13 =	vld [tilespmem:s18+$0x600]  }
0xcb: {  	v14 =	vld [tilespmem:s18+$0x610];
	p4 =	por $0x1, $0x1  }
.Ltmp11:
0xcc: {  	v9 =	vld [tilespmem:s18+$0x620];
	(pc) =	sbr.rel @!p4 .LBB2_16-.Ltmp11, $4  }
0xcd: {  	v10 =	vld [tilespmem:s18+$0x630]  }
0xce: {  	v8 =	vld [tilespmem:s18+$0x640];
	v15 =	vmul.f32 v11, v3  }
0xcf: {  	s19 =	simm.s32 $0x400;
	v11 =	vld [tilespmem:s18+$0x650];
	v13 =	vmul.f32 v13, v3  }
0xd0: {  	v12 =	vld [tilespmem:s18+$0x660];
	s21 =	simm.s32 $0x2000;
	p3 =	por $0x1, $0x1;
	s20 =	simm.s32 $0x0;
	v14 =	vmul.f32 v14, v3;
	[tilespmem:s18+$0xCE70] =	vst v15  }
.LBB2_17:
0xd1: {  	p4 =	sne.s32 s21, $0x31000;
	v15 =	vld [tilespmem:s19+$0x670];
	[tilespmem:s20+$0xCE00] =	vst v13;
	v9 =	vmul.f32 v9, v3  }
0xd2: {  	v13 =	vld [tilespmem:s19+$0x600];
	[tilespmem:s20+$0xCE10] =	vst v14;
	v10 =	vmul.f32 v10, v3  }
0xd3: {  	v14 =	vld [tilespmem:s19+$0x610];
	[tilespmem:s20+$0xCE20] =	vst v9;
	v8 =	vmul.f32 v8, v3  }
.Ltmp12:
0xd4: {  	v9 =	vld [tilespmem:s19+$0x620];
	[tilespmem:s20+$0xCE30] =	vst v10;
	v11 =	vmul.f32 v11, v3;
	(pc) =	sbr.rel @p4 .LBB2_17-.Ltmp12, $4  }
0xd5: {  	v10 =	vld [tilespmem:s19+$0x630];
	[tilespmem:s20+$0xCE40] =	vst v8;
	v12 =	vmul.f32 v12, v3  }
0xd6: {  	v8 =	vld [tilespmem:s19+$0x640];
	v15 =	vmul.f32 v15, v3;
	[tilespmem:s20+$0xCE50] =	vst v11  }
0xd7: {  	v13 =	vmul.f32 v13, v3;
	v11 =	vld [tilespmem:s19+$0x650];
	[tilespmem:s20+$0xCE60] =	vst v12;
	s20 =	smov.u32 s19  }
0xd8: {  	s19 =	sshra.s32 s21, $0x2;
	s21 =	sadd.s32 $0x1000, s21;
	v14 =	vmul.f32 v14, v3;
	v12 =	vld [tilespmem:s20+$0x660];
	[tilespmem:s20+$0xCE70] =	vst v15  }
.LBB2_18:
0xd9: {  	v15 =	vld [tilespmem:s19+$0x670];
	[tilespmem:s20+$0xCE00] =	vst @p3 v13;
	v9 =	vmul.f32 @p3 v9, v3  }
0xda: {  	v13 =	vld [tilespmem:s19+$0x600];
	[tilespmem:s20+$0xCE10] =	vst @p3 v14;
	v10 =	vmul.f32 @p3 v10, v3  }
0xdb: {  	v14 =	vld [tilespmem:s19+$0x610];
	[tilespmem:s20+$0xCE20] =	vst @p3 v9;
	v8 =	vmul.f32 @p3 v8, v3  }
0xdc: {  	v9 =	vld [tilespmem:s19+$0x620];
	[tilespmem:s20+$0xCE30] =	vst @p3 v10;
	v11 =	vmul.f32 @p3 v11, v3  }
0xdd: {  	v10 =	vld [tilespmem:s19+$0x630];
	[tilespmem:s20+$0xCE40] =	vst @p3 v8;
	v12 =	vmul.f32 @p3 v12, v3  }
0xde: {  	v8 =	vld [tilespmem:s19+$0x640];
	[tilespmem:s20+$0xCE50] =	vst @p3 v11;
	v15 =	vmul.f32 v15, v3  }
0xdf: {  	v11 =	vld [tilespmem:s19+$0x650];
	[tilespmem:s20+$0xCE60] =	vst @p3 v12;
	v61 =	vmul.f32 v13, v3  }
0xe0: {  	v62 =	vld [tilespmem:s19+$0x660];
	v14 =	vmul.f32 v14, v3;
	[tilespmem:s19+$0xCE70] =	vst v15  }
0xe1: {  	[tilespmem:s19+$0xCE00] =	vst v61;
	v9 =	vmul.f32 v9, v3  }
0xe2: {  	[tilespmem:s19+$0xCE10] =	vst v14;
	v10 =	vmul.f32 v10, v3  }
.Ltmp13:
0xe3: {  	[tilespmem:s19+$0xCE20] =	vst v9;
	v8 =	vmul.f32 v8, v3;
	(pc) =	sbr.rel @!p2 .LBB2_19-.Ltmp13, $4  }
0xe4: {  	[tilespmem:s19+$0xCE30] =	vst v10;
	v63 =	vmul.f32 v11, v3  }
0xe5: {  	[tilespmem:s19+$0xCE40] =	vst v8;
	v8 =	vmul.f32 v62, v3  }
0xe6: {  	[tilespmem:s19+$0xCE50] =	vst v63  }
0xe7: {  	[tilespmem:s19+$0xCE60] =	vst v8  }
0xe8: {  	v11 =	vld [tilespmem:s18+$0x6F0]  }
0xe9: {  	v13 =	vld [tilespmem:s18+$0x680]  }
0xea: {  	v14 =	vld [tilespmem:s18+$0x690];
	p2 =	por $0x1, $0x1  }
.Ltmp14:
0xeb: {  	v9 =	vld [tilespmem:s18+$0x6A0];
	(pc) =	sbr.rel @!p2 .LBB2_22-.Ltmp14, $4  }
0xec: {  	v10 =	vld [tilespmem:s18+$0x6B0]  }
0xed: {  	v8 =	vld [tilespmem:s18+$0x6C0];
	v15 =	vmul.f32 v11, v2  }
0xee: {  	v11 =	vld [tilespmem:s18+$0x6D0];
	v13 =	vmul.f32 v13, v2  }
0xef: {  	v12 =	vld [tilespmem:s18+$0x6E0];
	s19 =	simm.s32 $0x400;
	s20 =	simm.s32 $0x2000;
	p1 =	por $0x1, $0x1;
	v14 =	vmul.f32 v14, v2;
	[tilespmem:s18+$0xCEF0] =	vst v15  }
.LBB2_21:
0xf0: {  	p2 =	sne.s32 s20, $0x31000;
	v15 =	vld [tilespmem:s19+$0x6F0];
	[tilespmem:s18+$0xCE80] =	vst v13;
	v9 =	vmul.f32 v9, v2  }
0xf1: {  	v13 =	vld [tilespmem:s19+$0x680];
	[tilespmem:s18+$0xCE90] =	vst v14;
	v10 =	vmul.f32 v10, v2  }
0xf2: {  	v14 =	vld [tilespmem:s19+$0x690];
	[tilespmem:s18+$0xCEA0] =	vst v9;
	v8 =	vmul.f32 v8, v2  }
.Ltmp15:
0xf3: {  	v9 =	vld [tilespmem:s19+$0x6A0];
	[tilespmem:s18+$0xCEB0] =	vst v10;
	v11 =	vmul.f32 v11, v2;
	(pc) =	sbr.rel @p2 .LBB2_21-.Ltmp15, $4  }
0xf4: {  	v10 =	vld [tilespmem:s19+$0x6B0];
	[tilespmem:s18+$0xCEC0] =	vst v8;
	v12 =	vmul.f32 v12, v2  }
0xf5: {  	v8 =	vld [tilespmem:s19+$0x6C0];
	v15 =	vmul.f32 v15, v2;
	[tilespmem:s18+$0xCED0] =	vst v11  }
0xf6: {  	v13 =	vmul.f32 v13, v2;
	v11 =	vld [tilespmem:s19+$0x6D0];
	[tilespmem:s18+$0xCEE0] =	vst v12;
	s18 =	smov.u32 s19  }
0xf7: {  	s19 =	sshra.s32 s20, $0x2;
	s20 =	sadd.s32 $0x1000, s20;
	v14 =	vmul.f32 v14, v2;
	v12 =	vld [tilespmem:s18+$0x6E0];
	[tilespmem:s18+$0xCEF0] =	vst v15  }
.LBB2_22:
0xf8: {  	v15 =	vld [tilespmem:s19+$0x6F0];
	[tilespmem:s18+$0xCE80] =	vst @p1 v13;
	v9 =	vmul.f32 @p1 v9, v2  }
0xf9: {  	v13 =	vld [tilespmem:s19+$0x680];
	[tilespmem:s18+$0xCE90] =	vst @p1 v14;
	v10 =	vmul.f32 @p1 v10, v2  }
0xfa: {  	v14 =	vld [tilespmem:s19+$0x690];
	[tilespmem:s18+$0xCEA0] =	vst @p1 v9;
	v8 =	vmul.f32 @p1 v8, v2  }
0xfb: {  	v9 =	vld [tilespmem:s19+$0x6A0];
	[tilespmem:s18+$0xCEB0] =	vst @p1 v10;
	v11 =	vmul.f32 @p1 v11, v2  }
0xfc: {  	v10 =	vld [tilespmem:s19+$0x6B0];
	[tilespmem:s18+$0xCEC0] =	vst @p1 v8;
	v12 =	vmul.f32 @p1 v12, v2  }
0xfd: {  	v8 =	vld [tilespmem:s19+$0x6C0];
	[tilespmem:s18+$0xCED0] =	vst @p1 v11;
	v15 =	vmul.f32 v15, v2  }
0xfe: {  	v11 =	vld [tilespmem:s19+$0x6D0];
	[tilespmem:s18+$0xCEE0] =	vst @p1 v12;
	v12 =	vmul.f32 v13, v2  }
0xff: {  	v13 =	vld [tilespmem:s19+$0x6E0];
	v14 =	vmul.f32 v14, v2;
	[tilespmem:s19+$0xCEF0] =	vst v15  }
0x100: {  	[tilespmem:s19+$0xCE80] =	vst v12;
	v9 =	vmul.f32 v9, v2  }
0x101: {  	p2 =	por $0x1, $0x1;
	[tilespmem:s19+$0xCE90] =	vst v14;
	v10 =	vmul.f32 v10, v2  }
.Ltmp16:
0x102: {  	[tilespmem:s19+$0xCEA0] =	vst v9;
	v8 =	vmul.f32 v8, v2;
	(pc) =	sbr.rel @!p2 .LBB2_26-.Ltmp16, $4  }
0x103: {  	[tilespmem:s19+$0xCEB0] =	vst v10;
	v9 =	vmul.f32 v11, v2  }
0x104: {  	[tilespmem:s19+$0xCEC0] =	vst v8;
	v8 =	vmul.f32 v13, v2  }
0x105: {  	p3 =	por $0x0, $0x0;
	[tilespmem:s19+$0xCED0] =	vst v9  }
0x106: {  	s18 =	simm.s32 $0x0;
	p1 =	por $0x0, $0x0;
	[tilespmem:s19+$0xCEE0] =	vst v8;
	s19 =	simm.s32 $0x0  }
0x107: {  	v11 =	vld [tilespmem:s18+$0x770]  }
0x108: {  	v13 =	vld [tilespmem:s18+$0x700]  }
0x109: {  	v14 =	vld [tilespmem:s18+$0x710];
	p4 =	por $0x1, $0x1  }
.Ltmp17:
0x10a: {  	v9 =	vld [tilespmem:s18+$0x720];
	(pc) =	sbr.rel @!p4 .LBB2_24-.Ltmp17, $4  }
0x10b: {  	v10 =	vld [tilespmem:s18+$0x730]  }
0x10c: {  	v8 =	vld [tilespmem:s18+$0x740];
	v15 =	vmul.f32 v11, v1  }
0x10d: {  	s19 =	simm.s32 $0x400;
	v11 =	vld [tilespmem:s18+$0x750];
	v13 =	vmul.f32 v13, v1  }
0x10e: {  	v12 =	vld [tilespmem:s18+$0x760];
	s21 =	simm.s32 $0x2000;
	p3 =	por $0x1, $0x1;
	s20 =	simm.s32 $0x0;
	v14 =	vmul.f32 v14, v1;
	[tilespmem:s18+$0xCF70] =	vst v15  }
.LBB2_25:
0x10f: {  	p4 =	sne.s32 s21, $0x31000;
	v15 =	vld [tilespmem:s19+$0x770];
	[tilespmem:s20+$0xCF00] =	vst v13;
	v9 =	vmul.f32 v9, v1  }
0x110: {  	v13 =	vld [tilespmem:s19+$0x700];
	[tilespmem:s20+$0xCF10] =	vst v14;
	v10 =	vmul.f32 v10, v1  }
0x111: {  	v14 =	vld [tilespmem:s19+$0x710];
	[tilespmem:s20+$0xCF20] =	vst v9;
	v8 =	vmul.f32 v8, v1  }
.Ltmp18:
0x112: {  	v9 =	vld [tilespmem:s19+$0x720];
	[tilespmem:s20+$0xCF30] =	vst v10;
	v11 =	vmul.f32 v11, v1;
	(pc) =	sbr.rel @p4 .LBB2_25-.Ltmp18, $4  }
0x113: {  	v10 =	vld [tilespmem:s19+$0x730];
	[tilespmem:s20+$0xCF40] =	vst v8;
	v12 =	vmul.f32 v12, v1  }
0x114: {  	v8 =	vld [tilespmem:s19+$0x740];
	v15 =	vmul.f32 v15, v1;
	[tilespmem:s20+$0xCF50] =	vst v11  }
0x115: {  	v13 =	vmul.f32 v13, v1;
	v11 =	vld [tilespmem:s19+$0x750];
	[tilespmem:s20+$0xCF60] =	vst v12;
	s20 =	smov.u32 s19  }
0x116: {  	s19 =	sshra.s32 s21, $0x2;
	s21 =	sadd.s32 $0x1000, s21;
	v14 =	vmul.f32 v14, v1;
	v12 =	vld [tilespmem:s20+$0x760];
	[tilespmem:s20+$0xCF70] =	vst v15  }
.LBB2_26:
0x117: {  	v15 =	vld [tilespmem:s19+$0x770];
	[tilespmem:s20+$0xCF00] =	vst @p3 v13;
	v9 =	vmul.f32 @p3 v9, v1  }
0x118: {  	v13 =	vld [tilespmem:s19+$0x700];
	[tilespmem:s20+$0xCF10] =	vst @p3 v14;
	v10 =	vmul.f32 @p3 v10, v1  }
0x119: {  	v14 =	vld [tilespmem:s19+$0x710];
	[tilespmem:s20+$0xCF20] =	vst @p3 v9;
	v8 =	vmul.f32 @p3 v8, v1  }
0x11a: {  	v9 =	vld [tilespmem:s19+$0x720];
	[tilespmem:s20+$0xCF30] =	vst @p3 v10;
	v11 =	vmul.f32 @p3 v11, v1  }
0x11b: {  	v10 =	vld [tilespmem:s19+$0x730];
	[tilespmem:s20+$0xCF40] =	vst @p3 v8;
	v12 =	vmul.f32 @p3 v12, v1  }
0x11c: {  	v8 =	vld [tilespmem:s19+$0x740];
	[tilespmem:s20+$0xCF50] =	vst @p3 v11;
	v15 =	vmul.f32 v15, v1  }
0x11d: {  	v11 =	vld [tilespmem:s19+$0x750];
	[tilespmem:s20+$0xCF60] =	vst @p3 v12;
	v61 =	vmul.f32 v13, v1  }
0x11e: {  	v62 =	vld [tilespmem:s19+$0x760];
	v14 =	vmul.f32 v14, v1;
	[tilespmem:s19+$0xCF70] =	vst v15  }
0x11f: {  	[tilespmem:s19+$0xCF00] =	vst v61;
	v9 =	vmul.f32 v9, v1  }
0x120: {  	[tilespmem:s19+$0xCF10] =	vst v14;
	v10 =	vmul.f32 v10, v1  }
.Ltmp19:
0x121: {  	[tilespmem:s19+$0xCF20] =	vst v9;
	v8 =	vmul.f32 v8, v1;
	(pc) =	sbr.rel @!p2 .LBB2_27-.Ltmp19, $4  }
0x122: {  	[tilespmem:s19+$0xCF30] =	vst v10;
	v63 =	vmul.f32 v11, v1  }
0x123: {  	[tilespmem:s19+$0xCF40] =	vst v8;
	v8 =	vmul.f32 v62, v1  }
0x124: {  	[tilespmem:s19+$0xCF50] =	vst v63  }
0x125: {  	[tilespmem:s19+$0xCF60] =	vst v8  }
0x126: {  	v11 =	vld [tilespmem:s18+$0x7F0]  }
0x127: {  	v13 =	vld [tilespmem:s18+$0x780]  }
0x128: {  	v14 =	vld [tilespmem:s18+$0x790];
	p2 =	por $0x1, $0x1  }
.Ltmp20:
0x129: {  	v9 =	vld [tilespmem:s18+$0x7A0];
	(pc) =	sbr.rel @!p2 .LBB2_30-.Ltmp20, $4  }
0x12a: {  	v10 =	vld [tilespmem:s18+$0x7B0]  }
0x12b: {  	v8 =	vld [tilespmem:s18+$0x7C0];
	v15 =	vmul.f32 v11, v0  }
0x12c: {  	v11 =	vld [tilespmem:s18+$0x7D0];
	v13 =	vmul.f32 v13, v0  }
0x12d: {  	v12 =	vld [tilespmem:s18+$0x7E0];
	s19 =	simm.s32 $0x400;
	s20 =	simm.s32 $0x2000;
	p1 =	por $0x1, $0x1;
	v14 =	vmul.f32 v14, v0;
	[tilespmem:s18+$0xCFF0] =	vst v15  }
.LBB2_29:
0x12e: {  	p2 =	sne.s32 s20, $0x31000;
	v15 =	vld [tilespmem:s19+$0x7F0];
	[tilespmem:s18+$0xCF80] =	vst v13;
	v9 =	vmul.f32 v9, v0  }
0x12f: {  	v13 =	vld [tilespmem:s19+$0x780];
	[tilespmem:s18+$0xCF90] =	vst v14;
	v10 =	vmul.f32 v10, v0  }
0x130: {  	v14 =	vld [tilespmem:s19+$0x790];
	[tilespmem:s18+$0xCFA0] =	vst v9;
	v8 =	vmul.f32 v8, v0  }
.Ltmp21:
0x131: {  	v9 =	vld [tilespmem:s19+$0x7A0];
	[tilespmem:s18+$0xCFB0] =	vst v10;
	v11 =	vmul.f32 v11, v0;
	(pc) =	sbr.rel @p2 .LBB2_29-.Ltmp21, $4  }
0x132: {  	v10 =	vld [tilespmem:s19+$0x7B0];
	[tilespmem:s18+$0xCFC0] =	vst v8;
	v12 =	vmul.f32 v12, v0  }
0x133: {  	v8 =	vld [tilespmem:s19+$0x7C0];
	v15 =	vmul.f32 v15, v0;
	[tilespmem:s18+$0xCFD0] =	vst v11  }
0x134: {  	v13 =	vmul.f32 v13, v0;
	v11 =	vld [tilespmem:s19+$0x7D0];
	[tilespmem:s18+$0xCFE0] =	vst v12;
	s18 =	smov.u32 s19  }
0x135: {  	s19 =	sshra.s32 s20, $0x2;
	s20 =	sadd.s32 $0x1000, s20;
	v14 =	vmul.f32 v14, v0;
	v12 =	vld [tilespmem:s18+$0x7E0];
	[tilespmem:s18+$0xCFF0] =	vst v15  }
.LBB2_30:
0x136: {  	v15 =	vld [tilespmem:s19+$0x7F0];
	[tilespmem:s18+$0xCF80] =	vst @p1 v13;
	v9 =	vmul.f32 @p1 v9, v0  }
0x137: {  	v13 =	vld [tilespmem:s19+$0x780];
	[tilespmem:s18+$0xCF90] =	vst @p1 v14;
	v10 =	vmul.f32 @p1 v10, v0  }
0x138: {  	v14 =	vld [tilespmem:s19+$0x790];
	[tilespmem:s18+$0xCFA0] =	vst @p1 v9;
	v8 =	vmul.f32 @p1 v8, v0  }
0x139: {  	v9 =	vld [tilespmem:s19+$0x7A0];
	[tilespmem:s18+$0xCFB0] =	vst @p1 v10;
	v11 =	vmul.f32 @p1 v11, v0  }
0x13a: {  	v10 =	vld [tilespmem:s19+$0x7B0];
	[tilespmem:s18+$0xCFC0] =	vst @p1 v8;
	v12 =	vmul.f32 @p1 v12, v0  }
0x13b: {  	v8 =	vld [tilespmem:s19+$0x7C0];
	[tilespmem:s18+$0xCFD0] =	vst @p1 v11;
	v15 =	vmul.f32 v15, v0  }
0x13c: {  	v11 =	vld [tilespmem:s19+$0x7D0];
	[tilespmem:s18+$0xCFE0] =	vst @p1 v12;
	v61 =	vmul.f32 v13, v0  }
0x13d: {  	v62 =	vld [tilespmem:s19+$0x7E0];
	v14 =	vmul.f32 v14, v0;
	[tilespmem:s19+$0xCFF0] =	vst v15  }
0x13e: {  	[tilespmem:s19+$0xCF80] =	vst v61;
	v9 =	vmul.f32 v9, v0  }
0x13f: {  	[tilespmem:s19+$0xCF90] =	vst v14;
	v10 =	vmul.f32 v10, v0  }
0x140: {  	[tilespmem:s19+$0xCFA0] =	vst v9;
	v8 =	vmul.f32 v8, v0  }
0x141: {  	[tilespmem:s19+$0xCFB0] =	vst v10;
	v63 =	vmul.f32 v11, v0  }
0x142: {  	[tilespmem:s19+$0xCFC0] =	vst v8;
	v8 =	vmul.f32 v62, v0  }
0x143: {  	s16 =	sadd.s32 $0x1, s16;
	[tilespmem:s19+$0xCFD0] =	vst v63  }
0x144: {  	s17 =	sadd.s32 s3, s17;
	p1 =	sne.s32 s16, $0x27;
	[tilespmem:s19+$0xCFE0] =	vst v8  }
0x145: {  	[hbm4b:s17+s4] =	stream.linear.scatter [tilespmem:s14], [sflag:$0x1], $0xC800, $0x38;
	[tilespmem:$0x19400] =	vst v63  }
.Ltmp22:
0x146: {  	_ = 	snop;
	(pc) =	sbr.rel @p1 .LBB2_2-.Ltmp22, $4  }
.Ltmp23:
0x147: {  	_ = 	snop;
	(pc) =	sbr.rel @!p1 .LBB2_31-.Ltmp23, $4  }
0x148: {  	_ =	swait.ge [sflag:s12], $0xC800  }
0x149: {  	[sflag:s12] =	ssyncset.done $0x0  }
0x14a: {  	[sflag:s12] =	ssyncadd.s32 $0xFFFF3800  }
0x14b: {  	_ = 	snop  }
.LBB2_11:
.Ltmp24:
0x14c: {  	(pc) =	sbr.rel .LBB2_14-.Ltmp24, $2  }
0x14d: {  	_ =	sdelay $0x2  }
0x14e: {  	s19 =	simm.s32 $0x0  }
.LBB2_19:
.Ltmp25:
0x14f: {  	(pc) =	sbr.rel .LBB2_22-.Ltmp25, $2  }
0x150: {  	_ =	sdelay $0x2  }
0x151: {  	s19 =	simm.s32 $0x0  }
.LBB2_27:
.Ltmp26:
0x152: {  	(pc) =	sbr.rel .LBB2_30-.Ltmp26, $2  }
0x153: {  	_ =	sdelay $0x2  }
0x154: {  	s19 =	simm.s32 $0x0  }
.LBB2_8:
.Ltmp27:
0x155: {  	(pc) =	sbr.rel .LBB2_10-.Ltmp27, $2  }
0x156: {  	_ =	sdelay $0x2  }
0x157: {  	s20 =	simm.s32 $0x0  }
.LBB2_16:
.Ltmp28:
0x158: {  	(pc) =	sbr.rel .LBB2_18-.Ltmp28, $2  }
0x159: {  	_ =	sdelay $0x2  }
0x15a: {  	s20 =	simm.s32 $0x0  }
.LBB2_24:
.Ltmp29:
0x15b: {  	(pc) =	sbr.rel .LBB2_26-.Ltmp29, $2  }
0x15c: {  	_ =	sdelay $0x2  }
0x15d: {  	s20 =	simm.s32 $0x0  }
.LBB2_31:
.Ltmp30:
0x15e: {  	(pc) =	sbr.rel @p0 .LBB2_61-.Ltmp30, $1  }
0x15f: {  	_ =	sdelay $0x3  }
0x160: {  	s16 =	simm.s32 $0x0  }
0x161: {  	[tilespmem:s13], [sflag:$0x1] =	stream.linear.gather [hbm4b:s9+s16], $0x3400, $0x38;
	[tilespmem:$0x19400] =	vst v63  }
0x162: {  	_ =	swait.ge [sflag:s12], $0x3400  }
0x163: {  	[sflag:s12] =	ssyncset.done $0x0  }
0x164: {  	s16 =	simm.s32 $0x0;
	[sflag:s12] =	ssyncadd.s32 $0xFFFFCC00  }
0x165: {  	v9 =	vld [tilespmem:s16+$0x470]  }
0x166: {  	v13 =	vld [tilespmem:s16+$0x400]  }
0x167: {  	v14 =	vld [tilespmem:s16+$0x410]  }
0x168: {  	v12 =	vld [tilespmem:s16+$0x420]  }
0x169: {  	v11 =	vld [tilespmem:s16+$0x430]  }
0x16a: {  	v8 =	vld [tilespmem:s16+$0x440];
	v15 =	vmul.f32 v9, v7  }
0x16b: {  	v9 =	vld [tilespmem:s16+$0x450];
	v13 =	vmul.f32 v13, v7  }
0x16c: {  	s17 =	simm.s32 $0x400;
	s19 =	simm.s32 $0x2000;
	s18 =	simm.s32 $0x0;
	v10 =	vld [tilespmem:s16+$0x460];
	v14 =	vmul.f32 v14, v7;
	[tilespmem:s16+$0xCC70] =	vst v15  }
.LBB2_33:
0x16d: {  	p1 =	sne.s32 s19, $0xC000;
	v15 =	vld [tilespmem:s17+$0x470];
	[tilespmem:s18+$0xCC00] =	vst v13;
	v12 =	vmul.f32 v12, v7  }
0x16e: {  	v13 =	vld [tilespmem:s17+$0x400];
	[tilespmem:s18+$0xCC10] =	vst v14;
	v11 =	vmul.f32 v11, v7  }
0x16f: {  	v14 =	vld [tilespmem:s17+$0x410];
	[tilespmem:s18+$0xCC20] =	vst v12;
	v8 =	vmul.f32 v8, v7  }
.Ltmp31:
0x170: {  	v12 =	vld [tilespmem:s17+$0x420];
	[tilespmem:s18+$0xCC30] =	vst v11;
	v9 =	vmul.f32 v9, v7;
	(pc) =	sbr.rel @p1 .LBB2_33-.Ltmp31, $4  }
0x171: {  	v11 =	vld [tilespmem:s17+$0x430];
	[tilespmem:s18+$0xCC40] =	vst v8;
	v10 =	vmul.f32 v10, v7  }
0x172: {  	v8 =	vld [tilespmem:s17+$0x440];
	v15 =	vmul.f32 v15, v7;
	[tilespmem:s18+$0xCC50] =	vst v9  }
0x173: {  	v13 =	vmul.f32 v13, v7;
	v9 =	vld [tilespmem:s17+$0x450];
	[tilespmem:s18+$0xCC60] =	vst v10;
	s18 =	smov.u32 s17  }
0x174: {  	s17 =	sshra.s32 s19, $0x2;
	s19 =	sadd.s32 $0x1000, s19;
	v14 =	vmul.f32 v14, v7;
	v10 =	vld [tilespmem:s18+$0x460];
	[tilespmem:s18+$0xCC70] =	vst v15  }
0x175: {  	v15 =	vld [tilespmem:s17+$0x470];
	[tilespmem:s18+$0xCC00] =	vst v13;
	v12 =	vmul.f32 v12, v7  }
0x176: {  	v13 =	vld [tilespmem:s17+$0x400];
	[tilespmem:s18+$0xCC10] =	vst v14;
	v11 =	vmul.f32 v11, v7  }
0x177: {  	v14 =	vld [tilespmem:s17+$0x410];
	[tilespmem:s18+$0xCC20] =	vst v12;
	v8 =	vmul.f32 v8, v7  }
0x178: {  	v12 =	vld [tilespmem:s17+$0x420];
	[tilespmem:s18+$0xCC30] =	vst v11;
	v9 =	vmul.f32 v9, v7  }
0x179: {  	v11 =	vld [tilespmem:s17+$0x430];
	[tilespmem:s18+$0xCC40] =	vst v8;
	v10 =	vmul.f32 v10, v7  }
0x17a: {  	v8 =	vld [tilespmem:s17+$0x440];
	[tilespmem:s18+$0xCC50] =	vst v9;
	v15 =	vmul.f32 v15, v7  }
0x17b: {  	v9 =	vld [tilespmem:s17+$0x450];
	[tilespmem:s18+$0xCC60] =	vst v10;
	v10 =	vmul.f32 v13, v7  }
0x17c: {  	v13 =	vld [tilespmem:s17+$0x460];
	v14 =	vmul.f32 v14, v7;
	[tilespmem:s17+$0xCC70] =	vst v15  }
0x17d: {  	[tilespmem:s17+$0xCC00] =	vst v10;
	v10 =	vmul.f32 v12, v7  }
0x17e: {  	[tilespmem:s17+$0xCC10] =	vst v14;
	v11 =	vmul.f32 v11, v7  }
0x17f: {  	[tilespmem:s17+$0xCC20] =	vst v10;
	v8 =	vmul.f32 v8, v7  }
0x180: {  	[tilespmem:s17+$0xCC30] =	vst v11;
	v9 =	vmul.f32 v9, v7  }
0x181: {  	[tilespmem:s17+$0xCC40] =	vst v8;
	v7 =	vmul.f32 v13, v7  }
0x182: {  	[tilespmem:s17+$0xCC50] =	vst v9  }
0x183: {  	[tilespmem:s17+$0xCC60] =	vst v7  }
0x184: {  	v8 =	vld [tilespmem:s16+$0x4F0]  }
0x185: {  	v12 =	vld [tilespmem:s16+$0x480]  }
0x186: {  	v13 =	vld [tilespmem:s16+$0x490]  }
0x187: {  	v11 =	vld [tilespmem:s16+$0x4A0]  }
0x188: {  	v10 =	vld [tilespmem:s16+$0x4B0]  }
0x189: {  	v7 =	vld [tilespmem:s16+$0x4C0];
	v14 =	vmul.f32 v8, v6  }
0x18a: {  	v8 =	vld [tilespmem:s16+$0x4D0];
	v12 =	vmul.f32 v12, v6  }
0x18b: {  	s18 =	simm.s32 $0x2000;
	s17 =	simm.s32 $0x400;
	v9 =	vld [tilespmem:s16+$0x4E0];
	v13 =	vmul.f32 v13, v6;
	[tilespmem:s16+$0xCCF0] =	vst v14  }
.LBB2_35:
0x18c: {  	p1 =	sne.s32 s18, $0xC000;
	v14 =	vld [tilespmem:s17+$0x4F0];
	[tilespmem:s16+$0xCC80] =	vst v12;
	v11 =	vmul.f32 v11, v6  }
0x18d: {  	v12 =	vld [tilespmem:s17+$0x480];
	[tilespmem:s16+$0xCC90] =	vst v13;
	v10 =	vmul.f32 v10, v6  }
0x18e: {  	v13 =	vld [tilespmem:s17+$0x490];
	[tilespmem:s16+$0xCCA0] =	vst v11;
	v7 =	vmul.f32 v7, v6  }
.Ltmp32:
0x18f: {  	v11 =	vld [tilespmem:s17+$0x4A0];
	[tilespmem:s16+$0xCCB0] =	vst v10;
	v8 =	vmul.f32 v8, v6;
	(pc) =	sbr.rel @p1 .LBB2_35-.Ltmp32, $4  }
0x190: {  	v10 =	vld [tilespmem:s17+$0x4B0];
	[tilespmem:s16+$0xCCC0] =	vst v7;
	v9 =	vmul.f32 v9, v6  }
0x191: {  	v7 =	vld [tilespmem:s17+$0x4C0];
	v14 =	vmul.f32 v14, v6;
	[tilespmem:s16+$0xCCD0] =	vst v8  }
0x192: {  	v12 =	vmul.f32 v12, v6;
	v8 =	vld [tilespmem:s17+$0x4D0];
	[tilespmem:s16+$0xCCE0] =	vst v9;
	s16 =	smov.u32 s17  }
0x193: {  	s17 =	sshra.s32 s18, $0x2;
	s18 =	sadd.s32 $0x1000, s18;
	v13 =	vmul.f32 v13, v6;
	v9 =	vld [tilespmem:s16+$0x4E0];
	[tilespmem:s16+$0xCCF0] =	vst v14  }
0x194: {  	v14 =	vld [tilespmem:s17+$0x4F0];
	[tilespmem:s16+$0xCC80] =	vst v12;
	v11 =	vmul.f32 v11, v6  }
0x195: {  	v12 =	vld [tilespmem:s17+$0x480];
	[tilespmem:s16+$0xCC90] =	vst v13;
	v10 =	vmul.f32 v10, v6  }
0x196: {  	v13 =	vld [tilespmem:s17+$0x490];
	[tilespmem:s16+$0xCCA0] =	vst v11;
	v7 =	vmul.f32 v7, v6  }
0x197: {  	v11 =	vld [tilespmem:s17+$0x4A0];
	[tilespmem:s16+$0xCCB0] =	vst v10;
	v8 =	vmul.f32 v8, v6  }
0x198: {  	v10 =	vld [tilespmem:s17+$0x4B0];
	[tilespmem:s16+$0xCCC0] =	vst v7;
	v9 =	vmul.f32 v9, v6  }
0x199: {  	v7 =	vld [tilespmem:s17+$0x4C0];
	[tilespmem:s16+$0xCCD0] =	vst v8;
	v14 =	vmul.f32 v14, v6  }
0x19a: {  	v8 =	vld [tilespmem:s17+$0x4D0];
	[tilespmem:s16+$0xCCE0] =	vst v9;
	v9 =	vmul.f32 v12, v6  }
0x19b: {  	v12 =	vld [tilespmem:s17+$0x4E0];
	v13 =	vmul.f32 v13, v6;
	[tilespmem:s17+$0xCCF0] =	vst v14  }
0x19c: {  	[tilespmem:s17+$0xCC80] =	vst v9;
	v9 =	vmul.f32 v11, v6  }
0x19d: {  	p2 =	por $0x1, $0x1;
	[tilespmem:s17+$0xCC90] =	vst v13;
	v10 =	vmul.f32 v10, v6  }
.Ltmp33:
0x19e: {  	[tilespmem:s17+$0xCCA0] =	vst v9;
	v7 =	vmul.f32 v7, v6;
	(pc) =	sbr.rel @!p2 .LBB2_40-.Ltmp33, $4  }
0x19f: {  	[tilespmem:s17+$0xCCB0] =	vst v10;
	v8 =	vmul.f32 v8, v6  }
0x1a0: {  	[tilespmem:s17+$0xCCC0] =	vst v7;
	v6 =	vmul.f32 v12, v6  }
0x1a1: {  	p1 =	por $0x0, $0x0;
	[tilespmem:s17+$0xCCD0] =	vst v8  }
0x1a2: {  	p3 =	por $0x0, $0x0;
	s16 =	simm.s32 $0x0;
	[tilespmem:s17+$0xCCE0] =	vst v6;
	s17 =	simm.s32 $0x0  }
0x1a3: {  	v9 =	vld [tilespmem:s16+$0x570]  }
0x1a4: {  	v11 =	vld [tilespmem:s16+$0x500]  }
0x1a5: {  	v12 =	vld [tilespmem:s16+$0x510];
	p4 =	por $0x1, $0x1  }
.Ltmp34:
0x1a6: {  	v7 =	vld [tilespmem:s16+$0x520];
	(pc) =	sbr.rel @!p4 .LBB2_38-.Ltmp34, $4  }
0x1a7: {  	v8 =	vld [tilespmem:s16+$0x530]  }
0x1a8: {  	v6 =	vld [tilespmem:s16+$0x540];
	v13 =	vmul.f32 v9, v5  }
0x1a9: {  	s17 =	simm.s32 $0x400;
	v9 =	vld [tilespmem:s16+$0x550];
	v11 =	vmul.f32 v11, v5  }
0x1aa: {  	v10 =	vld [tilespmem:s16+$0x560];
	s19 =	simm.s32 $0x2000;
	p3 =	por $0x1, $0x1;
	s18 =	simm.s32 $0x0;
	v12 =	vmul.f32 v12, v5;
	[tilespmem:s16+$0xCD70] =	vst v13  }
.LBB2_39:
0x1ab: {  	p4 =	sne.s32 s19, $0xC000;
	v13 =	vld [tilespmem:s17+$0x570];
	[tilespmem:s18+$0xCD00] =	vst v11;
	v7 =	vmul.f32 v7, v5  }
0x1ac: {  	v11 =	vld [tilespmem:s17+$0x500];
	[tilespmem:s18+$0xCD10] =	vst v12;
	v8 =	vmul.f32 v8, v5  }
0x1ad: {  	v12 =	vld [tilespmem:s17+$0x510];
	[tilespmem:s18+$0xCD20] =	vst v7;
	v6 =	vmul.f32 v6, v5  }
.Ltmp35:
0x1ae: {  	v7 =	vld [tilespmem:s17+$0x520];
	[tilespmem:s18+$0xCD30] =	vst v8;
	v9 =	vmul.f32 v9, v5;
	(pc) =	sbr.rel @p4 .LBB2_39-.Ltmp35, $4  }
0x1af: {  	v8 =	vld [tilespmem:s17+$0x530];
	[tilespmem:s18+$0xCD40] =	vst v6;
	v10 =	vmul.f32 v10, v5  }
0x1b0: {  	v6 =	vld [tilespmem:s17+$0x540];
	v13 =	vmul.f32 v13, v5;
	[tilespmem:s18+$0xCD50] =	vst v9  }
0x1b1: {  	v11 =	vmul.f32 v11, v5;
	v9 =	vld [tilespmem:s17+$0x550];
	[tilespmem:s18+$0xCD60] =	vst v10;
	s18 =	smov.u32 s17  }
0x1b2: {  	s17 =	sshra.s32 s19, $0x2;
	s19 =	sadd.s32 $0x1000, s19;
	v12 =	vmul.f32 v12, v5;
	v10 =	vld [tilespmem:s18+$0x560];
	[tilespmem:s18+$0xCD70] =	vst v13  }
.LBB2_40:
0x1b3: {  	v13 =	vld [tilespmem:s17+$0x570];
	[tilespmem:s18+$0xCD00] =	vst @p3 v11;
	v7 =	vmul.f32 @p3 v7, v5  }
0x1b4: {  	v11 =	vld [tilespmem:s17+$0x500];
	[tilespmem:s18+$0xCD10] =	vst @p3 v12;
	v8 =	vmul.f32 @p3 v8, v5  }
0x1b5: {  	v12 =	vld [tilespmem:s17+$0x510];
	[tilespmem:s18+$0xCD20] =	vst @p3 v7;
	v6 =	vmul.f32 @p3 v6, v5  }
0x1b6: {  	v7 =	vld [tilespmem:s17+$0x520];
	[tilespmem:s18+$0xCD30] =	vst @p3 v8;
	v9 =	vmul.f32 @p3 v9, v5  }
0x1b7: {  	v8 =	vld [tilespmem:s17+$0x530];
	[tilespmem:s18+$0xCD40] =	vst @p3 v6;
	v10 =	vmul.f32 @p3 v10, v5  }
0x1b8: {  	v6 =	vld [tilespmem:s17+$0x540];
	[tilespmem:s18+$0xCD50] =	vst @p3 v9;
	v13 =	vmul.f32 v13, v5  }
0x1b9: {  	v9 =	vld [tilespmem:s17+$0x550];
	[tilespmem:s18+$0xCD60] =	vst @p3 v10;
	v62 =	vmul.f32 v11, v5  }
0x1ba: {  	v63 =	vld [tilespmem:s17+$0x560];
	v12 =	vmul.f32 v12, v5;
	[tilespmem:s17+$0xCD70] =	vst v13  }
0x1bb: {  	[tilespmem:s17+$0xCD00] =	vst v62;
	v7 =	vmul.f32 v7, v5  }
0x1bc: {  	[tilespmem:s17+$0xCD10] =	vst v12;
	v8 =	vmul.f32 v8, v5  }
.Ltmp36:
0x1bd: {  	[tilespmem:s17+$0xCD20] =	vst v7;
	v6 =	vmul.f32 v6, v5;
	(pc) =	sbr.rel @!p2 .LBB2_41-.Ltmp36, $4  }
0x1be: {  	[tilespmem:s17+$0xCD30] =	vst v8;
	v7 =	vmul.f32 v9, v5  }
0x1bf: {  	[tilespmem:s17+$0xCD40] =	vst v6;
	v5 =	vmul.f32 v63, v5  }
0x1c0: {  	[tilespmem:s17+$0xCD50] =	vst v7  }
0x1c1: {  	[tilespmem:s17+$0xCD60] =	vst v5  }
0x1c2: {  	v8 =	vld [tilespmem:s16+$0x5F0]  }
0x1c3: {  	v10 =	vld [tilespmem:s16+$0x580]  }
0x1c4: {  	v11 =	vld [tilespmem:s16+$0x590];
	p2 =	por $0x1, $0x1  }
.Ltmp37:
0x1c5: {  	v6 =	vld [tilespmem:s16+$0x5A0];
	(pc) =	sbr.rel @!p2 .LBB2_44-.Ltmp37, $4  }
0x1c6: {  	v7 =	vld [tilespmem:s16+$0x5B0]  }
0x1c7: {  	v5 =	vld [tilespmem:s16+$0x5C0];
	v12 =	vmul.f32 v8, v4  }
0x1c8: {  	v8 =	vld [tilespmem:s16+$0x5D0];
	v10 =	vmul.f32 v10, v4  }
0x1c9: {  	v9 =	vld [tilespmem:s16+$0x5E0];
	s17 =	simm.s32 $0x400;
	s18 =	simm.s32 $0x2000;
	p1 =	por $0x1, $0x1;
	v11 =	vmul.f32 v11, v4;
	[tilespmem:s16+$0xCDF0] =	vst v12  }
.LBB2_43:
0x1ca: {  	p2 =	sne.s32 s18, $0xC000;
	v12 =	vld [tilespmem:s17+$0x5F0];
	[tilespmem:s16+$0xCD80] =	vst v10;
	v6 =	vmul.f32 v6, v4  }
0x1cb: {  	v10 =	vld [tilespmem:s17+$0x580];
	[tilespmem:s16+$0xCD90] =	vst v11;
	v7 =	vmul.f32 v7, v4  }
0x1cc: {  	v11 =	vld [tilespmem:s17+$0x590];
	[tilespmem:s16+$0xCDA0] =	vst v6;
	v5 =	vmul.f32 v5, v4  }
.Ltmp38:
0x1cd: {  	v6 =	vld [tilespmem:s17+$0x5A0];
	[tilespmem:s16+$0xCDB0] =	vst v7;
	v8 =	vmul.f32 v8, v4;
	(pc) =	sbr.rel @p2 .LBB2_43-.Ltmp38, $4  }
0x1ce: {  	v7 =	vld [tilespmem:s17+$0x5B0];
	[tilespmem:s16+$0xCDC0] =	vst v5;
	v9 =	vmul.f32 v9, v4  }
0x1cf: {  	v5 =	vld [tilespmem:s17+$0x5C0];
	v12 =	vmul.f32 v12, v4;
	[tilespmem:s16+$0xCDD0] =	vst v8  }
0x1d0: {  	v10 =	vmul.f32 v10, v4;
	v8 =	vld [tilespmem:s17+$0x5D0];
	[tilespmem:s16+$0xCDE0] =	vst v9;
	s16 =	smov.u32 s17  }
0x1d1: {  	s17 =	sshra.s32 s18, $0x2;
	s18 =	sadd.s32 $0x1000, s18;
	v11 =	vmul.f32 v11, v4;
	v9 =	vld [tilespmem:s16+$0x5E0];
	[tilespmem:s16+$0xCDF0] =	vst v12  }
.LBB2_44:
0x1d2: {  	v12 =	vld [tilespmem:s17+$0x5F0];
	[tilespmem:s16+$0xCD80] =	vst @p1 v10;
	v6 =	vmul.f32 @p1 v6, v4  }
0x1d3: {  	v10 =	vld [tilespmem:s17+$0x580];
	[tilespmem:s16+$0xCD90] =	vst @p1 v11;
	v7 =	vmul.f32 @p1 v7, v4  }
0x1d4: {  	v11 =	vld [tilespmem:s17+$0x590];
	[tilespmem:s16+$0xCDA0] =	vst @p1 v6;
	v5 =	vmul.f32 @p1 v5, v4  }
0x1d5: {  	v6 =	vld [tilespmem:s17+$0x5A0];
	[tilespmem:s16+$0xCDB0] =	vst @p1 v7;
	v8 =	vmul.f32 @p1 v8, v4  }
0x1d6: {  	v7 =	vld [tilespmem:s17+$0x5B0];
	[tilespmem:s16+$0xCDC0] =	vst @p1 v5;
	v9 =	vmul.f32 @p1 v9, v4  }
0x1d7: {  	v5 =	vld [tilespmem:s17+$0x5C0];
	[tilespmem:s16+$0xCDD0] =	vst @p1 v8;
	v12 =	vmul.f32 v12, v4  }
0x1d8: {  	v8 =	vld [tilespmem:s17+$0x5D0];
	[tilespmem:s16+$0xCDE0] =	vst @p1 v9;
	v9 =	vmul.f32 v10, v4  }
0x1d9: {  	v10 =	vld [tilespmem:s17+$0x5E0];
	v11 =	vmul.f32 v11, v4;
	[tilespmem:s17+$0xCDF0] =	vst v12  }
0x1da: {  	[tilespmem:s17+$0xCD80] =	vst v9;
	v6 =	vmul.f32 v6, v4  }
0x1db: {  	p2 =	por $0x1, $0x1;
	[tilespmem:s17+$0xCD90] =	vst v11;
	v7 =	vmul.f32 v7, v4  }
.Ltmp39:
0x1dc: {  	[tilespmem:s17+$0xCDA0] =	vst v6;
	v5 =	vmul.f32 v5, v4;
	(pc) =	sbr.rel @!p2 .LBB2_48-.Ltmp39, $4  }
0x1dd: {  	[tilespmem:s17+$0xCDB0] =	vst v7;
	v6 =	vmul.f32 v8, v4  }
0x1de: {  	[tilespmem:s17+$0xCDC0] =	vst v5;
	v4 =	vmul.f32 v10, v4  }
0x1df: {  	p3 =	por $0x0, $0x0;
	[tilespmem:s17+$0xCDD0] =	vst v6  }
0x1e0: {  	s16 =	simm.s32 $0x0;
	p1 =	por $0x0, $0x0;
	[tilespmem:s17+$0xCDE0] =	vst v4;
	s17 =	simm.s32 $0x0  }
0x1e1: {  	v7 =	vld [tilespmem:s16+$0x670]  }
0x1e2: {  	v9 =	vld [tilespmem:s16+$0x600]  }
0x1e3: {  	v10 =	vld [tilespmem:s16+$0x610];
	p4 =	por $0x1, $0x1  }
.Ltmp40:
0x1e4: {  	v5 =	vld [tilespmem:s16+$0x620];
	(pc) =	sbr.rel @!p4 .LBB2_46-.Ltmp40, $4  }
0x1e5: {  	v6 =	vld [tilespmem:s16+$0x630]  }
0x1e6: {  	v4 =	vld [tilespmem:s16+$0x640];
	v11 =	vmul.f32 v7, v3  }
0x1e7: {  	s17 =	simm.s32 $0x400;
	v7 =	vld [tilespmem:s16+$0x650];
	v9 =	vmul.f32 v9, v3  }
0x1e8: {  	v8 =	vld [tilespmem:s16+$0x660];
	s19 =	simm.s32 $0x2000;
	p3 =	por $0x1, $0x1;
	s18 =	simm.s32 $0x0;
	v10 =	vmul.f32 v10, v3;
	[tilespmem:s16+$0xCE70] =	vst v11  }
.LBB2_47:
0x1e9: {  	p4 =	sne.s32 s19, $0xC000;
	v11 =	vld [tilespmem:s17+$0x670];
	[tilespmem:s18+$0xCE00] =	vst v9;
	v5 =	vmul.f32 v5, v3  }
0x1ea: {  	v9 =	vld [tilespmem:s17+$0x600];
	[tilespmem:s18+$0xCE10] =	vst v10;
	v6 =	vmul.f32 v6, v3  }
0x1eb: {  	v10 =	vld [tilespmem:s17+$0x610];
	[tilespmem:s18+$0xCE20] =	vst v5;
	v4 =	vmul.f32 v4, v3  }
.Ltmp41:
0x1ec: {  	v5 =	vld [tilespmem:s17+$0x620];
	[tilespmem:s18+$0xCE30] =	vst v6;
	v7 =	vmul.f32 v7, v3;
	(pc) =	sbr.rel @p4 .LBB2_47-.Ltmp41, $4  }
0x1ed: {  	v6 =	vld [tilespmem:s17+$0x630];
	[tilespmem:s18+$0xCE40] =	vst v4;
	v8 =	vmul.f32 v8, v3  }
0x1ee: {  	v4 =	vld [tilespmem:s17+$0x640];
	v11 =	vmul.f32 v11, v3;
	[tilespmem:s18+$0xCE50] =	vst v7  }
0x1ef: {  	v9 =	vmul.f32 v9, v3;
	v7 =	vld [tilespmem:s17+$0x650];
	[tilespmem:s18+$0xCE60] =	vst v8;
	s18 =	smov.u32 s17  }
0x1f0: {  	s17 =	sshra.s32 s19, $0x2;
	s19 =	sadd.s32 $0x1000, s19;
	v10 =	vmul.f32 v10, v3;
	v8 =	vld [tilespmem:s18+$0x660];
	[tilespmem:s18+$0xCE70] =	vst v11  }
.LBB2_48:
0x1f1: {  	v11 =	vld [tilespmem:s17+$0x670];
	[tilespmem:s18+$0xCE00] =	vst @p3 v9;
	v5 =	vmul.f32 @p3 v5, v3  }
0x1f2: {  	v9 =	vld [tilespmem:s17+$0x600];
	[tilespmem:s18+$0xCE10] =	vst @p3 v10;
	v6 =	vmul.f32 @p3 v6, v3  }
0x1f3: {  	v10 =	vld [tilespmem:s17+$0x610];
	[tilespmem:s18+$0xCE20] =	vst @p3 v5;
	v4 =	vmul.f32 @p3 v4, v3  }
0x1f4: {  	v5 =	vld [tilespmem:s17+$0x620];
	[tilespmem:s18+$0xCE30] =	vst @p3 v6;
	v7 =	vmul.f32 @p3 v7, v3  }
0x1f5: {  	v6 =	vld [tilespmem:s17+$0x630];
	[tilespmem:s18+$0xCE40] =	vst @p3 v4;
	v8 =	vmul.f32 @p3 v8, v3  }
0x1f6: {  	v4 =	vld [tilespmem:s17+$0x640];
	[tilespmem:s18+$0xCE50] =	vst @p3 v7;
	v11 =	vmul.f32 v11, v3  }
0x1f7: {  	v7 =	vld [tilespmem:s17+$0x650];
	[tilespmem:s18+$0xCE60] =	vst @p3 v8;
	v61 =	vmul.f32 v9, v3  }
0x1f8: {  	v62 =	vld [tilespmem:s17+$0x660];
	v10 =	vmul.f32 v10, v3;
	[tilespmem:s17+$0xCE70] =	vst v11  }
0x1f9: {  	[tilespmem:s17+$0xCE00] =	vst v61;
	v5 =	vmul.f32 v5, v3  }
0x1fa: {  	[tilespmem:s17+$0xCE10] =	vst v10;
	v6 =	vmul.f32 v6, v3  }
.Ltmp42:
0x1fb: {  	[tilespmem:s17+$0xCE20] =	vst v5;
	v4 =	vmul.f32 v4, v3;
	(pc) =	sbr.rel @!p2 .LBB2_49-.Ltmp42, $4  }
0x1fc: {  	[tilespmem:s17+$0xCE30] =	vst v6;
	v63 =	vmul.f32 v7, v3  }
0x1fd: {  	[tilespmem:s17+$0xCE40] =	vst v4;
	v3 =	vmul.f32 v62, v3  }
0x1fe: {  	[tilespmem:s17+$0xCE50] =	vst v63  }
0x1ff: {  	[tilespmem:s17+$0xCE60] =	vst v3  }
0x200: {  	v6 =	vld [tilespmem:s16+$0x6F0]  }
0x201: {  	v8 =	vld [tilespmem:s16+$0x680]  }
0x202: {  	v9 =	vld [tilespmem:s16+$0x690];
	p2 =	por $0x1, $0x1  }
.Ltmp43:
0x203: {  	v4 =	vld [tilespmem:s16+$0x6A0];
	(pc) =	sbr.rel @!p2 .LBB2_52-.Ltmp43, $4  }
0x204: {  	v5 =	vld [tilespmem:s16+$0x6B0]  }
0x205: {  	v3 =	vld [tilespmem:s16+$0x6C0];
	v10 =	vmul.f32 v6, v2  }
0x206: {  	v6 =	vld [tilespmem:s16+$0x6D0];
	v8 =	vmul.f32 v8, v2  }
0x207: {  	v7 =	vld [tilespmem:s16+$0x6E0];
	s17 =	simm.s32 $0x400;
	s18 =	simm.s32 $0x2000;
	p1 =	por $0x1, $0x1;
	v9 =	vmul.f32 v9, v2;
	[tilespmem:s16+$0xCEF0] =	vst v10  }
.LBB2_51:
0x208: {  	p2 =	sne.s32 s18, $0xC000;
	v10 =	vld [tilespmem:s17+$0x6F0];
	[tilespmem:s16+$0xCE80] =	vst v8;
	v4 =	vmul.f32 v4, v2  }
0x209: {  	v8 =	vld [tilespmem:s17+$0x680];
	[tilespmem:s16+$0xCE90] =	vst v9;
	v5 =	vmul.f32 v5, v2  }
0x20a: {  	v9 =	vld [tilespmem:s17+$0x690];
	[tilespmem:s16+$0xCEA0] =	vst v4;
	v3 =	vmul.f32 v3, v2  }
.Ltmp44:
0x20b: {  	v4 =	vld [tilespmem:s17+$0x6A0];
	[tilespmem:s16+$0xCEB0] =	vst v5;
	v6 =	vmul.f32 v6, v2;
	(pc) =	sbr.rel @p2 .LBB2_51-.Ltmp44, $4  }
0x20c: {  	v5 =	vld [tilespmem:s17+$0x6B0];
	[tilespmem:s16+$0xCEC0] =	vst v3;
	v7 =	vmul.f32 v7, v2  }
0x20d: {  	v3 =	vld [tilespmem:s17+$0x6C0];
	v10 =	vmul.f32 v10, v2;
	[tilespmem:s16+$0xCED0] =	vst v6  }
0x20e: {  	v8 =	vmul.f32 v8, v2;
	v6 =	vld [tilespmem:s17+$0x6D0];
	[tilespmem:s16+$0xCEE0] =	vst v7;
	s16 =	smov.u32 s17  }
0x20f: {  	s17 =	sshra.s32 s18, $0x2;
	s18 =	sadd.s32 $0x1000, s18;
	v9 =	vmul.f32 v9, v2;
	v7 =	vld [tilespmem:s16+$0x6E0];
	[tilespmem:s16+$0xCEF0] =	vst v10  }
.LBB2_52:
0x210: {  	v10 =	vld [tilespmem:s17+$0x6F0];
	[tilespmem:s16+$0xCE80] =	vst @p1 v8;
	v4 =	vmul.f32 @p1 v4, v2  }
0x211: {  	v8 =	vld [tilespmem:s17+$0x680];
	[tilespmem:s16+$0xCE90] =	vst @p1 v9;
	v5 =	vmul.f32 @p1 v5, v2  }
0x212: {  	v9 =	vld [tilespmem:s17+$0x690];
	[tilespmem:s16+$0xCEA0] =	vst @p1 v4;
	v3 =	vmul.f32 @p1 v3, v2  }
0x213: {  	v4 =	vld [tilespmem:s17+$0x6A0];
	[tilespmem:s16+$0xCEB0] =	vst @p1 v5;
	v6 =	vmul.f32 @p1 v6, v2  }
0x214: {  	v5 =	vld [tilespmem:s17+$0x6B0];
	[tilespmem:s16+$0xCEC0] =	vst @p1 v3;
	v7 =	vmul.f32 @p1 v7, v2  }
0x215: {  	v3 =	vld [tilespmem:s17+$0x6C0];
	[tilespmem:s16+$0xCED0] =	vst @p1 v6;
	v10 =	vmul.f32 v10, v2  }
0x216: {  	v6 =	vld [tilespmem:s17+$0x6D0];
	[tilespmem:s16+$0xCEE0] =	vst @p1 v7;
	v7 =	vmul.f32 v8, v2  }
0x217: {  	v8 =	vld [tilespmem:s17+$0x6E0];
	v9 =	vmul.f32 v9, v2;
	[tilespmem:s17+$0xCEF0] =	vst v10  }
0x218: {  	[tilespmem:s17+$0xCE80] =	vst v7;
	v4 =	vmul.f32 v4, v2  }
0x219: {  	p2 =	por $0x1, $0x1;
	[tilespmem:s17+$0xCE90] =	vst v9;
	v5 =	vmul.f32 v5, v2  }
.Ltmp45:
0x21a: {  	[tilespmem:s17+$0xCEA0] =	vst v4;
	v3 =	vmul.f32 v3, v2;
	(pc) =	sbr.rel @!p2 .LBB2_56-.Ltmp45, $4  }
0x21b: {  	[tilespmem:s17+$0xCEB0] =	vst v5;
	v4 =	vmul.f32 v6, v2  }
0x21c: {  	[tilespmem:s17+$0xCEC0] =	vst v3;
	v2 =	vmul.f32 v8, v2  }
0x21d: {  	p3 =	por $0x0, $0x0;
	[tilespmem:s17+$0xCED0] =	vst v4  }
0x21e: {  	s16 =	simm.s32 $0x0;
	p1 =	por $0x0, $0x0;
	[tilespmem:s17+$0xCEE0] =	vst v2;
	s17 =	simm.s32 $0x0  }
0x21f: {  	v5 =	vld [tilespmem:s16+$0x770]  }
0x220: {  	v7 =	vld [tilespmem:s16+$0x700]  }
0x221: {  	v8 =	vld [tilespmem:s16+$0x710];
	p4 =	por $0x1, $0x1  }
.Ltmp46:
0x222: {  	v3 =	vld [tilespmem:s16+$0x720];
	(pc) =	sbr.rel @!p4 .LBB2_54-.Ltmp46, $4  }
0x223: {  	v4 =	vld [tilespmem:s16+$0x730]  }
0x224: {  	v2 =	vld [tilespmem:s16+$0x740];
	v9 =	vmul.f32 v5, v1  }
0x225: {  	s17 =	simm.s32 $0x400;
	v5 =	vld [tilespmem:s16+$0x750];
	v7 =	vmul.f32 v7, v1  }
0x226: {  	v6 =	vld [tilespmem:s16+$0x760];
	s19 =	simm.s32 $0x2000;
	p3 =	por $0x1, $0x1;
	s18 =	simm.s32 $0x0;
	v8 =	vmul.f32 v8, v1;
	[tilespmem:s16+$0xCF70] =	vst v9  }
.LBB2_55:
0x227: {  	p4 =	sne.s32 s19, $0xC000;
	v9 =	vld [tilespmem:s17+$0x770];
	[tilespmem:s18+$0xCF00] =	vst v7;
	v3 =	vmul.f32 v3, v1  }
0x228: {  	v7 =	vld [tilespmem:s17+$0x700];
	[tilespmem:s18+$0xCF10] =	vst v8;
	v4 =	vmul.f32 v4, v1  }
0x229: {  	v8 =	vld [tilespmem:s17+$0x710];
	[tilespmem:s18+$0xCF20] =	vst v3;
	v2 =	vmul.f32 v2, v1  }
.Ltmp47:
0x22a: {  	v3 =	vld [tilespmem:s17+$0x720];
	[tilespmem:s18+$0xCF30] =	vst v4;
	v5 =	vmul.f32 v5, v1;
	(pc) =	sbr.rel @p4 .LBB2_55-.Ltmp47, $4  }
0x22b: {  	v4 =	vld [tilespmem:s17+$0x730];
	[tilespmem:s18+$0xCF40] =	vst v2;
	v6 =	vmul.f32 v6, v1  }
0x22c: {  	v2 =	vld [tilespmem:s17+$0x740];
	v9 =	vmul.f32 v9, v1;
	[tilespmem:s18+$0xCF50] =	vst v5  }
0x22d: {  	v7 =	vmul.f32 v7, v1;
	v5 =	vld [tilespmem:s17+$0x750];
	[tilespmem:s18+$0xCF60] =	vst v6;
	s18 =	smov.u32 s17  }
0x22e: {  	s17 =	sshra.s32 s19, $0x2;
	s19 =	sadd.s32 $0x1000, s19;
	v8 =	vmul.f32 v8, v1;
	v6 =	vld [tilespmem:s18+$0x760];
	[tilespmem:s18+$0xCF70] =	vst v9  }
.LBB2_56:
0x22f: {  	v9 =	vld [tilespmem:s17+$0x770];
	[tilespmem:s18+$0xCF00] =	vst @p3 v7;
	v3 =	vmul.f32 @p3 v3, v1  }
0x230: {  	v7 =	vld [tilespmem:s17+$0x700];
	[tilespmem:s18+$0xCF10] =	vst @p3 v8;
	v4 =	vmul.f32 @p3 v4, v1  }
0x231: {  	v8 =	vld [tilespmem:s17+$0x710];
	[tilespmem:s18+$0xCF20] =	vst @p3 v3;
	v2 =	vmul.f32 @p3 v2, v1  }
0x232: {  	v3 =	vld [tilespmem:s17+$0x720];
	[tilespmem:s18+$0xCF30] =	vst @p3 v4;
	v5 =	vmul.f32 @p3 v5, v1  }
0x233: {  	v4 =	vld [tilespmem:s17+$0x730];
	[tilespmem:s18+$0xCF40] =	vst @p3 v2;
	v6 =	vmul.f32 @p3 v6, v1  }
0x234: {  	v2 =	vld [tilespmem:s17+$0x740];
	[tilespmem:s18+$0xCF50] =	vst @p3 v5;
	v9 =	vmul.f32 v9, v1  }
0x235: {  	v5 =	vld [tilespmem:s17+$0x750];
	[tilespmem:s18+$0xCF60] =	vst @p3 v6;
	v62 =	vmul.f32 v7, v1  }
0x236: {  	v63 =	vld [tilespmem:s17+$0x760];
	v8 =	vmul.f32 v8, v1;
	[tilespmem:s17+$0xCF70] =	vst v9  }
0x237: {  	[tilespmem:s17+$0xCF00] =	vst v62;
	v3 =	vmul.f32 v3, v1  }
0x238: {  	[tilespmem:s17+$0xCF10] =	vst v8;
	v4 =	vmul.f32 v4, v1  }
.Ltmp48:
0x239: {  	[tilespmem:s17+$0xCF20] =	vst v3;
	v2 =	vmul.f32 v2, v1;
	(pc) =	sbr.rel @!p2 .LBB2_57-.Ltmp48, $4  }
0x23a: {  	[tilespmem:s17+$0xCF30] =	vst v4;
	v3 =	vmul.f32 v5, v1  }
0x23b: {  	[tilespmem:s17+$0xCF40] =	vst v2;
	v1 =	vmul.f32 v63, v1  }
0x23c: {  	[tilespmem:s17+$0xCF50] =	vst v3  }
0x23d: {  	[tilespmem:s17+$0xCF60] =	vst v1  }
0x23e: {  	v4 =	vld [tilespmem:s16+$0x7F0]  }
0x23f: {  	v6 =	vld [tilespmem:s16+$0x780]  }
0x240: {  	v7 =	vld [tilespmem:s16+$0x790];
	p2 =	por $0x1, $0x1  }
.Ltmp49:
0x241: {  	v2 =	vld [tilespmem:s16+$0x7A0];
	(pc) =	sbr.rel @!p2 .LBB2_60-.Ltmp49, $4  }
0x242: {  	v3 =	vld [tilespmem:s16+$0x7B0]  }
0x243: {  	v1 =	vld [tilespmem:s16+$0x7C0];
	v8 =	vmul.f32 v4, v0  }
0x244: {  	v4 =	vld [tilespmem:s16+$0x7D0];
	v6 =	vmul.f32 v6, v0  }
0x245: {  	v5 =	vld [tilespmem:s16+$0x7E0];
	s17 =	simm.s32 $0x400;
	s18 =	simm.s32 $0x2000;
	p1 =	por $0x1, $0x1;
	v7 =	vmul.f32 v7, v0;
	[tilespmem:s16+$0xCFF0] =	vst v8  }
.LBB2_59:
0x246: {  	p2 =	sne.s32 s18, $0xC000;
	v8 =	vld [tilespmem:s17+$0x7F0];
	[tilespmem:s16+$0xCF80] =	vst v6;
	v2 =	vmul.f32 v2, v0  }
0x247: {  	v3 =	vmul.f32 v3, v0;
	v6 =	vld [tilespmem:s17+$0x780];
	[tilespmem:s16+$0xCF90] =	vst v7  }
0x248: {  	v1 =	vmul.f32 v1, v0;
	v7 =	vld [tilespmem:s17+$0x790];
	[tilespmem:s16+$0xCFA0] =	vst v2  }
.Ltmp50:
0x249: {  	v4 =	vmul.f32 v4, v0;
	v2 =	vld [tilespmem:s17+$0x7A0];
	[tilespmem:s16+$0xCFB0] =	vst v3;
	(pc) =	sbr.rel @p2 .LBB2_59-.Ltmp50, $4  }
0x24a: {  	v5 =	vmul.f32 v5, v0;
	v3 =	vld [tilespmem:s17+$0x7B0];
	[tilespmem:s16+$0xCFC0] =	vst v1  }
0x24b: {  	v1 =	vld [tilespmem:s17+$0x7C0];
	v8 =	vmul.f32 v8, v0;
	[tilespmem:s16+$0xCFD0] =	vst v4  }
0x24c: {  	v6 =	vmul.f32 v6, v0;
	v4 =	vld [tilespmem:s17+$0x7D0];
	[tilespmem:s16+$0xCFE0] =	vst v5;
	s16 =	smov.u32 s17  }
0x24d: {  	s17 =	sshra.s32 s18, $0x2;
	s18 =	sadd.s32 $0x1000, s18;
	v7 =	vmul.f32 v7, v0;
	v5 =	vld [tilespmem:s16+$0x7E0];
	[tilespmem:s16+$0xCFF0] =	vst v8  }
.Ltmp51:
0x24e: {  	_ = 	snop;
	(pc) =	sbr.rel .LBB2_60-.Ltmp51, $1  }
0x24f: {  	_ =	sdelay $0x3  }
.LBB2_41:
.Ltmp52:
0x250: {  	(pc) =	sbr.rel .LBB2_44-.Ltmp52, $2  }
0x251: {  	_ =	sdelay $0x2  }
0x252: {  	s17 =	simm.s32 $0x0  }
.LBB2_49:
.Ltmp53:
0x253: {  	(pc) =	sbr.rel .LBB2_52-.Ltmp53, $2  }
0x254: {  	_ =	sdelay $0x2  }
0x255: {  	s17 =	simm.s32 $0x0  }
.LBB2_38:
.Ltmp54:
0x256: {  	(pc) =	sbr.rel .LBB2_40-.Ltmp54, $2  }
0x257: {  	_ =	sdelay $0x2  }
0x258: {  	s18 =	simm.s32 $0x0  }
.LBB2_46:
.Ltmp55:
0x259: {  	(pc) =	sbr.rel .LBB2_48-.Ltmp55, $2  }
0x25a: {  	_ =	sdelay $0x2  }
0x25b: {  	s18 =	simm.s32 $0x0  }
.LBB2_54:
.Ltmp56:
0x25c: {  	(pc) =	sbr.rel .LBB2_56-.Ltmp56, $2  }
0x25d: {  	_ =	sdelay $0x2  }
0x25e: {  	s18 =	simm.s32 $0x0  }
.LBB2_62:
0x25f: {  	_ =	sfence.sel $0x180000  }
0x260: {  	[bflag:$0x0] =	sbarrier.arrive $0xFFFF  }
0x261: {  	p0 =	sne.s32 s0, $0x0;
	_ =	strace $0x90000047  }
0x262: {  	s0 =	sadd.s32 @!p0 $0x100000, s2;
	[bflag:$0x2] =	sbarrier.arrive $0xFFFF  }
0x263: {  	[sflag:s0] =	ssyncadd.tile.s32 @!p0 $0x1;
	_ =	shalt  }
.Lfunc_end2:
_tile_overlayer_lowered:
.L_overlay_start_2:
0x264: {  	(tag) =	ssettag $0x2  }
0x265: {  	s0 =	rddreg [dreg:$0x0];
	s2 =	stileid.u32  }
0x266: {  	s1 =	rddreg [dreg:$0x1];
	p0 =	sne.s32 s2, $0x0  }
0x267: {  	s3 =	rddreg [dreg:$0x2];
	[bflag:$0x3] =	sbarrier.arrive $0xFFFF;
	s2 =	simm.s32 @!p0 $0x1C01  }
0x268: {  	[timem:s3], [sflag:s2] =	dma.local @!p0 [hbm:s0], s1  }
0x269: {  	s0 =	simm.s32 @!p0 $0x1  }
0x26a: {  	_ =	swait.ge @!p0 [sflag:s0], s1  }
0x26b: {  	s1 =	ssub.s32 @!p0 $0x0, s1;
	[sflag:s0] =	ssyncset.done @!p0 $0x0  }
0x26c: {  	[sflag:s0] =	ssyncadd.s32 @!p0 s1  }
0x26d: {  	[bflag:$0x3] =	sbarrier.arrive $0xFFFF  }
0x26e: {  	_ =	shalt  }

</sc_bundles>
